<compile_context>
chip_gen: v7x
topology: tpu7x:2x2x1
jax: 0.10.2.dev20260603
libtpu: 0.0.44.dev20260713+nightly
codegen_flags: <defaults>
</compile_context>

<pallas_src>
import jax
import jax.numpy as jnp
from jax import lax
from jax.experimental import pallas as pl
from jax.experimental.pallas import tpu as pltpu, tpu_sc as plsc

_INFO = plsc.get_sparse_core_info()
_NC, _NS, _L = _INFO.num_cores, _INFO.num_subcores, _INFO.num_lanes
_NW = _NC * _NS

_ROWS, _COLS = 4096, 2048
_N = _ROWS * _COLS

_SC_ROWS = 2048
_ROWS_W = _SC_ROWS // _NW
_CROWS = 8
_NCHUNK = _ROWS_W // _CROWS

_TC_ROWS = _ROWS - _SC_ROWS
_TC_BR = 256
_TC_NB = _TC_ROWS // _TC_BR


def _sc_body(x_hbm, t_hbm, w_hbm, out_hbm, xb, tb, wv, accv, sems, wsem):
    wid = lax.axis_index("s") * _NC + lax.axis_index("c")
    row0 = wid * _ROWS_W

    pltpu.async_copy(w_hbm, wv, wsem).wait()

    def start(g, buf):
        r = row0 + g * _CROWS
        cx = pltpu.async_copy(x_hbm.at[pl.ds(r, _CROWS)], xb.at[buf],
                              sems.at[buf])
        ct = pltpu.async_copy(t_hbm.at[pl.ds(r, _CROWS)], tb.at[buf],
                              sems.at[buf])
        return cx, ct

    pend = start(0, 0)
    accs = (jnp.zeros((_L,), jnp.float32),) * _CROWS

    for g in range(_NCHUNK):
        buf = g % 2
        if g + 1 < _NCHUNK:
            nxt = start(g + 1, (g + 1) % 2)
        pend[0].wait()
        pend[1].wait()

        def body(i, accs, buf=buf):
            c = i * _L
            new = []
            for r in range(_CROWS):
                x = xb[buf, r, pl.ds(c, _L)]
                t = tb[buf, r, pl.ds(c, _L)]
                w = plsc.load_gather(wv, [t])
                d = x - t.astype(jnp.float32)
                new.append(accs[r] + w * (d * d))
            return tuple(new)

        accs = lax.fori_loop(0, _COLS // _L, body, accs)
        if g + 1 < _NCHUNK:
            pend = nxt

    acc = accs[0]
    for r in range(1, _CROWS):
        acc = acc + accs[r]
    accv[...] = acc
    pltpu.sync_copy(accv, out_hbm.at[wid])


def _sc_partials(inputs, targets, weight):
    return pl.kernel(
        _sc_body,
        out_type=jax.ShapeDtypeStruct((_NW, _L), jnp.float32),
        mesh=plsc.VectorSubcoreMesh(core_axis_name="c", subcore_axis_name="s"),
        compiler_params=pltpu.CompilerParams(needs_layout_passes=False),
        scratch_types=[
            pltpu.VMEM((2, _CROWS, _COLS), jnp.float32),
            pltpu.VMEM((2, _CROWS, _COLS), jnp.int32),
            pltpu.VMEM((_L,), jnp.float32),
            pltpu.VMEM((_L,), jnp.float32),
            pltpu.SemaphoreType.DMA((2,)),
            pltpu.SemaphoreType.DMA,
        ],
    )(inputs, targets, weight)


def _tc_body(w_smem, x_ref, t_ref, out_smem):
    j = pl.program_id(0)
    x = x_ref[...]
    t = t_ref[...]
    d = x - t.astype(jnp.float32)
    d2 = d * d
    bits = [(t >> k) & 1 == 1 for k in range(4)]
    cur = [jnp.where(bits[0], w_smem[2 * i + 1], w_smem[2 * i])
           for i in range(8)]
    for k in range(1, 4):
        cur = [jnp.where(bits[k], cur[2 * i + 1], cur[2 * i])
               for i in range(len(cur) // 2)]
    s = jnp.sum(cur[0] * d2)

    @pl.when(j == 0)
    def _():
        out_smem[0] = 0.0

    out_smem[0] += s


def _tc_partial(inputs, targets, weight):
    return pl.pallas_call(
        _tc_body,
        grid=(_TC_NB,),
        in_specs=[
            pl.BlockSpec(memory_space=pltpu.SMEM),
            pl.BlockSpec((_TC_BR, _COLS),
                         lambda j: (_SC_ROWS // _TC_BR + j, 0)),
            pl.BlockSpec((_TC_BR, _COLS),
                         lambda j: (_SC_ROWS // _TC_BR + j, 0)),
        ],
        out_specs=pl.BlockSpec(memory_space=pltpu.SMEM),
        out_shape=jax.ShapeDtypeStruct((1,), jnp.float32),
        compiler_params=pltpu.CompilerParams(
            dimension_semantics=("arbitrary",)),
    )(weight, inputs, targets)


@jax.jit
def kernel(inputs, targets, weight):
    sc = _sc_partials(inputs, targets, weight)
    tc = _tc_partial(inputs, targets, weight)
    return (jnp.sum(sc) + tc[0]) * (1.0 / _N)

# --- scband reference (transcript-rebuilt; emitter-appended) ---
"""Pipeline reference for scband-weighted-mse-3839700763071 (READ-ONLY COPY).

The authoritative reference and input builder live on the scoring server;
editing this copy changes nothing except your own understanding.
"""

import jax, jax.numpy as jnp
import numpy as np

NUM_CLASSES = 16


def setup_inputs(seed: int = 0) -> dict:
    key = jax.random.key(seed)
    k1, k2 = jax.random.split(key)
    inputs = jax.random.normal(k1, (4096, 2048), dtype=jnp.float32)
    targets = jax.random.randint(k2, (4096, 2048), 0, NUM_CLASSES, dtype=jnp.int32)
    weight = jnp.asarray([0.5, 1.0, 1.5, 2.0, 2.5, 3.0, 3.5, 4.0, 4.5, 5.0, 5.5, 6.0, 6.5, 7.0, 7.5, 8.0], dtype=jnp.float32)
    return {"inputs": inputs, "targets": targets, "weight": weight}


def reference(inputs, targets, weight):
    # weighted MSE: mean( weight[targets] * (inputs - targets)^2 )
    w = jnp.take(weight, targets, axis=0)  # gather per-element class weight
    diff = inputs - targets.astype(inputs.dtype)
    return jnp.mean(w * diff * diff)

if __name__ == "__main__":
    import jax
    _d = setup_inputs()
    print(jax.jit(kernel)(*tuple(_d.values())))

</pallas_src>

<mosaic_0001>
#map = affine_map<(d0, d1) -> (0, 0)>
#map1 = affine_map<(d0, d1) -> (0)>
module attributes {stable_mosaic.version = 14 : i64} {
  func.func @_sc_body(%arg0: i32, %arg1: i32, %arg2: memref<4096x2048xf32, #tpu.memory_space<hbm>>, %arg3: memref<4096x2048xi32, #tpu.memory_space<hbm>>, %arg4: memref<16xf32, #tpu.memory_space<hbm>>, %arg5: memref<32x16xf32, #tpu.memory_space<hbm>>, %arg6: memref<2x8x2048xf32, #tpu.memory_space<vmem>>, %arg7: memref<2x8x2048xi32, #tpu.memory_space<vmem>>, %arg8: memref<16xf32, #tpu.memory_space<vmem>>, %arg9: memref<16xf32, #tpu.memory_space<vmem>>, %arg10: memref<2x!tpu.dma_semaphore, #tpu.memory_space<semaphore_mem>>, %arg11: memref<!tpu.dma_semaphore, #tpu.memory_space<semaphore_mem>>) attributes {dimension_semantics = [#tpu.dimension_semantics<core_parallel>, #tpu.dimension_semantics<subcore_parallel>], iteration_bounds = array<i64: 2, 16>, scalar_prefetch = 0 : i64, scratch_operands = 6 : i64, tpu.core_type = #tpu.core_type<sc_vector_subcore>, window_params = [{transform_indices = #map}, {transform_indices = #map}, {transform_indices = #map1}, {transform_indices = #map}]} {
    %mul3A = arith.constant 2 : i32
    %mul3A_0 = arith.muli %arg1, %mul3A : i32
    %add3A = arith.addi %mul3A_0, %arg0 : i32
    %mul3A_1 = arith.constant 64 : i32
    %mul3A_2 = arith.muli %add3A, %mul3A_1 : i32
    tpu.enqueue_dma source(%arg4 : memref<16xf32, #tpu.memory_space<hbm>>) target(%arg8 : memref<16xf32, #tpu.memory_space<vmem>>) target_semaphore(%arg11 : memref<!tpu.dma_semaphore, #tpu.memory_space<semaphore_mem>>)
    tpu.wait_dma2 semaphore(%arg11 : memref<!tpu.dma_semaphore, #tpu.memory_space<semaphore_mem>>) src(%arg4 : memref<16xf32, #tpu.memory_space<hbm>>) dst(%arg8 : memref<16xf32, #tpu.memory_space<vmem>>)
    %add3A_3 = arith.constant 0 : i32
    %add3A_4 = arith.addi %mul3A_2, %add3A_3 : i32
    %dma_start3A = arith.constant 0 : i32
    %dma_start3A_5 = arith.constant 0 : i32
    %dma_start3A_6 = arith.constant 0 : i32
    %dma_start3A_7 = arith.constant 0 : i32
    %dma_start3A_8 = tpu.memref_slice %arg6[%dma_start3A, %dma_start3A_6, %dma_start3A_7] : memref<2x8x2048xf32, #tpu.memory_space<vmem>> -> memref<1x8x2048xf32, #tpu.memory_space<vmem>>
    %dma_start3A_9 = tpu.memref_squeeze %dma_start3A_8 : memref<1x8x2048xf32, #tpu.memory_space<vmem>> -> memref<8x2048xf32, #tpu.memory_space<vmem>>
    %dma_start3A_10 = arith.constant 0 : i32
    %dma_start3A_11 = tpu.memref_slice %arg2[%add3A_4, %dma_start3A_10] : memref<4096x2048xf32, #tpu.memory_space<hbm>> -> memref<8x2048xf32, #tpu.memory_space<hbm>>
    %dma_start3A_12 = tpu.memref_slice %arg10[%dma_start3A_5] : memref<2x!tpu.dma_semaphore, #tpu.memory_space<semaphore_mem>> -> memref<1x!tpu.dma_semaphore, #tpu.memory_space<semaphore_mem>>
    %dma_start3A_13 = tpu.memref_squeeze %dma_start3A_12 : memref<1x!tpu.dma_semaphore, #tpu.memory_space<semaphore_mem>> -> memref<!tpu.dma_semaphore, #tpu.memory_space<semaphore_mem>>
    %dma_start3A_14 = arith.constant 0 : i32
    %dma_start3A_15 = arith.constant 0 : i32
    %dma_start3A_16 = tpu.memref_slice %arg6[%dma_start3A, %dma_start3A_14, %dma_start3A_15] : memref<2x8x2048xf32, #tpu.memory_space<vmem>> -> memref<1x8x2048xf32, #tpu.memory_space<vmem>>
    %dma_start3A_17 = tpu.memref_squeeze %dma_start3A_16 : memref<1x8x2048xf32, #tpu.memory_space<vmem>> -> memref<8x2048xf32, #tpu.memory_space<vmem>>
    %dma_start3A_18 = arith.constant 0 : i32
    %dma_start3A_19 = tpu.memref_slice %arg2[%add3A_4, %dma_start3A_18] : memref<4096x2048xf32, #tpu.memory_space<hbm>> -> memref<8x2048xf32, #tpu.memory_space<hbm>>
    tpu.enqueue_dma source(%dma_start3A_19 : memref<8x2048xf32, #tpu.memory_space<hbm>>) target(%dma_start3A_17 : memref<8x2048xf32, #tpu.memory_space<vmem>>) target_semaphore(%dma_start3A_13 : memref<!tpu.dma_semaphore, #tpu.memory_space<semaphore_mem>>)
    %dma_start3A_20 = arith.constant 0 : i32
    %dma_start3A_21 = arith.constant 0 : i32
    %dma_start3A_22 = arith.constant 0 : i32
    %dma_start3A_23 = arith.constant 0 : i32
    %dma_start3A_24 = tpu.memref_slice %arg7[%dma_start3A_20, %dma_start3A_22, %dma_start3A_23] : memref<2x8x2048xi32, #tpu.memory_space<vmem>> -> memref<1x8x2048xi32, #tpu.memory_space<vmem>>
    %dma_start3A_25 = tpu.memref_squeeze %dma_start3A_24 : memref<1x8x2048xi32, #tpu.memory_space<vmem>> -> memref<8x2048xi32, #tpu.memory_space<vmem>>
    %dma_start3A_26 = arith.constant 0 : i32
    %dma_start3A_27 = tpu.memref_slice %arg3[%add3A_4, %dma_start3A_26] : memref<4096x2048xi32, #tpu.memory_space<hbm>> -> memref<8x2048xi32, #tpu.memory_space<hbm>>
    %dma_start3A_28 = tpu.memref_slice %arg10[%dma_start3A_21] : memref<2x!tpu.dma_semaphore, #tpu.memory_space<semaphore_mem>> -> memref<1x!tpu.dma_semaphore, #tpu.memory_space<semaphore_mem>>
    %dma_start3A_29 = tpu.memref_squeeze %dma_start3A_28 : memref<1x!tpu.dma_semaphore, #tpu.memory_space<semaphore_mem>> -> memref<!tpu.dma_semaphore, #tpu.memory_space<semaphore_mem>>
    %dma_start3A_30 = arith.constant 0 : i32
    %dma_start3A_31 = arith.constant 0 : i32
    %dma_start3A_32 = tpu.memref_slice %arg7[%dma_start3A_20, %dma_start3A_30, %dma_start3A_31] : memref<2x8x2048xi32, #tpu.memory_space<vmem>> -> memref<1x8x2048xi32, #tpu.memory_space<vmem>>
    %dma_start3A_33 = tpu.memref_squeeze %dma_start3A_32 : memref<1x8x2048xi32, #tpu.memory_space<vmem>> -> memref<8x2048xi32, #tpu.memory_space<vmem>>
    %dma_start3A_34 = arith.constant 0 : i32
    %dma_start3A_35 = tpu.memref_slice %arg3[%add3A_4, %dma_start3A_34] : memref<4096x2048xi32, #tpu.memory_space<hbm>> -> memref<8x2048xi32, #tpu.memory_space<hbm>>
    tpu.enqueue_dma source(%dma_start3A_35 : memref<8x2048xi32, #tpu.memory_space<hbm>>) target(%dma_start3A_33 : memref<8x2048xi32, #tpu.memory_space<vmem>>) target_semaphore(%dma_start3A_29 : memref<!tpu.dma_semaphore, #tpu.memory_space<semaphore_mem>>)
    %broadcast_in_dim3A = arith.constant 0.000000e+00 : f32
    %broadcast_in_dim3A_36 = vector.broadcast %broadcast_in_dim3A : f32 to vector<16xf32>
    %add3A_37 = arith.constant 8 : i32
    %add3A_38 = arith.addi %mul3A_2, %add3A_37 : i32
    %dma_start3A_39 = arith.constant 1 : i32
    %dma_start3A_40 = arith.constant 1 : i32
    %dma_start3A_41 = arith.constant 0 : i32
    %dma_start3A_42 = arith.constant 0 : i32
    %dma_start3A_43 = tpu.memref_slice %arg6[%dma_start3A_39, %dma_start3A_41, %dma_start3A_42] : memref<2x8x2048xf32, #tpu.memory_space<vmem>> -> memref<1x8x2048xf32, #tpu.memory_space<vmem>>
    %dma_start3A_44 = tpu.memref_squeeze %dma_start3A_43 : memref<1x8x2048xf32, #tpu.memory_space<vmem>> -> memref<8x2048xf32, #tpu.memory_space<vmem>>
    %dma_start3A_45 = arith.constant 0 : i32
    %dma_start3A_46 = tpu.memref_slice %arg2[%add3A_38, %dma_start3A_45] : memref<4096x2048xf32, #tpu.memory_space<hbm>> -> memref<8x2048xf32, #tpu.memory_space<hbm>>
    %dma_start3A_47 = tpu.memref_slice %arg10[%dma_start3A_40] : memref<2x!tpu.dma_semaphore, #tpu.memory_space<semaphore_mem>> -> memref<1x!tpu.dma_semaphore, #tpu.memory_space<semaphore_mem>>
    %dma_start3A_48 = tpu.memref_squeeze %dma_start3A_47 : memref<1x!tpu.dma_semaphore, #tpu.memory_space<semaphore_mem>> -> memref<!tpu.dma_semaphore, #tpu.memory_space<semaphore_mem>>
    %dma_start3A_49 = arith.constant 0 : i32
    %dma_start3A_50 = arith.constant 0 : i32
    %dma_start3A_51 = tpu.memref_slice %arg6[%dma_start3A_39, %dma_start3A_49, %dma_start3A_50] : memref<2x8x2048xf32, #tpu.memory_space<vmem>> -> memref<1x8x2048xf32, #tpu.memory_space<vmem>>
    %dma_start3A_52 = tpu.memref_squeeze %dma_start3A_51 : memref<1x8x2048xf32, #tpu.memory_space<vmem>> -> memref<8x2048xf32, #tpu.memory_space<vmem>>
    %dma_start3A_53 = arith.constant 0 : i32
    %dma_start3A_54 = tpu.memref_slice %arg2[%add3A_38, %dma_start3A_53] : memref<4096x2048xf32, #tpu.memory_space<hbm>> -> memref<8x2048xf32, #tpu.memory_space<hbm>>
    tpu.enqueue_dma source(%dma_start3A_54 : memref<8x2048xf32, #tpu.memory_space<hbm>>) target(%dma_start3A_52 : memref<8x2048xf32, #tpu.memory_space<vmem>>) target_semaphore(%dma_start3A_48 : memref<!tpu.dma_semaphore, #tpu.memory_space<semaphore_mem>>)
    %dma_start3A_55 = arith.constant 1 : i32
    %dma_start3A_56 = arith.constant 1 : i32
    %dma_start3A_57 = arith.constant 0 : i32
    %dma_start3A_58 = arith.constant 0 : i32
    %dma_start3A_59 = tpu.memref_slice %arg7[%dma_start3A_55, %dma_start3A_57, %dma_start3A_58] : memref<2x8x2048xi32, #tpu.memory_space<vmem>> -> memref<1x8x2048xi32, #tpu.memory_space<vmem>>
    %dma_start3A_60 = tpu.memref_squeeze %dma_start3A_59 : memref<1x8x2048xi32, #tpu.memory_space<vmem>> -> memref<8x2048xi32, #tpu.memory_space<vmem>>
    %dma_start3A_61 = arith.constant 0 : i32
    %dma_start3A_62 = tpu.memref_slice %arg3[%add3A_38, %dma_start3A_61] : memref<4096x2048xi32, #tpu.memory_space<hbm>> -> memref<8x2048xi32, #tpu.memory_space<hbm>>
    %dma_start3A_63 = tpu.memref_slice %arg10[%dma_start3A_56] : memref<2x!tpu.dma_semaphore, #tpu.memory_space<semaphore_mem>> -> memref<1x!tpu.dma_semaphore, #tpu.memory_space<semaphore_mem>>
    %dma_start3A_64 = tpu.memref_squeeze %dma_start3A_63 : memref<1x!tpu.dma_semaphore, #tpu.memory_space<semaphore_mem>> -> memref<!tpu.dma_semaphore, #tpu.memory_space<semaphore_mem>>
    %dma_start3A_65 = arith.constant 0 : i32
    %dma_start3A_66 = arith.constant 0 : i32
    %dma_start3A_67 = tpu.memref_slice %arg7[%dma_start3A_55, %dma_start3A_65, %dma_start3A_66] : memref<2x8x2048xi32, #tpu.memory_space<vmem>> -> memref<1x8x2048xi32, #tpu.memory_space<vmem>>
    %dma_start3A_68 = tpu.memref_squeeze %dma_start3A_67 : memref<1x8x2048xi32, #tpu.memory_space<vmem>> -> memref<8x2048xi32, #tpu.memory_space<vmem>>
    %dma_start3A_69 = arith.constant 0 : i32
    %dma_start3A_70 = tpu.memref_slice %arg3[%add3A_38, %dma_start3A_69] : memref<4096x2048xi32, #tpu.memory_space<hbm>> -> memref<8x2048xi32, #tpu.memory_space<hbm>>
    tpu.enqueue_dma source(%dma_start3A_70 : memref<8x2048xi32, #tpu.memory_space<hbm>>) target(%dma_start3A_68 : memref<8x2048xi32, #tpu.memory_space<vmem>>) target_semaphore(%dma_start3A_64 : memref<!tpu.dma_semaphore, #tpu.memory_space<semaphore_mem>>)
    %dma_wait3A = arith.constant 0 : i32
    %dma_wait3A_71 = arith.constant 0 : i32
    %dma_wait3A_72 = arith.constant 0 : i32
    %dma_wait3A_73 = arith.constant 0 : i32
    %dma_wait3A_74 = tpu.memref_slice %arg6[%dma_wait3A, %dma_wait3A_72, %dma_wait3A_73] : memref<2x8x2048xf32, #tpu.memory_space<vmem>> -> memref<1x8x2048xf32, #tpu.memory_space<vmem>>
    %dma_wait3A_75 = tpu.memref_squeeze %dma_wait3A_74 : memref<1x8x2048xf32, #tpu.memory_space<vmem>> -> memref<8x2048xf32, #tpu.memory_space<vmem>>
    %dma_wait3A_76 = arith.constant 0 : i32
    %dma_wait3A_77 = tpu.memref_slice %arg2[%add3A_4, %dma_wait3A_76] : memref<4096x2048xf32, #tpu.memory_space<hbm>> -> memref<8x2048xf32, #tpu.memory_space<hbm>>
    %dma_wait3A_78 = tpu.memref_slice %arg10[%dma_wait3A_71] : memref<2x!tpu.dma_semaphore, #tpu.memory_space<semaphore_mem>> -> memref<1x!tpu.dma_semaphore, #tpu.memory_space<semaphore_mem>>
    %dma_wait3A_79 = tpu.memref_squeeze %dma_wait3A_78 : memref<1x!tpu.dma_semaphore, #tpu.memory_space<semaphore_mem>> -> memref<!tpu.dma_semaphore, #tpu.memory_space<semaphore_mem>>
    %dma_wait3A_80 = arith.constant 0 : i32
    %dma_wait3A_81 = arith.constant 0 : i32
    %dma_wait3A_82 = tpu.memref_slice %arg6[%dma_wait3A, %dma_wait3A_80, %dma_wait3A_81] : memref<2x8x2048xf32, #tpu.memory_space<vmem>> -> memref<1x8x2048xf32, #tpu.memory_space<vmem>>
    %dma_wait3A_83 = tpu.memref_squeeze %dma_wait3A_82 : memref<1x8x2048xf32, #tpu.memory_space<vmem>> -> memref<8x2048xf32, #tpu.memory_space<vmem>>
    %dma_wait3A_84 = arith.constant 0 : i32
    %dma_wait3A_85 = tpu.memref_slice %arg2[%add3A_4, %dma_wait3A_84] : memref<4096x2048xf32, #tpu.memory_space<hbm>> -> memref<8x2048xf32, #tpu.memory_space<hbm>>
    tpu.wait_dma2 semaphore(%dma_wait3A_79 : memref<!tpu.dma_semaphore, #tpu.memory_space<semaphore_mem>>) src(%dma_wait3A_85 : memref<8x2048xf32, #tpu.memory_space<hbm>>) dst(%dma_wait3A_83 : memref<8x2048xf32, #tpu.memory_space<vmem>>)
    %dma_wait3A_86 = arith.constant 0 : i32
    %dma_wait3A_87 = arith.constant 0 : i32
    %dma_wait3A_88 = arith.constant 0 : i32
    %dma_wait3A_89 = arith.constant 0 : i32
    %dma_wait3A_90 = tpu.memref_slice %arg7[%dma_wait3A_86, %dma_wait3A_88, %dma_wait3A_89] : memref<2x8x2048xi32, #tpu.memory_space<vmem>> -> memref<1x8x2048xi32, #tpu.memory_space<vmem>>
    %dma_wait3A_91 = tpu.memref_squeeze %dma_wait3A_90 : memref<1x8x2048xi32, #tpu.memory_space<vmem>> -> memref<8x2048xi32, #tpu.memory_space<vmem>>
    %dma_wait3A_92 = arith.constant 0 : i32
    %dma_wait3A_93 = tpu.memref_slice %arg3[%add3A_4, %dma_wait3A_92] : memref<4096x2048xi32, #tpu.memory_space<hbm>> -> memref<8x2048xi32, #tpu.memory_space<hbm>>
    %dma_wait3A_94 = tpu.memref_slice %arg10[%dma_wait3A_87] : memref<2x!tpu.dma_semaphore, #tpu.memory_space<semaphore_mem>> -> memref<1x!tpu.dma_semaphore, #tpu.memory_space<semaphore_mem>>
    %dma_wait3A_95 = tpu.memref_squeeze %dma_wait3A_94 : memref<1x!tpu.dma_semaphore, #tpu.memory_space<semaphore_mem>> -> memref<!tpu.dma_semaphore, #tpu.memory_space<semaphore_mem>>
    %dma_wait3A_96 = arith.constant 0 : i32
    %dma_wait3A_97 = arith.constant 0 : i32
    %dma_wait3A_98 = tpu.memref_slice %arg7[%dma_wait3A_86, %dma_wait3A_96, %dma_wait3A_97] : memref<2x8x2048xi32, #tpu.memory_space<vmem>> -> memref<1x8x2048xi32, #tpu.memory_space<vmem>>
    %dma_wait3A_99 = tpu.memref_squeeze %dma_wait3A_98 : memref<1x8x2048xi32, #tpu.memory_space<vmem>> -> memref<8x2048xi32, #tpu.memory_space<vmem>>
    %dma_wait3A_100 = arith.constant 0 : i32
    %dma_wait3A_101 = tpu.memref_slice %arg3[%add3A_4, %dma_wait3A_100] : memref<4096x2048xi32, #tpu.memory_space<hbm>> -> memref<8x2048xi32, #tpu.memory_space<hbm>>
    tpu.wait_dma2 semaphore(%dma_wait3A_95 : memref<!tpu.dma_semaphore, #tpu.memory_space<semaphore_mem>>) src(%dma_wait3A_101 : memref<8x2048xi32, #tpu.memory_space<hbm>>) dst(%dma_wait3A_99 : memref<8x2048xi32, #tpu.memory_space<vmem>>)
    %scan3A = arith.constant 0 : i32
    %scan3A_102 = arith.constant 128 : i32
    %scan3A_103 = arith.addi %scan3A, %scan3A_102 : i32
    %scan3A_104 = arith.constant 1 : i32
    %scan3A_105:8 = scf.for %scan3A_585 = %scan3A to %scan3A_103 step %scan3A_104 iter_args(%scan3A_586 = %broadcast_in_dim3A_36, %scan3A_587 = %broadcast_in_dim3A_36, %scan3A_588 = %broadcast_in_dim3A_36, %scan3A_589 = %broadcast_in_dim3A_36, %scan3A_590 = %broadcast_in_dim3A_36, %scan3A_591 = %broadcast_in_dim3A_36, %scan3A_592 = %broadcast_in_dim3A_36, %scan3A_593 = %broadcast_in_dim3A_36) -> (vector<16xf32>, vector<16xf32>, vector<16xf32>, vector<16xf32>, vector<16xf32>, vector<16xf32>, vector<16xf32>, vector<16xf32>)  : i32 {
      %mul3A_594 = arith.constant 16 : i32
      %mul3A_595 = arith.muli %scan3A_585, %mul3A_594 : i32
      %get3A = arith.constant 0 : i32
      %get3A_596 = arith.constant 0 : i32
      %get3A_597 = arith.index_cast %get3A : i32 to index
      %get3A_598 = arith.index_cast %get3A_596 : i32 to index
      %get3A_599 = arith.index_cast %mul3A_595 : i32 to index
      %get3A_600 = tpu.vector_load %arg6[%get3A_597, %get3A_598, %get3A_599] {strides = array<i32>} : memref<2x8x2048xf32, #tpu.memory_space<vmem>>, vector<16xf32>,
      %get3A_601 = arith.constant 0 : i32
      %get3A_602 = arith.constant 0 : i32
      %get3A_603 = arith.index_cast %get3A_601 : i32 to index
      %get3A_604 = arith.index_cast %get3A_602 : i32 to index
      %get3A_605 = arith.index_cast %mul3A_595 : i32 to index
      %get3A_606 = tpu.vector_load %arg7[%get3A_603, %get3A_604, %get3A_605] {strides = array<i32>} : memref<2x8x2048xi32, #tpu.memory_space<vmem>>, vector<16xi32>,
      %gather3A = tpu.vector_load_idx %arg8[%get3A_606] : memref<16xf32, #tpu.memory_space<vmem>>[vector<16xi32>], vector<16xf32>,
      %convert_element_type3A = arith.sitofp %get3A_606 : vector<16xi32> to vector<16xf32>
      %sub3A = arith.subf %get3A_600, %convert_element_type3A : vector<16xf32>
      %mul3A_607 = arith.mulf %sub3A, %sub3A : vector<16xf32>
      %mul3A_608 = arith.mulf %gather3A, %mul3A_607 : vector<16xf32>
      %add3A_609 = arith.addf %scan3A_586, %mul3A_608 : vector<16xf32>
      %get3A_610 = arith.constant 0 : i32
      %get3A_611 = arith.constant 1 : i32
      %get3A_612 = arith.index_cast %get3A_610 : i32 to index
      %get3A_613 = arith.index_cast %get3A_611 : i32 to index
      %get3A_614 = arith.index_cast %mul3A_595 : i32 to index
      %get3A_615 = tpu.vector_load %arg6[%get3A_612, %get3A_613, %get3A_614] {strides = array<i32>} : memref<2x8x2048xf32, #tpu.memory_space<vmem>>, vector<16xf32>,
      %get3A_616 = arith.constant 0 : i32
      %get3A_617 = arith.constant 1 : i32
      %get3A_618 = arith.index_cast %get3A_616 : i32 to index
      %get3A_619 = arith.index_cast %get3A_617 : i32 to index
      %get3A_620 = arith.index_cast %mul3A_595 : i32 to index
      %get3A_621 = tpu.vector_load %arg7[%get3A_618, %get3A_619, %get3A_620] {strides = array<i32>} : memref<2x8x2048xi32, #tpu.memory_space<vmem>>, vector<16xi32>,
      %gather3A_622 = tpu.vector_load_idx %arg8[%get3A_621] : memref<16xf32, #tpu.memory_space<vmem>>[vector<16xi32>], vector<16xf32>,
      %convert_element_type3A_623 = arith.sitofp %get3A_621 : vector<16xi32> to vector<16xf32>
      %sub3A_624 = arith.subf %get3A_615, %convert_element_type3A_623 : vector<16xf32>
      %mul3A_625 = arith.mulf %sub3A_624, %sub3A_624 : vector<16xf32>
      %mul3A_626 = arith.mulf %gather3A_622, %mul3A_625 : vector<16xf32>
      %add3A_627 = arith.addf %scan3A_587, %mul3A_626 : vector<16xf32>
      %get3A_628 = arith.constant 0 : i32
      %get3A_629 = arith.constant 2 : i32
      %get3A_630 = arith.index_cast %get3A_628 : i32 to index
      %get3A_631 = arith.index_cast %get3A_629 : i32 to index
      %get3A_632 = arith.index_cast %mul3A_595 : i32 to index
      %get3A_633 = tpu.vector_load %arg6[%get3A_630, %get3A_631, %get3A_632] {strides = array<i32>} : memref<2x8x2048xf32, #tpu.memory_space<vmem>>, vector<16xf32>,
      %get3A_634 = arith.constant 0 : i32
      %get3A_635 = arith.constant 2 : i32
      %get3A_636 = arith.index_cast %get3A_634 : i32 to index
      %get3A_637 = arith.index_cast %get3A_635 : i32 to index
      %get3A_638 = arith.index_cast %mul3A_595 : i32 to index
      %get3A_639 = tpu.vector_load %arg7[%get3A_636, %get3A_637, %get3A_638] {strides = array<i32>} : memref<2x8x2048xi32, #tpu.memory_space<vmem>>, vector<16xi32>,
      %gather3A_640 = tpu.vector_load_idx %arg8[%get3A_639] : memref<16xf32, #tpu.memory_space<vmem>>[vector<16xi32>], vector<16xf32>,
      %convert_element_type3A_641 = arith.sitofp %get3A_639 : vector<16xi32> to vector<16xf32>
      %sub3A_642 = arith.subf %get3A_633, %convert_element_type3A_641 : vector<16xf32>
      %mul3A_643 = arith.mulf %sub3A_642, %sub3A_642 : vector<16xf32>
      %mul3A_644 = arith.mulf %gather3A_640, %mul3A_643 : vector<16xf32>
      %add3A_645 = arith.addf %scan3A_588, %mul3A_644 : vector<16xf32>
      %get3A_646 = arith.constant 0 : i32
      %get3A_647 = arith.constant 3 : i32
      %get3A_648 = arith.index_cast %get3A_646 : i32 to index
      %get3A_649 = arith.index_cast %get3A_647 : i32 to index
      %get3A_650 = arith.index_cast %mul3A_595 : i32 to index
      %get3A_651 = tpu.vector_load %arg6[%get3A_648, %get3A_649, %get3A_650] {strides = array<i32>} : memref<2x8x2048xf32, #tpu.memory_space<vmem>>, vector<16xf32>,
      %get3A_652 = arith.constant 0 : i32
      %get3A_653 = arith.constant 3 : i32
      %get3A_654 = arith.index_cast %get3A_652 : i32 to index
      %get3A_655 = arith.index_cast %get3A_653 : i32 to index
      %get3A_656 = arith.index_cast %mul3A_595 : i32 to index
      %get3A_657 = tpu.vector_load %arg7[%get3A_654, %get3A_655, %get3A_656] {strides = array<i32>} : memref<2x8x2048xi32, #tpu.memory_space<vmem>>, vector<16xi32>,
      %gather3A_658 = tpu.vector_load_idx %arg8[%get3A_657] : memref<16xf32, #tpu.memory_space<vmem>>[vector<16xi32>], vector<16xf32>,
      %convert_element_type3A_659 = arith.sitofp %get3A_657 : vector<16xi32> to vector<16xf32>
      %sub3A_660 = arith.subf %get3A_651, %convert_element_type3A_659 : vector<16xf32>
      %mul3A_661 = arith.mulf %sub3A_660, %sub3A_660 : vector<16xf32>
      %mul3A_662 = arith.mulf %gather3A_658, %mul3A_661 : vector<16xf32>
      %add3A_663 = arith.addf %scan3A_589, %mul3A_662 : vector<16xf32>
      %get3A_664 = arith.constant 0 : i32
      %get3A_665 = arith.constant 4 : i32
      %get3A_666 = arith.index_cast %get3A_664 : i32 to index
      %get3A_667 = arith.index_cast %get3A_665 : i32 to index
      %get3A_668 = arith.index_cast %mul3A_595 : i32 to index
      %get3A_669 = tpu.vector_load %arg6[%get3A_666, %get3A_667, %get3A_668] {strides = array<i32>} : memref<2x8x2048xf32, #tpu.memory_space<vmem>>, vector<16xf32>,
      %get3A_670 = arith.constant 0 : i32
      %get3A_671 = arith.constant 4 : i32
      %get3A_672 = arith.index_cast %get3A_670 : i32 to index
      %get3A_673 = arith.index_cast %get3A_671 : i32 to index
      %get3A_674 = arith.index_cast %mul3A_595 : i32 to index
      %get3A_675 = tpu.vector_load %arg7[%get3A_672, %get3A_673, %get3A_674] {strides = array<i32>} : memref<2x8x2048xi32, #tpu.memory_space<vmem>>, vector<16xi32>,
      %gather3A_676 = tpu.vector_load_idx %arg8[%get3A_675] : memref<16xf32, #tpu.memory_space<vmem>>[vector<16xi32>], vector<16xf32>,
      %convert_element_type3A_677 = arith.sitofp %get3A_675 : vector<16xi32> to vector<16xf32>
      %sub3A_678 = arith.subf %get3A_669, %convert_element_type3A_677 : vector<16xf32>
      %mul3A_679 = arith.mulf %sub3A_678, %sub3A_678 : vector<16xf32>
      %mul3A_680 = arith.mulf %gather3A_676, %mul3A_679 : vector<16xf32>
      %add3A_681 = arith.addf %scan3A_590, %mul3A_680 : vector<16xf32>
      %get3A_682 = arith.constant 0 : i32
      %get3A_683 = arith.constant 5 : i32
      %get3A_684 = arith.index_cast %get3A_682 : i32 to index
      %get3A_685 = arith.index_cast %get3A_683 : i32 to index
      %get3A_686 = arith.index_cast %mul3A_595 : i32 to index
      %get3A_687 = tpu.vector_load %arg6[%get3A_684, %get3A_685, %get3A_686] {strides = array<i32>} : memref<2x8x2048xf32, #tpu.memory_space<vmem>>, vector<16xf32>,
      %get3A_688 = arith.constant 0 : i32
      %get3A_689 = arith.constant 5 : i32
      %get3A_690 = arith.index_cast %get3A_688 : i32 to index
      %get3A_691 = arith.index_cast %get3A_689 : i32 to index
      %get3A_692 = arith.index_cast %mul3A_595 : i32 to index
      %get3A_693 = tpu.vector_load %arg7[%get3A_690, %get3A_691, %get3A_692] {strides = array<i32>} : memref<2x8x2048xi32, #tpu.memory_space<vmem>>, vector<16xi32>,
      %gather3A_694 = tpu.vector_load_idx %arg8[%get3A_693] : memref<16xf32, #tpu.memory_space<vmem>>[vector<16xi32>], vector<16xf32>,
      %convert_element_type3A_695 = arith.sitofp %get3A_693 : vector<16xi32> to vector<16xf32>
      %sub3A_696 = arith.subf %get3A_687, %convert_element_type3A_695 : vector<16xf32>
      %mul3A_697 = arith.mulf %sub3A_696, %sub3A_696 : vector<16xf32>
      %mul3A_698 = arith.mulf %gather3A_694, %mul3A_697 : vector<16xf32>
      %add3A_699 = arith.addf %scan3A_591, %mul3A_698 : vector<16xf32>
      %get3A_700 = arith.constant 0 : i32
      %get3A_701 = arith.constant 6 : i32
      %get3A_702 = arith.index_cast %get3A_700 : i32 to index
      %get3A_703 = arith.index_cast %get3A_701 : i32 to index
      %get3A_704 = arith.index_cast %mul3A_595 : i32 to index
      %get3A_705 = tpu.vector_load %arg6[%get3A_702, %get3A_703, %get3A_704] {strides = array<i32>} : memref<2x8x2048xf32, #tpu.memory_space<vmem>>, vector<16xf32>,
      %get3A_706 = arith.constant 0 : i32
      %get3A_707 = arith.constant 6 : i32
      %get3A_708 = arith.index_cast %get3A_706 : i32 to index
      %get3A_709 = arith.index_cast %get3A_707 : i32 to index
      %get3A_710 = arith.index_cast %mul3A_595 : i32 to index
      %get3A_711 = tpu.vector_load %arg7[%get3A_708, %get3A_709, %get3A_710] {strides = array<i32>} : memref<2x8x2048xi32, #tpu.memory_space<vmem>>, vector<16xi32>,
      %gather3A_712 = tpu.vector_load_idx %arg8[%get3A_711] : memref<16xf32, #tpu.memory_space<vmem>>[vector<16xi32>], vector<16xf32>,
      %convert_element_type3A_713 = arith.sitofp %get3A_711 : vector<16xi32> to vector<16xf32>
      %sub3A_714 = arith.subf %get3A_705, %convert_element_type3A_713 : vector<16xf32>
      %mul3A_715 = arith.mulf %sub3A_714, %sub3A_714 : vector<16xf32>
      %mul3A_716 = arith.mulf %gather3A_712, %mul3A_715 : vector<16xf32>
      %add3A_717 = arith.addf %scan3A_592, %mul3A_716 : vector<16xf32>
      %get3A_718 = arith.constant 0 : i32
      %get3A_719 = arith.constant 7 : i32
      %get3A_720 = arith.index_cast %get3A_718 : i32 to index
      %get3A_721 = arith.index_cast %get3A_719 : i32 to index
      %get3A_722 = arith.index_cast %mul3A_595 : i32 to index
      %get3A_723 = tpu.vector_load %arg6[%get3A_720, %get3A_721, %get3A_722] {strides = array<i32>} : memref<2x8x2048xf32, #tpu.memory_space<vmem>>, vector<16xf32>,
      %get3A_724 = arith.constant 0 : i32
      %get3A_725 = arith.constant 7 : i32
      %get3A_726 = arith.index_cast %get3A_724 : i32 to index
      %get3A_727 = arith.index_cast %get3A_725 : i32 to index
      %get3A_728 = arith.index_cast %mul3A_595 : i32 to index
      %get3A_729 = tpu.vector_load %arg7[%get3A_726, %get3A_727, %get3A_728] {strides = array<i32>} : memref<2x8x2048xi32, #tpu.memory_space<vmem>>, vector<16xi32>,
      %gather3A_730 = tpu.vector_load_idx %arg8[%get3A_729] : memref<16xf32, #tpu.memory_space<vmem>>[vector<16xi32>], vector<16xf32>,
      %convert_element_type3A_731 = arith.sitofp %get3A_729 : vector<16xi32> to vector<16xf32>
      %sub3A_732 = arith.subf %get3A_723, %convert_element_type3A_731 : vector<16xf32>
      %mul3A_733 = arith.mulf %sub3A_732, %sub3A_732 : vector<16xf32>
      %mul3A_734 = arith.mulf %gather3A_730, %mul3A_733 : vector<16xf32>
      %add3A_735 = arith.addf %scan3A_593, %mul3A_734 : vector<16xf32>
      scf.yield %add3A_609, %add3A_627, %add3A_645, %add3A_663, %add3A_681, %add3A_699, %add3A_717, %add3A_735 : vector<16xf32>, vector<16xf32>, vector<16xf32>, vector<16xf32>, vector<16xf32>, vector<16xf32>, vector<16xf32>, vector<16xf32>
    }
    %scan3A_106 = arith.constant 128 : i32
    %add3A_107 = arith.constant 16 : i32
    %add3A_108 = arith.addi %mul3A_2, %add3A_107 : i32
    %dma_start3A_109 = arith.constant 0 : i32
    %dma_start3A_110 = arith.constant 0 : i32
    %dma_start3A_111 = arith.constant 0 : i32
    %dma_start3A_112 = arith.constant 0 : i32
    %dma_start3A_113 = tpu.memref_slice %arg6[%dma_start3A_109, %dma_start3A_111, %dma_start3A_112] : memref<2x8x2048xf32, #tpu.memory_space<vmem>> -> memref<1x8x2048xf32, #tpu.memory_space<vmem>>
    %dma_start3A_114 = tpu.memref_squeeze %dma_start3A_113 : memref<1x8x2048xf32, #tpu.memory_space<vmem>> -> memref<8x2048xf32, #tpu.memory_space<vmem>>
    %dma_start3A_115 = arith.constant 0 : i32
    %dma_start3A_116 = tpu.memref_slice %arg2[%add3A_108, %dma_start3A_115] : memref<4096x2048xf32, #tpu.memory_space<hbm>> -> memref<8x2048xf32, #tpu.memory_space<hbm>>
    %dma_start3A_117 = tpu.memref_slice %arg10[%dma_start3A_110] : memref<2x!tpu.dma_semaphore, #tpu.memory_space<semaphore_mem>> -> memref<1x!tpu.dma_semaphore, #tpu.memory_space<semaphore_mem>>
    %dma_start3A_118 = tpu.memref_squeeze %dma_start3A_117 : memref<1x!tpu.dma_semaphore, #tpu.memory_space<semaphore_mem>> -> memref<!tpu.dma_semaphore, #tpu.memory_space<semaphore_mem>>
    %dma_start3A_119 = arith.constant 0 : i32
    %dma_start3A_120 = arith.constant 0 : i32
    %dma_start3A_121 = tpu.memref_slice %arg6[%dma_start3A_109, %dma_start3A_119, %dma_start3A_120] : memref<2x8x2048xf32, #tpu.memory_space<vmem>> -> memref<1x8x2048xf32, #tpu.memory_space<vmem>>
    %dma_start3A_122 = tpu.memref_squeeze %dma_start3A_121 : memref<1x8x2048xf32, #tpu.memory_space<vmem>> -> memref<8x2048xf32, #tpu.memory_space<vmem>>
    %dma_start3A_123 = arith.constant 0 : i32
    %dma_start3A_124 = tpu.memref_slice %arg2[%add3A_108, %dma_start3A_123] : memref<4096x2048xf32, #tpu.memory_space<hbm>> -> memref<8x2048xf32, #tpu.memory_space<hbm>>
    tpu.enqueue_dma source(%dma_start3A_124 : memref<8x2048xf32, #tpu.memory_space<hbm>>) target(%dma_start3A_122 : memref<8x2048xf32, #tpu.memory_space<vmem>>) target_semaphore(%dma_start3A_118 : memref<!tpu.dma_semaphore, #tpu.memory_space<semaphore_mem>>)
    %dma_start3A_125 = arith.constant 0 : i32
    %dma_start3A_126 = arith.constant 0 : i32
    %dma_start3A_127 = arith.constant 0 : i32
    %dma_start3A_128 = arith.constant 0 : i32
    %dma_start3A_129 = tpu.memref_slice %arg7[%dma_start3A_125, %dma_start3A_127, %dma_start3A_128] : memref<2x8x2048xi32, #tpu.memory_space<vmem>> -> memref<1x8x2048xi32, #tpu.memory_space<vmem>>
    %dma_start3A_130 = tpu.memref_squeeze %dma_start3A_129 : memref<1x8x2048xi32, #tpu.memory_space<vmem>> -> memref<8x2048xi32, #tpu.memory_space<vmem>>
    %dma_start3A_131 = arith.constant 0 : i32
    %dma_start3A_132 = tpu.memref_slice %arg3[%add3A_108, %dma_start3A_131] : memref<4096x2048xi32, #tpu.memory_space<hbm>> -> memref<8x2048xi32, #tpu.memory_space<hbm>>
    %dma_start3A_133 = tpu.memref_slice %arg10[%dma_start3A_126] : memref<2x!tpu.dma_semaphore, #tpu.memory_space<semaphore_mem>> -> memref<1x!tpu.dma_semaphore, #tpu.memory_space<semaphore_mem>>
    %dma_start3A_134 = tpu.memref_squeeze %dma_start3A_133 : memref<1x!tpu.dma_semaphore, #tpu.memory_space<semaphore_mem>> -> memref<!tpu.dma_semaphore, #tpu.memory_space<semaphore_mem>>
    %dma_start3A_135 = arith.constant 0 : i32
    %dma_start3A_136 = arith.constant 0 : i32
    %dma_start3A_137 = tpu.memref_slice %arg7[%dma_start3A_125, %dma_start3A_135, %dma_start3A_136] : memref<2x8x2048xi32, #tpu.memory_space<vmem>> -> memref<1x8x2048xi32, #tpu.memory_space<vmem>>
    %dma_start3A_138 = tpu.memref_squeeze %dma_start3A_137 : memref<1x8x2048xi32, #tpu.memory_space<vmem>> -> memref<8x2048xi32, #tpu.memory_space<vmem>>
    %dma_start3A_139 = arith.constant 0 : i32
    %dma_start3A_140 = tpu.memref_slice %arg3[%add3A_108, %dma_start3A_139] : memref<4096x2048xi32, #tpu.memory_space<hbm>> -> memref<8x2048xi32, #tpu.memory_space<hbm>>
    tpu.enqueue_dma source(%dma_start3A_140 : memref<8x2048xi32, #tpu.memory_space<hbm>>) target(%dma_start3A_138 : memref<8x2048xi32, #tpu.memory_space<vmem>>) target_semaphore(%dma_start3A_134 : memref<!tpu.dma_semaphore, #tpu.memory_space<semaphore_mem>>)
    %dma_wait3A_141 = arith.constant 1 : i32
    %dma_wait3A_142 = arith.constant 1 : i32
    %dma_wait3A_143 = arith.constant 0 : i32
    %dma_wait3A_144 = arith.constant 0 : i32
    %dma_wait3A_145 = tpu.memref_slice %arg6[%dma_wait3A_141, %dma_wait3A_143, %dma_wait3A_144] : memref<2x8x2048xf32, #tpu.memory_space<vmem>> -> memref<1x8x2048xf32, #tpu.memory_space<vmem>>
    %dma_wait3A_146 = tpu.memref_squeeze %dma_wait3A_145 : memref<1x8x2048xf32, #tpu.memory_space<vmem>> -> memref<8x2048xf32, #tpu.memory_space<vmem>>
    %dma_wait3A_147 = arith.constant 0 : i32
    %dma_wait3A_148 = tpu.memref_slice %arg2[%add3A_38, %dma_wait3A_147] : memref<4096x2048xf32, #tpu.memory_space<hbm>> -> memref<8x2048xf32, #tpu.memory_space<hbm>>
    %dma_wait3A_149 = tpu.memref_slice %arg10[%dma_wait3A_142] : memref<2x!tpu.dma_semaphore, #tpu.memory_space<semaphore_mem>> -> memref<1x!tpu.dma_semaphore, #tpu.memory_space<semaphore_mem>>
    %dma_wait3A_150 = tpu.memref_squeeze %dma_wait3A_149 : memref<1x!tpu.dma_semaphore, #tpu.memory_space<semaphore_mem>> -> memref<!tpu.dma_semaphore, #tpu.memory_space<semaphore_mem>>
    %dma_wait3A_151 = arith.constant 0 : i32
    %dma_wait3A_152 = arith.constant 0 : i32
    %dma_wait3A_153 = tpu.memref_slice %arg6[%dma_wait3A_141, %dma_wait3A_151, %dma_wait3A_152] : memref<2x8x2048xf32, #tpu.memory_space<vmem>> -> memref<1x8x2048xf32, #tpu.memory_space<vmem>>
    %dma_wait3A_154 = tpu.memref_squeeze %dma_wait3A_153 : memref<1x8x2048xf32, #tpu.memory_space<vmem>> -> memref<8x2048xf32, #tpu.memory_space<vmem>>
    %dma_wait3A_155 = arith.constant 0 : i32
    %dma_wait3A_156 = tpu.memref_slice %arg2[%add3A_38, %dma_wait3A_155] : memref<4096x2048xf32, #tpu.memory_space<hbm>> -> memref<8x2048xf32, #tpu.memory_space<hbm>>
    tpu.wait_dma2 semaphore(%dma_wait3A_150 : memref<!tpu.dma_semaphore, #tpu.memory_space<semaphore_mem>>) src(%dma_wait3A_156 : memref<8x2048xf32, #tpu.memory_space<hbm>>) dst(%dma_wait3A_154 : memref<8x2048xf32, #tpu.memory_space<vmem>>)
    %dma_wait3A_157 = arith.constant 1 : i32
    %dma_wait3A_158 = arith.constant 1 : i32
    %dma_wait3A_159 = arith.constant 0 : i32
    %dma_wait3A_160 = arith.constant 0 : i32
    %dma_wait3A_161 = tpu.memref_slice %arg7[%dma_wait3A_157, %dma_wait3A_159, %dma_wait3A_160] : memref<2x8x2048xi32, #tpu.memory_space<vmem>> -> memref<1x8x2048xi32, #tpu.memory_space<vmem>>
    %dma_wait3A_162 = tpu.memref_squeeze %dma_wait3A_161 : memref<1x8x2048xi32, #tpu.memory_space<vmem>> -> memref<8x2048xi32, #tpu.memory_space<vmem>>
    %dma_wait3A_163 = arith.constant 0 : i32
    %dma_wait3A_164 = tpu.memref_slice %arg3[%add3A_38, %dma_wait3A_163] : memref<4096x2048xi32, #tpu.memory_space<hbm>> -> memref<8x2048xi32, #tpu.memory_space<hbm>>
    %dma_wait3A_165 = tpu.memref_slice %arg10[%dma_wait3A_158] : memref<2x!tpu.dma_semaphore, #tpu.memory_space<semaphore_mem>> -> memref<1x!tpu.dma_semaphore, #tpu.memory_space<semaphore_mem>>
    %dma_wait3A_166 = tpu.memref_squeeze %dma_wait3A_165 : memref<1x!tpu.dma_semaphore, #tpu.memory_space<semaphore_mem>> -> memref<!tpu.dma_semaphore, #tpu.memory_space<semaphore_mem>>
    %dma_wait3A_167 = arith.constant 0 : i32
    %dma_wait3A_168 = arith.constant 0 : i32
    %dma_wait3A_169 = tpu.memref_slice %arg7[%dma_wait3A_157, %dma_wait3A_167, %dma_wait3A_168] : memref<2x8x2048xi32, #tpu.memory_space<vmem>> -> memref<1x8x2048xi32, #tpu.memory_space<vmem>>
    %dma_wait3A_170 = tpu.memref_squeeze %dma_wait3A_169 : memref<1x8x2048xi32, #tpu.memory_space<vmem>> -> memref<8x2048xi32, #tpu.memory_space<vmem>>
    %dma_wait3A_171 = arith.constant 0 : i32
    %dma_wait3A_172 = tpu.memref_slice %arg3[%add3A_38, %dma_wait3A_171] : memref<4096x2048xi32, #tpu.memory_space<hbm>> -> memref<8x2048xi32, #tpu.memory_space<hbm>>
    tpu.wait_dma2 semaphore(%dma_wait3A_166 : memref<!tpu.dma_semaphore, #tpu.memory_space<semaphore_mem>>) src(%dma_wait3A_172 : memref<8x2048xi32, #tpu.memory_space<hbm>>) dst(%dma_wait3A_170 : memref<8x2048xi32, #tpu.memory_space<vmem>>)
    %scan3A_173 = arith.constant 0 : i32
    %scan3A_174 = arith.constant 128 : i32
    %scan3A_175 = arith.addi %scan3A_173, %scan3A_174 : i32
    %scan3A_176 = arith.constant 1 : i32
    %scan3A_177:8 = scf.for %scan3A_585 = %scan3A_173 to %scan3A_175 step %scan3A_176 iter_args(%scan3A_586 = %scan3A_105#0, %scan3A_587 = %scan3A_105#1, %scan3A_588 = %scan3A_105#2, %scan3A_589 = %scan3A_105#3, %scan3A_590 = %scan3A_105#4, %scan3A_591 = %scan3A_105#5, %scan3A_592 = %scan3A_105#6, %scan3A_593 = %scan3A_105#7) -> (vector<16xf32>, vector<16xf32>, vector<16xf32>, vector<16xf32>, vector<16xf32>, vector<16xf32>, vector<16xf32>, vector<16xf32>)  : i32 {
      %mul3A_594 = arith.constant 16 : i32
      %mul3A_595 = arith.muli %scan3A_585, %mul3A_594 : i32
      %get3A = arith.constant 1 : i32
      %get3A_596 = arith.constant 0 : i32
      %get3A_597 = arith.index_cast %get3A : i32 to index
      %get3A_598 = arith.index_cast %get3A_596 : i32 to index
      %get3A_599 = arith.index_cast %mul3A_595 : i32 to index
      %get3A_600 = tpu.vector_load %arg6[%get3A_597, %get3A_598, %get3A_599] {strides = array<i32>} : memref<2x8x2048xf32, #tpu.memory_space<vmem>>, vector<16xf32>,
      %get3A_601 = arith.constant 1 : i32
      %get3A_602 = arith.constant 0 : i32
      %get3A_603 = arith.index_cast %get3A_601 : i32 to index
      %get3A_604 = arith.index_cast %get3A_602 : i32 to index
      %get3A_605 = arith.index_cast %mul3A_595 : i32 to index
      %get3A_606 = tpu.vector_load %arg7[%get3A_603, %get3A_604, %get3A_605] {strides = array<i32>} : memref<2x8x2048xi32, #tpu.memory_space<vmem>>, vector<16xi32>,
      %gather3A = tpu.vector_load_idx %arg8[%get3A_606] : memref<16xf32, #tpu.memory_space<vmem>>[vector<16xi32>], vector<16xf32>,
      %convert_element_type3A = arith.sitofp %get3A_606 : vector<16xi32> to vector<16xf32>
      %sub3A = arith.subf %get3A_600, %convert_element_type3A : vector<16xf32>
      %mul3A_607 = arith.mulf %sub3A, %sub3A : vector<16xf32>
      %mul3A_608 = arith.mulf %gather3A, %mul3A_607 : vector<16xf32>
      %add3A_609 = arith.addf %scan3A_586, %mul3A_608 : vector<16xf32>
      %get3A_610 = arith.constant 1 : i32
      %get3A_611 = arith.constant 1 : i32
      %get3A_612 = arith.index_cast %get3A_610 : i32 to index
      %get3A_613 = arith.index_cast %get3A_611 : i32 to index
      %get3A_614 = arith.index_cast %mul3A_595 : i32 to index
      %get3A_615 = tpu.vector_load %arg6[%get3A_612, %get3A_613, %get3A_614] {strides = array<i32>} : memref<2x8x2048xf32, #tpu.memory_space<vmem>>, vector<16xf32>,
      %get3A_616 = arith.constant 1 : i32
      %get3A_617 = arith.constant 1 : i32
      %get3A_618 = arith.index_cast %get3A_616 : i32 to index
      %get3A_619 = arith.index_cast %get3A_617 : i32 to index
      %get3A_620 = arith.index_cast %mul3A_595 : i32 to index
      %get3A_621 = tpu.vector_load %arg7[%get3A_618, %get3A_619, %get3A_620] {strides = array<i32>} : memref<2x8x2048xi32, #tpu.memory_space<vmem>>, vector<16xi32>,
      %gather3A_622 = tpu.vector_load_idx %arg8[%get3A_621] : memref<16xf32, #tpu.memory_space<vmem>>[vector<16xi32>], vector<16xf32>,
      %convert_element_type3A_623 = arith.sitofp %get3A_621 : vector<16xi32> to vector<16xf32>
      %sub3A_624 = arith.subf %get3A_615, %convert_element_type3A_623 : vector<16xf32>
      %mul3A_625 = arith.mulf %sub3A_624, %sub3A_624 : vector<16xf32>
      %mul3A_626 = arith.mulf %gather3A_622, %mul3A_625 : vector<16xf32>
      %add3A_627 = arith.addf %scan3A_587, %mul3A_626 : vector<16xf32>
      %get3A_628 = arith.constant 1 : i32
      %get3A_629 = arith.constant 2 : i32
      %get3A_630 = arith.index_cast %get3A_628 : i32 to index
      %get3A_631 = arith.index_cast %get3A_629 : i32 to index
      %get3A_632 = arith.index_cast %mul3A_595 : i32 to index
      %get3A_633 = tpu.vector_load %arg6[%get3A_630, %get3A_631, %get3A_632] {strides = array<i32>} : memref<2x8x2048xf32, #tpu.memory_space<vmem>>, vector<16xf32>,
      %get3A_634 = arith.constant 1 : i32
      %get3A_635 = arith.constant 2 : i32
      %get3A_636 = arith.index_cast %get3A_634 : i32 to index
      %get3A_637 = arith.index_cast %get3A_635 : i32 to index
      %get3A_638 = arith.index_cast %mul3A_595 : i32 to index
      %get3A_639 = tpu.vector_load %arg7[%get3A_636, %get3A_637, %get3A_638] {strides = array<i32>} : memref<2x8x2048xi32, #tpu.memory_space<vmem>>, vector<16xi32>,
      %gather3A_640 = tpu.vector_load_idx %arg8[%get3A_639] : memref<16xf32, #tpu.memory_space<vmem>>[vector<16xi32>], vector<16xf32>,
      %convert_element_type3A_641 = arith.sitofp %get3A_639 : vector<16xi32> to vector<16xf32>
      %sub3A_642 = arith.subf %get3A_633, %convert_element_type3A_641 : vector<16xf32>
      %mul3A_643 = arith.mulf %sub3A_642, %sub3A_642 : vector<16xf32>
      %mul3A_644 = arith.mulf %gather3A_640, %mul3A_643 : vector<16xf32>
      %add3A_645 = arith.addf %scan3A_588, %mul3A_644 : vector<16xf32>
      %get3A_646 = arith.constant 1 : i32
      %get3A_647 = arith.constant 3 : i32
      %get3A_648 = arith.index_cast %get3A_646 : i32 to index
      %get3A_649 = arith.index_cast %get3A_647 : i32 to index
      %get3A_650 = arith.index_cast %mul3A_595 : i32 to index
      %get3A_651 = tpu.vector_load %arg6[%get3A_648, %get3A_649, %get3A_650] {strides = array<i32>} : memref<2x8x2048xf32, #tpu.memory_space<vmem>>, vector<16xf32>,
      %get3A_652 = arith.constant 1 : i32
      %get3A_653 = arith.constant 3 : i32
      %get3A_654 = arith.index_cast %get3A_652 : i32 to index
      %get3A_655 = arith.index_cast %get3A_653 : i32 to index
      %get3A_656 = arith.index_cast %mul3A_595 : i32 to index
      %get3A_657 = tpu.vector_load %arg7[%get3A_654, %get3A_655, %get3A_656] {strides = array<i32>} : memref<2x8x2048xi32, #tpu.memory_space<vmem>>, vector<16xi32>,
      %gather3A_658 = tpu.vector_load_idx %arg8[%get3A_657] : memref<16xf32, #tpu.memory_space<vmem>>[vector<16xi32>], vector<16xf32>,
      %convert_element_type3A_659 = arith.sitofp %get3A_657 : vector<16xi32> to vector<16xf32>
      %sub3A_660 = arith.subf %get3A_651, %convert_element_type3A_659 : vector<16xf32>
      %mul3A_661 = arith.mulf %sub3A_660, %sub3A_660 : vector<16xf32>
      %mul3A_662 = arith.mulf %gather3A_658, %mul3A_661 : vector<16xf32>
      %add3A_663 = arith.addf %scan3A_589, %mul3A_662 : vector<16xf32>
      %get3A_664 = arith.constant 1 : i32
      %get3A_665 = arith.constant 4 : i32
      %get3A_666 = arith.index_cast %get3A_664 : i32 to index
      %get3A_667 = arith.index_cast %get3A_665 : i32 to index
      %get3A_668 = arith.index_cast %mul3A_595 : i32 to index
      %get3A_669 = tpu.vector_load %arg6[%get3A_666, %get3A_667, %get3A_668] {strides = array<i32>} : memref<2x8x2048xf32, #tpu.memory_space<vmem>>, vector<16xf32>,
      %get3A_670 = arith.constant 1 : i32
      %get3A_671 = arith.constant 4 : i32
      %get3A_672 = arith.index_cast %get3A_670 : i32 to index
      %get3A_673 = arith.index_cast %get3A_671 : i32 to index
      %get3A_674 = arith.index_cast %mul3A_595 : i32 to index
      %get3A_675 = tpu.vector_load %arg7[%get3A_672, %get3A_673, %get3A_674] {strides = array<i32>} : memref<2x8x2048xi32, #tpu.memory_space<vmem>>, vector<16xi32>,
      %gather3A_676 = tpu.vector_load_idx %arg8[%get3A_675] : memref<16xf32, #tpu.memory_space<vmem>>[vector<16xi32>], vector<16xf32>,
      %convert_element_type3A_677 = arith.sitofp %get3A_675 : vector<16xi32> to vector<16xf32>
      %sub3A_678 = arith.subf %get3A_669, %convert_element_type3A_677 : vector<16xf32>
      %mul3A_679 = arith.mulf %sub3A_678, %sub3A_678 : vector<16xf32>
      %mul3A_680 = arith.mulf %gather3A_676, %mul3A_679 : vector<16xf32>
      %add3A_681 = arith.addf %scan3A_590, %mul3A_680 : vector<16xf32>
      %get3A_682 = arith.constant 1 : i32
      %get3A_683 = arith.constant 5 : i32
      %get3A_684 = arith.index_cast %get3A_682 : i32 to index
      %get3A_685 = arith.index_cast %get3A_683 : i32 to index
      %get3A_686 = arith.index_cast %mul3A_595 : i32 to index
      %get3A_687 = tpu.vector_load %arg6[%get3A_684, %get3A_685, %get3A_686] {strides = array<i32>} : memref<2x8x2048xf32, #tpu.memory_space<vmem>>, vector<16xf32>,
      %get3A_688 = arith.constant 1 : i32
      %get3A_689 = arith.constant 5 : i32
      %get3A_690 = arith.index_cast %get3A_688 : i32 to index
      %get3A_691 = arith.index_cast %get3A_689 : i32 to index
      %get3A_692 = arith.index_cast %mul3A_595 : i32 to index
      %get3A_693 = tpu.vector_load %arg7[%get3A_690, %get3A_691, %get3A_692] {strides = array<i32>} : memref<2x8x2048xi32, #tpu.memory_space<vmem>>, vector<16xi32>,
      %gather3A_694 = tpu.vector_load_idx %arg8[%get3A_693] : memref<16xf32, #tpu.memory_space<vmem>>[vector<16xi32>], vector<16xf32>,
      %convert_element_type3A_695 = arith.sitofp %get3A_693 : vector<16xi32> to vector<16xf32>
      %sub3A_696 = arith.subf %get3A_687, %convert_element_type3A_695 : vector<16xf32>
      %mul3A_697 = arith.mulf %sub3A_696, %sub3A_696 : vector<16xf32>
      %mul3A_698 = arith.mulf %gather3A_694, %mul3A_697 : vector<16xf32>
      %add3A_699 = arith.addf %scan3A_591, %mul3A_698 : vector<16xf32>
      %get3A_700 = arith.constant 1 : i32
      %get3A_701 = arith.constant 6 : i32
      %get3A_702 = arith.index_cast %get3A_700 : i32 to index
      %get3A_703 = arith.index_cast %get3A_701 : i32 to index
      %get3A_704 = arith.index_cast %mul3A_595 : i32 to index
      %get3A_705 = tpu.vector_load %arg6[%get3A_702, %get3A_703, %get3A_704] {strides = array<i32>} : memref<2x8x2048xf32, #tpu.memory_space<vmem>>, vector<16xf32>,
      %get3A_706 = arith.constant 1 : i32
      %get3A_707 = arith.constant 6 : i32
      %get3A_708 = arith.index_cast %get3A_706 : i32 to index
      %get3A_709 = arith.index_cast %get3A_707 : i32 to index
      %get3A_710 = arith.index_cast %mul3A_595 : i32 to index
      %get3A_711 = tpu.vector_load %arg7[%get3A_708, %get3A_709, %get3A_710] {strides = array<i32>} : memref<2x8x2048xi32, #tpu.memory_space<vmem>>, vector<16xi32>,
      %gather3A_712 = tpu.vector_load_idx %arg8[%get3A_711] : memref<16xf32, #tpu.memory_space<vmem>>[vector<16xi32>], vector<16xf32>,
      %convert_element_type3A_713 = arith.sitofp %get3A_711 : vector<16xi32> to vector<16xf32>
      %sub3A_714 = arith.subf %get3A_705, %convert_element_type3A_713 : vector<16xf32>
      %mul3A_715 = arith.mulf %sub3A_714, %sub3A_714 : vector<16xf32>
      %mul3A_716 = arith.mulf %gather3A_712, %mul3A_715 : vector<16xf32>
      %add3A_717 = arith.addf %scan3A_592, %mul3A_716 : vector<16xf32>
      %get3A_718 = arith.constant 1 : i32
      %get3A_719 = arith.constant 7 : i32
      %get3A_720 = arith.index_cast %get3A_718 : i32 to index
      %get3A_721 = arith.index_cast %get3A_719 : i32 to index
      %get3A_722 = arith.index_cast %mul3A_595 : i32 to index
      %get3A_723 = tpu.vector_load %arg6[%get3A_720, %get3A_721, %get3A_722] {strides = array<i32>} : memref<2x8x2048xf32, #tpu.memory_space<vmem>>, vector<16xf32>,
      %get3A_724 = arith.constant 1 : i32
      %get3A_725 = arith.constant 7 : i32
      %get3A_726 = arith.index_cast %get3A_724 : i32 to index
      %get3A_727 = arith.index_cast %get3A_725 : i32 to index
      %get3A_728 = arith.index_cast %mul3A_595 : i32 to index
      %get3A_729 = tpu.vector_load %arg7[%get3A_726, %get3A_727, %get3A_728] {strides = array<i32>} : memref<2x8x2048xi32, #tpu.memory_space<vmem>>, vector<16xi32>,
      %gather3A_730 = tpu.vector_load_idx %arg8[%get3A_729] : memref<16xf32, #tpu.memory_space<vmem>>[vector<16xi32>], vector<16xf32>,
      %convert_element_type3A_731 = arith.sitofp %get3A_729 : vector<16xi32> to vector<16xf32>
      %sub3A_732 = arith.subf %get3A_723, %convert_element_type3A_731 : vector<16xf32>
      %mul3A_733 = arith.mulf %sub3A_732, %sub3A_732 : vector<16xf32>
      %mul3A_734 = arith.mulf %gather3A_730, %mul3A_733 : vector<16xf32>
      %add3A_735 = arith.addf %scan3A_593, %mul3A_734 : vector<16xf32>
      scf.yield %add3A_609, %add3A_627, %add3A_645, %add3A_663, %add3A_681, %add3A_699, %add3A_717, %add3A_735 : vector<16xf32>, vector<16xf32>, vector<16xf32>, vector<16xf32>, vector<16xf32>, vector<16xf32>, vector<16xf32>, vector<16xf32>
    }
    %scan3A_178 = arith.constant 128 : i32
    %add3A_179 = arith.constant 24 : i32
    %add3A_180 = arith.addi %mul3A_2, %add3A_179 : i32
    %dma_start3A_181 = arith.constant 1 : i32
    %dma_start3A_182 = arith.constant 1 : i32
    %dma_start3A_183 = arith.constant 0 : i32
    %dma_start3A_184 = arith.constant 0 : i32
    %dma_start3A_185 = tpu.memref_slice %arg6[%dma_start3A_181, %dma_start3A_183, %dma_start3A_184] : memref<2x8x2048xf32, #tpu.memory_space<vmem>> -> memref<1x8x2048xf32, #tpu.memory_space<vmem>>
    %dma_start3A_186 = tpu.memref_squeeze %dma_start3A_185 : memref<1x8x2048xf32, #tpu.memory_space<vmem>> -> memref<8x2048xf32, #tpu.memory_space<vmem>>
    %dma_start3A_187 = arith.constant 0 : i32
    %dma_start3A_188 = tpu.memref_slice %arg2[%add3A_180, %dma_start3A_187] : memref<4096x2048xf32, #tpu.memory_space<hbm>> -> memref<8x2048xf32, #tpu.memory_space<hbm>>
    %dma_start3A_189 = tpu.memref_slice %arg10[%dma_start3A_182] : memref<2x!tpu.dma_semaphore, #tpu.memory_space<semaphore_mem>> -> memref<1x!tpu.dma_semaphore, #tpu.memory_space<semaphore_mem>>
    %dma_start3A_190 = tpu.memref_squeeze %dma_start3A_189 : memref<1x!tpu.dma_semaphore, #tpu.memory_space<semaphore_mem>> -> memref<!tpu.dma_semaphore, #tpu.memory_space<semaphore_mem>>
    %dma_start3A_191 = arith.constant 0 : i32
    %dma_start3A_192 = arith.constant 0 : i32
    %dma_start3A_193 = tpu.memref_slice %arg6[%dma_start3A_181, %dma_start3A_191, %dma_start3A_192] : memref<2x8x2048xf32, #tpu.memory_space<vmem>> -> memref<1x8x2048xf32, #tpu.memory_space<vmem>>
    %dma_start3A_194 = tpu.memref_squeeze %dma_start3A_193 : memref<1x8x2048xf32, #tpu.memory_space<vmem>> -> memref<8x2048xf32, #tpu.memory_space<vmem>>
    %dma_start3A_195 = arith.constant 0 : i32
    %dma_start3A_196 = tpu.memref_slice %arg2[%add3A_180, %dma_start3A_195] : memref<4096x2048xf32, #tpu.memory_space<hbm>> -> memref<8x2048xf32, #tpu.memory_space<hbm>>
    tpu.enqueue_dma source(%dma_start3A_196 : memref<8x2048xf32, #tpu.memory_space<hbm>>) target(%dma_start3A_194 : memref<8x2048xf32, #tpu.memory_space<vmem>>) target_semaphore(%dma_start3A_190 : memref<!tpu.dma_semaphore, #tpu.memory_space<semaphore_mem>>)
    %dma_start3A_197 = arith.constant 1 : i32
    %dma_start3A_198 = arith.constant 1 : i32
    %dma_start3A_199 = arith.constant 0 : i32
    %dma_start3A_200 = arith.constant 0 : i32
    %dma_start3A_201 = tpu.memref_slice %arg7[%dma_start3A_197, %dma_start3A_199, %dma_start3A_200] : memref<2x8x2048xi32, #tpu.memory_space<vmem>> -> memref<1x8x2048xi32, #tpu.memory_space<vmem>>
    %dma_start3A_202 = tpu.memref_squeeze %dma_start3A_201 : memref<1x8x2048xi32, #tpu.memory_space<vmem>> -> memref<8x2048xi32, #tpu.memory_space<vmem>>
    %dma_start3A_203 = arith.constant 0 : i32
    %dma_start3A_204 = tpu.memref_slice %arg3[%add3A_180, %dma_start3A_203] : memref<4096x2048xi32, #tpu.memory_space<hbm>> -> memref<8x2048xi32, #tpu.memory_space<hbm>>
    %dma_start3A_205 = tpu.memref_slice %arg10[%dma_start3A_198] : memref<2x!tpu.dma_semaphore, #tpu.memory_space<semaphore_mem>> -> memref<1x!tpu.dma_semaphore, #tpu.memory_space<semaphore_mem>>
    %dma_start3A_206 = tpu.memref_squeeze %dma_start3A_205 : memref<1x!tpu.dma_semaphore, #tpu.memory_space<semaphore_mem>> -> memref<!tpu.dma_semaphore, #tpu.memory_space<semaphore_mem>>
    %dma_start3A_207 = arith.constant 0 : i32
    %dma_start3A_208 = arith.constant 0 : i32
    %dma_start3A_209 = tpu.memref_slice %arg7[%dma_start3A_197, %dma_start3A_207, %dma_start3A_208] : memref<2x8x2048xi32, #tpu.memory_space<vmem>> -> memref<1x8x2048xi32, #tpu.memory_space<vmem>>
    %dma_start3A_210 = tpu.memref_squeeze %dma_start3A_209 : memref<1x8x2048xi32, #tpu.memory_space<vmem>> -> memref<8x2048xi32, #tpu.memory_space<vmem>>
    %dma_start3A_211 = arith.constant 0 : i32
    %dma_start3A_212 = tpu.memref_slice %arg3[%add3A_180, %dma_start3A_211] : memref<4096x2048xi32, #tpu.memory_space<hbm>> -> memref<8x2048xi32, #tpu.memory_space<hbm>>
    tpu.enqueue_dma source(%dma_start3A_212 : memref<8x2048xi32, #tpu.memory_space<hbm>>) target(%dma_start3A_210 : memref<8x2048xi32, #tpu.memory_space<vmem>>) target_semaphore(%dma_start3A_206 : memref<!tpu.dma_semaphore, #tpu.memory_space<semaphore_mem>>)
    %dma_wait3A_213 = arith.constant 0 : i32
    %dma_wait3A_214 = arith.constant 0 : i32
    %dma_wait3A_215 = arith.constant 0 : i32
    %dma_wait3A_216 = arith.constant 0 : i32
    %dma_wait3A_217 = tpu.memref_slice %arg6[%dma_wait3A_213, %dma_wait3A_215, %dma_wait3A_216] : memref<2x8x2048xf32, #tpu.memory_space<vmem>> -> memref<1x8x2048xf32, #tpu.memory_space<vmem>>
    %dma_wait3A_218 = tpu.memref_squeeze %dma_wait3A_217 : memref<1x8x2048xf32, #tpu.memory_space<vmem>> -> memref<8x2048xf32, #tpu.memory_space<vmem>>
    %dma_wait3A_219 = arith.constant 0 : i32
    %dma_wait3A_220 = tpu.memref_slice %arg2[%add3A_108, %dma_wait3A_219] : memref<4096x2048xf32, #tpu.memory_space<hbm>> -> memref<8x2048xf32, #tpu.memory_space<hbm>>
    %dma_wait3A_221 = tpu.memref_slice %arg10[%dma_wait3A_214] : memref<2x!tpu.dma_semaphore, #tpu.memory_space<semaphore_mem>> -> memref<1x!tpu.dma_semaphore, #tpu.memory_space<semaphore_mem>>
    %dma_wait3A_222 = tpu.memref_squeeze %dma_wait3A_221 : memref<1x!tpu.dma_semaphore, #tpu.memory_space<semaphore_mem>> -> memref<!tpu.dma_semaphore, #tpu.memory_space<semaphore_mem>>
    %dma_wait3A_223 = arith.constant 0 : i32
    %dma_wait3A_224 = arith.constant 0 : i32
    %dma_wait3A_225 = tpu.memref_slice %arg6[%dma_wait3A_213, %dma_wait3A_223, %dma_wait3A_224] : memref<2x8x2048xf32, #tpu.memory_space<vmem>> -> memref<1x8x2048xf32, #tpu.memory_space<vmem>>
    %dma_wait3A_226 = tpu.memref_squeeze %dma_wait3A_225 : memref<1x8x2048xf32, #tpu.memory_space<vmem>> -> memref<8x2048xf32, #tpu.memory_space<vmem>>
    %dma_wait3A_227 = arith.constant 0 : i32
    %dma_wait3A_228 = tpu.memref_slice %arg2[%add3A_108, %dma_wait3A_227] : memref<4096x2048xf32, #tpu.memory_space<hbm>> -> memref<8x2048xf32, #tpu.memory_space<hbm>>
    tpu.wait_dma2 semaphore(%dma_wait3A_222 : memref<!tpu.dma_semaphore, #tpu.memory_space<semaphore_mem>>) src(%dma_wait3A_228 : memref<8x2048xf32, #tpu.memory_space<hbm>>) dst(%dma_wait3A_226 : memref<8x2048xf32, #tpu.memory_space<vmem>>)
    %dma_wait3A_229 = arith.constant 0 : i32
    %dma_wait3A_230 = arith.constant 0 : i32
    %dma_wait3A_231 = arith.constant 0 : i32
    %dma_wait3A_232 = arith.constant 0 : i32
    %dma_wait3A_233 = tpu.memref_slice %arg7[%dma_wait3A_229, %dma_wait3A_231, %dma_wait3A_232] : memref<2x8x2048xi32, #tpu.memory_space<vmem>> -> memref<1x8x2048xi32, #tpu.memory_space<vmem>>
    %dma_wait3A_234 = tpu.memref_squeeze %dma_wait3A_233 : memref<1x8x2048xi32, #tpu.memory_space<vmem>> -> memref<8x2048xi32, #tpu.memory_space<vmem>>
    %dma_wait3A_235 = arith.constant 0 : i32
    %dma_wait3A_236 = tpu.memref_slice %arg3[%add3A_108, %dma_wait3A_235] : memref<4096x2048xi32, #tpu.memory_space<hbm>> -> memref<8x2048xi32, #tpu.memory_space<hbm>>
    %dma_wait3A_237 = tpu.memref_slice %arg10[%dma_wait3A_230] : memref<2x!tpu.dma_semaphore, #tpu.memory_space<semaphore_mem>> -> memref<1x!tpu.dma_semaphore, #tpu.memory_space<semaphore_mem>>
    %dma_wait3A_238 = tpu.memref_squeeze %dma_wait3A_237 : memref<1x!tpu.dma_semaphore, #tpu.memory_space<semaphore_mem>> -> memref<!tpu.dma_semaphore, #tpu.memory_space<semaphore_mem>>
    %dma_wait3A_239 = arith.constant 0 : i32
    %dma_wait3A_240 = arith.constant 0 : i32
    %dma_wait3A_241 = tpu.memref_slice %arg7[%dma_wait3A_229, %dma_wait3A_239, %dma_wait3A_240] : memref<2x8x2048xi32, #tpu.memory_space<vmem>> -> memref<1x8x2048xi32, #tpu.memory_space<vmem>>
    %dma_wait3A_242 = tpu.memref_squeeze %dma_wait3A_241 : memref<1x8x2048xi32, #tpu.memory_space<vmem>> -> memref<8x2048xi32, #tpu.memory_space<vmem>>
    %dma_wait3A_243 = arith.constant 0 : i32
    %dma_wait3A_244 = tpu.memref_slice %arg3[%add3A_108, %dma_wait3A_243] : memref<4096x2048xi32, #tpu.memory_space<hbm>> -> memref<8x2048xi32, #tpu.memory_space<hbm>>
    tpu.wait_dma2 semaphore(%dma_wait3A_238 : memref<!tpu.dma_semaphore, #tpu.memory_space<semaphore_mem>>) src(%dma_wait3A_244 : memref<8x2048xi32, #tpu.memory_space<hbm>>) dst(%dma_wait3A_242 : memref<8x2048xi32, #tpu.memory_space<vmem>>)
    %scan3A_245 = arith.constant 0 : i32
    %scan3A_246 = arith.constant 128 : i32
    %scan3A_247 = arith.addi %scan3A_245, %scan3A_246 : i32
    %scan3A_248 = arith.constant 1 : i32
    %scan3A_249:8 = scf.for %scan3A_585 = %scan3A_245 to %scan3A_247 step %scan3A_248 iter_args(%scan3A_586 = %scan3A_177#0, %scan3A_587 = %scan3A_177#1, %scan3A_588 = %scan3A_177#2, %scan3A_589 = %scan3A_177#3, %scan3A_590 = %scan3A_177#4, %scan3A_591 = %scan3A_177#5, %scan3A_592 = %scan3A_177#6, %scan3A_593 = %scan3A_177#7) -> (vector<16xf32>, vector<16xf32>, vector<16xf32>, vector<16xf32>, vector<16xf32>, vector<16xf32>, vector<16xf32>, vector<16xf32>)  : i32 {
      %mul3A_594 = arith.constant 16 : i32
      %mul3A_595 = arith.muli %scan3A_585, %mul3A_594 : i32
      %get3A = arith.constant 0 : i32
      %get3A_596 = arith.constant 0 : i32
      %get3A_597 = arith.index_cast %get3A : i32 to index
      %get3A_598 = arith.index_cast %get3A_596 : i32 to index
      %get3A_599 = arith.index_cast %mul3A_595 : i32 to index
      %get3A_600 = tpu.vector_load %arg6[%get3A_597, %get3A_598, %get3A_599] {strides = array<i32>} : memref<2x8x2048xf32, #tpu.memory_space<vmem>>, vector<16xf32>,
      %get3A_601 = arith.constant 0 : i32
      %get3A_602 = arith.constant 0 : i32
      %get3A_603 = arith.index_cast %get3A_601 : i32 to index
      %get3A_604 = arith.index_cast %get3A_602 : i32 to index
      %get3A_605 = arith.index_cast %mul3A_595 : i32 to index
      %get3A_606 = tpu.vector_load %arg7[%get3A_603, %get3A_604, %get3A_605] {strides = array<i32>} : memref<2x8x2048xi32, #tpu.memory_space<vmem>>, vector<16xi32>,
      %gather3A = tpu.vector_load_idx %arg8[%get3A_606] : memref<16xf32, #tpu.memory_space<vmem>>[vector<16xi32>], vector<16xf32>,
      %convert_element_type3A = arith.sitofp %get3A_606 : vector<16xi32> to vector<16xf32>
      %sub3A = arith.subf %get3A_600, %convert_element_type3A : vector<16xf32>
      %mul3A_607 = arith.mulf %sub3A, %sub3A : vector<16xf32>
      %mul3A_608 = arith.mulf %gather3A, %mul3A_607 : vector<16xf32>
      %add3A_609 = arith.addf %scan3A_586, %mul3A_608 : vector<16xf32>
      %get3A_610 = arith.constant 0 : i32
      %get3A_611 = arith.constant 1 : i32
      %get3A_612 = arith.index_cast %get3A_610 : i32 to index
      %get3A_613 = arith.index_cast %get3A_611 : i32 to index
      %get3A_614 = arith.index_cast %mul3A_595 : i32 to index
      %get3A_615 = tpu.vector_load %arg6[%get3A_612, %get3A_613, %get3A_614] {strides = array<i32>} : memref<2x8x2048xf32, #tpu.memory_space<vmem>>, vector<16xf32>,
      %get3A_616 = arith.constant 0 : i32
      %get3A_617 = arith.constant 1 : i32
      %get3A_618 = arith.index_cast %get3A_616 : i32 to index
      %get3A_619 = arith.index_cast %get3A_617 : i32 to index
      %get3A_620 = arith.index_cast %mul3A_595 : i32 to index
      %get3A_621 = tpu.vector_load %arg7[%get3A_618, %get3A_619, %get3A_620] {strides = array<i32>} : memref<2x8x2048xi32, #tpu.memory_space<vmem>>, vector<16xi32>,
      %gather3A_622 = tpu.vector_load_idx %arg8[%get3A_621] : memref<16xf32, #tpu.memory_space<vmem>>[vector<16xi32>], vector<16xf32>,
      %convert_element_type3A_623 = arith.sitofp %get3A_621 : vector<16xi32> to vector<16xf32>
      %sub3A_624 = arith.subf %get3A_615, %convert_element_type3A_623 : vector<16xf32>
      %mul3A_625 = arith.mulf %sub3A_624, %sub3A_624 : vector<16xf32>
      %mul3A_626 = arith.mulf %gather3A_622, %mul3A_625 : vector<16xf32>
      %add3A_627 = arith.addf %scan3A_587, %mul3A_626 : vector<16xf32>
      %get3A_628 = arith.constant 0 : i32
      %get3A_629 = arith.constant 2 : i32
      %get3A_630 = arith.index_cast %get3A_628 : i32 to index
      %get3A_631 = arith.index_cast %get3A_629 : i32 to index
      %get3A_632 = arith.index_cast %mul3A_595 : i32 to index
      %get3A_633 = tpu.vector_load %arg6[%get3A_630, %get3A_631, %get3A_632] {strides = array<i32>} : memref<2x8x2048xf32, #tpu.memory_space<vmem>>, vector<16xf32>,
      %get3A_634 = arith.constant 0 : i32
      %get3A_635 = arith.constant 2 : i32
      %get3A_636 = arith.index_cast %get3A_634 : i32 to index
      %get3A_637 = arith.index_cast %get3A_635 : i32 to index
      %get3A_638 = arith.index_cast %mul3A_595 : i32 to index
      %get3A_639 = tpu.vector_load %arg7[%get3A_636, %get3A_637, %get3A_638] {strides = array<i32>} : memref<2x8x2048xi32, #tpu.memory_space<vmem>>, vector<16xi32>,
      %gather3A_640 = tpu.vector_load_idx %arg8[%get3A_639] : memref<16xf32, #tpu.memory_space<vmem>>[vector<16xi32>], vector<16xf32>,
      %convert_element_type3A_641 = arith.sitofp %get3A_639 : vector<16xi32> to vector<16xf32>
      %sub3A_642 = arith.subf %get3A_633, %convert_element_type3A_641 : vector<16xf32>
      %mul3A_643 = arith.mulf %sub3A_642, %sub3A_642 : vector<16xf32>
      %mul3A_644 = arith.mulf %gather3A_640, %mul3A_643 : vector<16xf32>
      %add3A_645 = arith.addf %scan3A_588, %mul3A_644 : vector<16xf32>
      %get3A_646 = arith.constant 0 : i32
      %get3A_647 = arith.constant 3 : i32
      %get3A_648 = arith.index_cast %get3A_646 : i32 to index
      %get3A_649 = arith.index_cast %get3A_647 : i32 to index
      %get3A_650 = arith.index_cast %mul3A_595 : i32 to index
      %get3A_651 = tpu.vector_load %arg6[%get3A_648, %get3A_649, %get3A_650] {strides = array<i32>} : memref<2x8x2048xf32, #tpu.memory_space<vmem>>, vector<16xf32>,
      %get3A_652 = arith.constant 0 : i32
      %get3A_653 = arith.constant 3 : i32
      %get3A_654 = arith.index_cast %get3A_652 : i32 to index
      %get3A_655 = arith.index_cast %get3A_653 : i32 to index
      %get3A_656 = arith.index_cast %mul3A_595 : i32 to index
      %get3A_657 = tpu.vector_load %arg7[%get3A_654, %get3A_655, %get3A_656] {strides = array<i32>} : memref<2x8x2048xi32, #tpu.memory_space<vmem>>, vector<16xi32>,
      %gather3A_658 = tpu.vector_load_idx %arg8[%get3A_657] : memref<16xf32, #tpu.memory_space<vmem>>[vector<16xi32>], vector<16xf32>,
      %convert_element_type3A_659 = arith.sitofp %get3A_657 : vector<16xi32> to vector<16xf32>
      %sub3A_660 = arith.subf %get3A_651, %convert_element_type3A_659 : vector<16xf32>
      %mul3A_661 = arith.mulf %sub3A_660, %sub3A_660 : vector<16xf32>
      %mul3A_662 = arith.mulf %gather3A_658, %mul3A_661 : vector<16xf32>
      %add3A_663 = arith.addf %scan3A_589, %mul3A_662 : vector<16xf32>
      %get3A_664 = arith.constant 0 : i32
      %get3A_665 = arith.constant 4 : i32
      %get3A_666 = arith.index_cast %get3A_664 : i32 to index
      %get3A_667 = arith.index_cast %get3A_665 : i32 to index
      %get3A_668 = arith.index_cast %mul3A_595 : i32 to index
      %get3A_669 = tpu.vector_load %arg6[%get3A_666, %get3A_667, %get3A_668] {strides = array<i32>} : memref<2x8x2048xf32, #tpu.memory_space<vmem>>, vector<16xf32>,
      %get3A_670 = arith.constant 0 : i32
      %get3A_671 = arith.constant 4 : i32
      %get3A_672 = arith.index_cast %get3A_670 : i32 to index
      %get3A_673 = arith.index_cast %get3A_671 : i32 to index
      %get3A_674 = arith.index_cast %mul3A_595 : i32 to index
      %get3A_675 = tpu.vector_load %arg7[%get3A_672, %get3A_673, %get3A_674] {strides = array<i32>} : memref<2x8x2048xi32, #tpu.memory_space<vmem>>, vector<16xi32>,
      %gather3A_676 = tpu.vector_load_idx %arg8[%get3A_675] : memref<16xf32, #tpu.memory_space<vmem>>[vector<16xi32>], vector<16xf32>,
      %convert_element_type3A_677 = arith.sitofp %get3A_675 : vector<16xi32> to vector<16xf32>
      %sub3A_678 = arith.subf %get3A_669, %convert_element_type3A_677 : vector<16xf32>
      %mul3A_679 = arith.mulf %sub3A_678, %sub3A_678 : vector<16xf32>
      %mul3A_680 = arith.mulf %gather3A_676, %mul3A_679 : vector<16xf32>
      %add3A_681 = arith.addf %scan3A_590, %mul3A_680 : vector<16xf32>
      %get3A_682 = arith.constant 0 : i32
      %get3A_683 = arith.constant 5 : i32
      %get3A_684 = arith.index_cast %get3A_682 : i32 to index
      %get3A_685 = arith.index_cast %get3A_683 : i32 to index
      %get3A_686 = arith.index_cast %mul3A_595 : i32 to index
      %get3A_687 = tpu.vector_load %arg6[%get3A_684, %get3A_685, %get3A_686] {strides = array<i32>} : memref<2x8x2048xf32, #tpu.memory_space<vmem>>, vector<16xf32>,
      %get3A_688 = arith.constant 0 : i32
      %get3A_689 = arith.constant 5 : i32
      %get3A_690 = arith.index_cast %get3A_688 : i32 to index
      %get3A_691 = arith.index_cast %get3A_689 : i32 to index
      %get3A_692 = arith.index_cast %mul3A_595 : i32 to index
      %get3A_693 = tpu.vector_load %arg7[%get3A_690, %get3A_691, %get3A_692] {strides = array<i32>} : memref<2x8x2048xi32, #tpu.memory_space<vmem>>, vector<16xi32>,
      %gather3A_694 = tpu.vector_load_idx %arg8[%get3A_693] : memref<16xf32, #tpu.memory_space<vmem>>[vector<16xi32>], vector<16xf32>,
      %convert_element_type3A_695 = arith.sitofp %get3A_693 : vector<16xi32> to vector<16xf32>
      %sub3A_696 = arith.subf %get3A_687, %convert_element_type3A_695 : vector<16xf32>
      %mul3A_697 = arith.mulf %sub3A_696, %sub3A_696 : vector<16xf32>
      %mul3A_698 = arith.mulf %gather3A_694, %mul3A_697 : vector<16xf32>
      %add3A_699 = arith.addf %scan3A_591, %mul3A_698 : vector<16xf32>
      %get3A_700 = arith.constant 0 : i32
      %get3A_701 = arith.constant 6 : i32
      %get3A_702 = arith.index_cast %get3A_700 : i32 to index
      %get3A_703 = arith.index_cast %get3A_701 : i32 to index
      %get3A_704 = arith.index_cast %mul3A_595 : i32 to index
      %get3A_705 = tpu.vector_load %arg6[%get3A_702, %get3A_703, %get3A_704] {strides = array<i32>} : memref<2x8x2048xf32, #tpu.memory_space<vmem>>, vector<16xf32>,
      %get3A_706 = arith.constant 0 : i32
      %get3A_707 = arith.constant 6 : i32
      %get3A_708 = arith.index_cast %get3A_706 : i32 to index
      %get3A_709 = arith.index_cast %get3A_707 : i32 to index
      %get3A_710 = arith.index_cast %mul3A_595 : i32 to index
      %get3A_711 = tpu.vector_load %arg7[%get3A_708, %get3A_709, %get3A_710] {strides = array<i32>} : memref<2x8x2048xi32, #tpu.memory_space<vmem>>, vector<16xi32>,
      %gather3A_712 = tpu.vector_load_idx %arg8[%get3A_711] : memref<16xf32, #tpu.memory_space<vmem>>[vector<16xi32>], vector<16xf32>,
      %convert_element_type3A_713 = arith.sitofp %get3A_711 : vector<16xi32> to vector<16xf32>
      %sub3A_714 = arith.subf %get3A_705, %convert_element_type3A_713 : vector<16xf32>
      %mul3A_715 = arith.mulf %sub3A_714, %sub3A_714 : vector<16xf32>
      %mul3A_716 = arith.mulf %gather3A_712, %mul3A_715 : vector<16xf32>
      %add3A_717 = arith.addf %scan3A_592, %mul3A_716 : vector<16xf32>
      %get3A_718 = arith.constant 0 : i32
      %get3A_719 = arith.constant 7 : i32
      %get3A_720 = arith.index_cast %get3A_718 : i32 to index
      %get3A_721 = arith.index_cast %get3A_719 : i32 to index
      %get3A_722 = arith.index_cast %mul3A_595 : i32 to index
      %get3A_723 = tpu.vector_load %arg6[%get3A_720, %get3A_721, %get3A_722] {strides = array<i32>} : memref<2x8x2048xf32, #tpu.memory_space<vmem>>, vector<16xf32>,
      %get3A_724 = arith.constant 0 : i32
      %get3A_725 = arith.constant 7 : i32
      %get3A_726 = arith.index_cast %get3A_724 : i32 to index
      %get3A_727 = arith.index_cast %get3A_725 : i32 to index
      %get3A_728 = arith.index_cast %mul3A_595 : i32 to index
      %get3A_729 = tpu.vector_load %arg7[%get3A_726, %get3A_727, %get3A_728] {strides = array<i32>} : memref<2x8x2048xi32, #tpu.memory_space<vmem>>, vector<16xi32>,
      %gather3A_730 = tpu.vector_load_idx %arg8[%get3A_729] : memref<16xf32, #tpu.memory_space<vmem>>[vector<16xi32>], vector<16xf32>,
      %convert_element_type3A_731 = arith.sitofp %get3A_729 : vector<16xi32> to vector<16xf32>
      %sub3A_732 = arith.subf %get3A_723, %convert_element_type3A_731 : vector<16xf32>
      %mul3A_733 = arith.mulf %sub3A_732, %sub3A_732 : vector<16xf32>
      %mul3A_734 = arith.mulf %gather3A_730, %mul3A_733 : vector<16xf32>
      %add3A_735 = arith.addf %scan3A_593, %mul3A_734 : vector<16xf32>
      scf.yield %add3A_609, %add3A_627, %add3A_645, %add3A_663, %add3A_681, %add3A_699, %add3A_717, %add3A_735 : vector<16xf32>, vector<16xf32>, vector<16xf32>, vector<16xf32>, vector<16xf32>, vector<16xf32>, vector<16xf32>, vector<16xf32>
    }
    %scan3A_250 = arith.constant 128 : i32
    %add3A_251 = arith.constant 32 : i32
    %add3A_252 = arith.addi %mul3A_2, %add3A_251 : i32
    %dma_start3A_253 = arith.constant 0 : i32
    %dma_start3A_254 = arith.constant 0 : i32
    %dma_start3A_255 = arith.constant 0 : i32
    %dma_start3A_256 = arith.constant 0 : i32
    %dma_start3A_257 = tpu.memref_slice %arg6[%dma_start3A_253, %dma_start3A_255, %dma_start3A_256] : memref<2x8x2048xf32, #tpu.memory_space<vmem>> -> memref<1x8x2048xf32, #tpu.memory_space<vmem>>
    %dma_start3A_258 = tpu.memref_squeeze %dma_start3A_257 : memref<1x8x2048xf32, #tpu.memory_space<vmem>> -> memref<8x2048xf32, #tpu.memory_space<vmem>>
    %dma_start3A_259 = arith.constant 0 : i32
    %dma_start3A_260 = tpu.memref_slice %arg2[%add3A_252, %dma_start3A_259] : memref<4096x2048xf32, #tpu.memory_space<hbm>> -> memref<8x2048xf32, #tpu.memory_space<hbm>>
    %dma_start3A_261 = tpu.memref_slice %arg10[%dma_start3A_254] : memref<2x!tpu.dma_semaphore, #tpu.memory_space<semaphore_mem>> -> memref<1x!tpu.dma_semaphore, #tpu.memory_space<semaphore_mem>>
    %dma_start3A_262 = tpu.memref_squeeze %dma_start3A_261 : memref<1x!tpu.dma_semaphore, #tpu.memory_space<semaphore_mem>> -> memref<!tpu.dma_semaphore, #tpu.memory_space<semaphore_mem>>
    %dma_start3A_263 = arith.constant 0 : i32
    %dma_start3A_264 = arith.constant 0 : i32
    %dma_start3A_265 = tpu.memref_slice %arg6[%dma_start3A_253, %dma_start3A_263, %dma_start3A_264] : memref<2x8x2048xf32, #tpu.memory_space<vmem>> -> memref<1x8x2048xf32, #tpu.memory_space<vmem>>
    %dma_start3A_266 = tpu.memref_squeeze %dma_start3A_265 : memref<1x8x2048xf32, #tpu.memory_space<vmem>> -> memref<8x2048xf32, #tpu.memory_space<vmem>>
    %dma_start3A_267 = arith.constant 0 : i32
    %dma_start3A_268 = tpu.memref_slice %arg2[%add3A_252, %dma_start3A_267] : memref<4096x2048xf32, #tpu.memory_space<hbm>> -> memref<8x2048xf32, #tpu.memory_space<hbm>>
    tpu.enqueue_dma source(%dma_start3A_268 : memref<8x2048xf32, #tpu.memory_space<hbm>>) target(%dma_start3A_266 : memref<8x2048xf32, #tpu.memory_space<vmem>>) target_semaphore(%dma_start3A_262 : memref<!tpu.dma_semaphore, #tpu.memory_space<semaphore_mem>>)
    %dma_start3A_269 = arith.constant 0 : i32
    %dma_start3A_270 = arith.constant 0 : i32
    %dma_start3A_271 = arith.constant 0 : i32
    %dma_start3A_272 = arith.constant 0 : i32
    %dma_start3A_273 = tpu.memref_slice %arg7[%dma_start3A_269, %dma_start3A_271, %dma_start3A_272] : memref<2x8x2048xi32, #tpu.memory_space<vmem>> -> memref<1x8x2048xi32, #tpu.memory_space<vmem>>
    %dma_start3A_274 = tpu.memref_squeeze %dma_start3A_273 : memref<1x8x2048xi32, #tpu.memory_space<vmem>> -> memref<8x2048xi32, #tpu.memory_space<vmem>>
    %dma_start3A_275 = arith.constant 0 : i32
    %dma_start3A_276 = tpu.memref_slice %arg3[%add3A_252, %dma_start3A_275] : memref<4096x2048xi32, #tpu.memory_space<hbm>> -> memref<8x2048xi32, #tpu.memory_space<hbm>>
    %dma_start3A_277 = tpu.memref_slice %arg10[%dma_start3A_270] : memref<2x!tpu.dma_semaphore, #tpu.memory_space<semaphore_mem>> -> memref<1x!tpu.dma_semaphore, #tpu.memory_space<semaphore_mem>>
    %dma_start3A_278 = tpu.memref_squeeze %dma_start3A_277 : memref<1x!tpu.dma_semaphore, #tpu.memory_space<semaphore_mem>> -> memref<!tpu.dma_semaphore, #tpu.memory_space<semaphore_mem>>
    %dma_start3A_279 = arith.constant 0 : i32
    %dma_start3A_280 = arith.constant 0 : i32
    %dma_start3A_281 = tpu.memref_slice %arg7[%dma_start3A_269, %dma_start3A_279, %dma_start3A_280] : memref<2x8x2048xi32, #tpu.memory_space<vmem>> -> memref<1x8x2048xi32, #tpu.memory_space<vmem>>
    %dma_start3A_282 = tpu.memref_squeeze %dma_start3A_281 : memref<1x8x2048xi32, #tpu.memory_space<vmem>> -> memref<8x2048xi32, #tpu.memory_space<vmem>>
    %dma_start3A_283 = arith.constant 0 : i32
    %dma_start3A_284 = tpu.memref_slice %arg3[%add3A_252, %dma_start3A_283] : memref<4096x2048xi32, #tpu.memory_space<hbm>> -> memref<8x2048xi32, #tpu.memory_space<hbm>>
    tpu.enqueue_dma source(%dma_start3A_284 : memref<8x2048xi32, #tpu.memory_space<hbm>>) target(%dma_start3A_282 : memref<8x2048xi32, #tpu.memory_space<vmem>>) target_semaphore(%dma_start3A_278 : memref<!tpu.dma_semaphore, #tpu.memory_space<semaphore_mem>>)
    %dma_wait3A_285 = arith.constant 1 : i32
    %dma_wait3A_286 = arith.constant 1 : i32
    %dma_wait3A_287 = arith.constant 0 : i32
    %dma_wait3A_288 = arith.constant 0 : i32
    %dma_wait3A_289 = tpu.memref_slice %arg6[%dma_wait3A_285, %dma_wait3A_287, %dma_wait3A_288] : memref<2x8x2048xf32, #tpu.memory_space<vmem>> -> memref<1x8x2048xf32, #tpu.memory_space<vmem>>
    %dma_wait3A_290 = tpu.memref_squeeze %dma_wait3A_289 : memref<1x8x2048xf32, #tpu.memory_space<vmem>> -> memref<8x2048xf32, #tpu.memory_space<vmem>>
    %dma_wait3A_291 = arith.constant 0 : i32
    %dma_wait3A_292 = tpu.memref_slice %arg2[%add3A_180, %dma_wait3A_291] : memref<4096x2048xf32, #tpu.memory_space<hbm>> -> memref<8x2048xf32, #tpu.memory_space<hbm>>
    %dma_wait3A_293 = tpu.memref_slice %arg10[%dma_wait3A_286] : memref<2x!tpu.dma_semaphore, #tpu.memory_space<semaphore_mem>> -> memref<1x!tpu.dma_semaphore, #tpu.memory_space<semaphore_mem>>
    %dma_wait3A_294 = tpu.memref_squeeze %dma_wait3A_293 : memref<1x!tpu.dma_semaphore, #tpu.memory_space<semaphore_mem>> -> memref<!tpu.dma_semaphore, #tpu.memory_space<semaphore_mem>>
    %dma_wait3A_295 = arith.constant 0 : i32
    %dma_wait3A_296 = arith.constant 0 : i32
    %dma_wait3A_297 = tpu.memref_slice %arg6[%dma_wait3A_285, %dma_wait3A_295, %dma_wait3A_296] : memref<2x8x2048xf32, #tpu.memory_space<vmem>> -> memref<1x8x2048xf32, #tpu.memory_space<vmem>>
    %dma_wait3A_298 = tpu.memref_squeeze %dma_wait3A_297 : memref<1x8x2048xf32, #tpu.memory_space<vmem>> -> memref<8x2048xf32, #tpu.memory_space<vmem>>
    %dma_wait3A_299 = arith.constant 0 : i32
    %dma_wait3A_300 = tpu.memref_slice %arg2[%add3A_180, %dma_wait3A_299] : memref<4096x2048xf32, #tpu.memory_space<hbm>> -> memref<8x2048xf32, #tpu.memory_space<hbm>>
    tpu.wait_dma2 semaphore(%dma_wait3A_294 : memref<!tpu.dma_semaphore, #tpu.memory_space<semaphore_mem>>) src(%dma_wait3A_300 : memref<8x2048xf32, #tpu.memory_space<hbm>>) dst(%dma_wait3A_298 : memref<8x2048xf32, #tpu.memory_space<vmem>>)
    %dma_wait3A_301 = arith.constant 1 : i32
    %dma_wait3A_302 = arith.constant 1 : i32
    %dma_wait3A_303 = arith.constant 0 : i32
    %dma_wait3A_304 = arith.constant 0 : i32
    %dma_wait3A_305 = tpu.memref_slice %arg7[%dma_wait3A_301, %dma_wait3A_303, %dma_wait3A_304] : memref<2x8x2048xi32, #tpu.memory_space<vmem>> -> memref<1x8x2048xi32, #tpu.memory_space<vmem>>
    %dma_wait3A_306 = tpu.memref_squeeze %dma_wait3A_305 : memref<1x8x2048xi32, #tpu.memory_space<vmem>> -> memref<8x2048xi32, #tpu.memory_space<vmem>>
    %dma_wait3A_307 = arith.constant 0 : i32
    %dma_wait3A_308 = tpu.memref_slice %arg3[%add3A_180, %dma_wait3A_307] : memref<4096x2048xi32, #tpu.memory_space<hbm>> -> memref<8x2048xi32, #tpu.memory_space<hbm>>
    %dma_wait3A_309 = tpu.memref_slice %arg10[%dma_wait3A_302] : memref<2x!tpu.dma_semaphore, #tpu.memory_space<semaphore_mem>> -> memref<1x!tpu.dma_semaphore, #tpu.memory_space<semaphore_mem>>
    %dma_wait3A_310 = tpu.memref_squeeze %dma_wait3A_309 : memref<1x!tpu.dma_semaphore, #tpu.memory_space<semaphore_mem>> -> memref<!tpu.dma_semaphore, #tpu.memory_space<semaphore_mem>>
    %dma_wait3A_311 = arith.constant 0 : i32
    %dma_wait3A_312 = arith.constant 0 : i32
    %dma_wait3A_313 = tpu.memref_slice %arg7[%dma_wait3A_301, %dma_wait3A_311, %dma_wait3A_312] : memref<2x8x2048xi32, #tpu.memory_space<vmem>> -> memref<1x8x2048xi32, #tpu.memory_space<vmem>>
    %dma_wait3A_314 = tpu.memref_squeeze %dma_wait3A_313 : memref<1x8x2048xi32, #tpu.memory_space<vmem>> -> memref<8x2048xi32, #tpu.memory_space<vmem>>
    %dma_wait3A_315 = arith.constant 0 : i32
    %dma_wait3A_316 = tpu.memref_slice %arg3[%add3A_180, %dma_wait3A_315] : memref<4096x2048xi32, #tpu.memory_space<hbm>> -> memref<8x2048xi32, #tpu.memory_space<hbm>>
    tpu.wait_dma2 semaphore(%dma_wait3A_310 : memref<!tpu.dma_semaphore, #tpu.memory_space<semaphore_mem>>) src(%dma_wait3A_316 : memref<8x2048xi32, #tpu.memory_space<hbm>>) dst(%dma_wait3A_314 : memref<8x2048xi32, #tpu.memory_space<vmem>>)
    %scan3A_317 = arith.constant 0 : i32
    %scan3A_318 = arith.constant 128 : i32
    %scan3A_319 = arith.addi %scan3A_317, %scan3A_318 : i32
    %scan3A_320 = arith.constant 1 : i32
    %scan3A_321:8 = scf.for %scan3A_585 = %scan3A_317 to %scan3A_319 step %scan3A_320 iter_args(%scan3A_586 = %scan3A_249#0, %scan3A_587 = %scan3A_249#1, %scan3A_588 = %scan3A_249#2, %scan3A_589 = %scan3A_249#3, %scan3A_590 = %scan3A_249#4, %scan3A_591 = %scan3A_249#5, %scan3A_592 = %scan3A_249#6, %scan3A_593 = %scan3A_249#7) -> (vector<16xf32>, vector<16xf32>, vector<16xf32>, vector<16xf32>, vector<16xf32>, vector<16xf32>, vector<16xf32>, vector<16xf32>)  : i32 {
      %mul3A_594 = arith.constant 16 : i32
      %mul3A_595 = arith.muli %scan3A_585, %mul3A_594 : i32
      %get3A = arith.constant 1 : i32
      %get3A_596 = arith.constant 0 : i32
      %get3A_597 = arith.index_cast %get3A : i32 to index
      %get3A_598 = arith.index_cast %get3A_596 : i32 to index
      %get3A_599 = arith.index_cast %mul3A_595 : i32 to index
      %get3A_600 = tpu.vector_load %arg6[%get3A_597, %get3A_598, %get3A_599] {strides = array<i32>} : memref<2x8x2048xf32, #tpu.memory_space<vmem>>, vector<16xf32>,
      %get3A_601 = arith.constant 1 : i32
      %get3A_602 = arith.constant 0 : i32
      %get3A_603 = arith.index_cast %get3A_601 : i32 to index
      %get3A_604 = arith.index_cast %get3A_602 : i32 to index
      %get3A_605 = arith.index_cast %mul3A_595 : i32 to index
      %get3A_606 = tpu.vector_load %arg7[%get3A_603, %get3A_604, %get3A_605] {strides = array<i32>} : memref<2x8x2048xi32, #tpu.memory_space<vmem>>, vector<16xi32>,
      %gather3A = tpu.vector_load_idx %arg8[%get3A_606] : memref<16xf32, #tpu.memory_space<vmem>>[vector<16xi32>], vector<16xf32>,
      %convert_element_type3A = arith.sitofp %get3A_606 : vector<16xi32> to vector<16xf32>
      %sub3A = arith.subf %get3A_600, %convert_element_type3A : vector<16xf32>
      %mul3A_607 = arith.mulf %sub3A, %sub3A : vector<16xf32>
      %mul3A_608 = arith.mulf %gather3A, %mul3A_607 : vector<16xf32>
      %add3A_609 = arith.addf %scan3A_586, %mul3A_608 : vector<16xf32>
      %get3A_610 = arith.constant 1 : i32
      %get3A_611 = arith.constant 1 : i32
      %get3A_612 = arith.index_cast %get3A_610 : i32 to index
      %get3A_613 = arith.index_cast %get3A_611 : i32 to index
      %get3A_614 = arith.index_cast %mul3A_595 : i32 to index
      %get3A_615 = tpu.vector_load %arg6[%get3A_612, %get3A_613, %get3A_614] {strides = array<i32>} : memref<2x8x2048xf32, #tpu.memory_space<vmem>>, vector<16xf32>,
      %get3A_616 = arith.constant 1 : i32
      %get3A_617 = arith.constant 1 : i32
      %get3A_618 = arith.index_cast %get3A_616 : i32 to index
      %get3A_619 = arith.index_cast %get3A_617 : i32 to index
      %get3A_620 = arith.index_cast %mul3A_595 : i32 to index
      %get3A_621 = tpu.vector_load %arg7[%get3A_618, %get3A_619, %get3A_620] {strides = array<i32>} : memref<2x8x2048xi32, #tpu.memory_space<vmem>>, vector<16xi32>,
      %gather3A_622 = tpu.vector_load_idx %arg8[%get3A_621] : memref<16xf32, #tpu.memory_space<vmem>>[vector<16xi32>], vector<16xf32>,
      %convert_element_type3A_623 = arith.sitofp %get3A_621 : vector<16xi32> to vector<16xf32>
      %sub3A_624 = arith.subf %get3A_615, %convert_element_type3A_623 : vector<16xf32>
      %mul3A_625 = arith.mulf %sub3A_624, %sub3A_624 : vector<16xf32>
      %mul3A_626 = arith.mulf %gather3A_622, %mul3A_625 : vector<16xf32>
      %add3A_627 = arith.addf %scan3A_587, %mul3A_626 : vector<16xf32>
      %get3A_628 = arith.constant 1 : i32
      %get3A_629 = arith.constant 2 : i32
      %get3A_630 = arith.index_cast %get3A_628 : i32 to index
      %get3A_631 = arith.index_cast %get3A_629 : i32 to index
      %get3A_632 = arith.index_cast %mul3A_595 : i32 to index
      %get3A_633 = tpu.vector_load %arg6[%get3A_630, %get3A_631, %get3A_632] {strides = array<i32>} : memref<2x8x2048xf32, #tpu.memory_space<vmem>>, vector<16xf32>,
      %get3A_634 = arith.constant 1 : i32
      %get3A_635 = arith.constant 2 : i32
      %get3A_636 = arith.index_cast %get3A_634 : i32 to index
      %get3A_637 = arith.index_cast %get3A_635 : i32 to index
      %get3A_638 = arith.index_cast %mul3A_595 : i32 to index
      %get3A_639 = tpu.vector_load %arg7[%get3A_636, %get3A_637, %get3A_638] {strides = array<i32>} : memref<2x8x2048xi32, #tpu.memory_space<vmem>>, vector<16xi32>,
      %gather3A_640 = tpu.vector_load_idx %arg8[%get3A_639] : memref<16xf32, #tpu.memory_space<vmem>>[vector<16xi32>], vector<16xf32>,
      %convert_element_type3A_641 = arith.sitofp %get3A_639 : vector<16xi32> to vector<16xf32>
      %sub3A_642 = arith.subf %get3A_633, %convert_element_type3A_641 : vector<16xf32>
      %mul3A_643 = arith.mulf %sub3A_642, %sub3A_642 : vector<16xf32>
      %mul3A_644 = arith.mulf %gather3A_640, %mul3A_643 : vector<16xf32>
      %add3A_645 = arith.addf %scan3A_588, %mul3A_644 : vector<16xf32>
      %get3A_646 = arith.constant 1 : i32
      %get3A_647 = arith.constant 3 : i32
      %get3A_648 = arith.index_cast %get3A_646 : i32 to index
      %get3A_649 = arith.index_cast %get3A_647 : i32 to index
      %get3A_650 = arith.index_cast %mul3A_595 : i32 to index
      %get3A_651 = tpu.vector_load %arg6[%get3A_648, %get3A_649, %get3A_650] {strides = array<i32>} : memref<2x8x2048xf32, #tpu.memory_space<vmem>>, vector<16xf32>,
      %get3A_652 = arith.constant 1 : i32
      %get3A_653 = arith.constant 3 : i32
      %get3A_654 = arith.index_cast %get3A_652 : i32 to index
      %get3A_655 = arith.index_cast %get3A_653 : i32 to index
      %get3A_656 = arith.index_cast %mul3A_595 : i32 to index
      %get3A_657 = tpu.vector_load %arg7[%get3A_654, %get3A_655, %get3A_656] {strides = array<i32>} : memref<2x8x2048xi32, #tpu.memory_space<vmem>>, vector<16xi32>,
      %gather3A_658 = tpu.vector_load_idx %arg8[%get3A_657] : memref<16xf32, #tpu.memory_space<vmem>>[vector<16xi32>], vector<16xf32>,
      %convert_element_type3A_659 = arith.sitofp %get3A_657 : vector<16xi32> to vector<16xf32>
      %sub3A_660 = arith.subf %get3A_651, %convert_element_type3A_659 : vector<16xf32>
      %mul3A_661 = arith.mulf %sub3A_660, %sub3A_660 : vector<16xf32>
      %mul3A_662 = arith.mulf %gather3A_658, %mul3A_661 : vector<16xf32>
      %add3A_663 = arith.addf %scan3A_589, %mul3A_662 : vector<16xf32>
      %get3A_664 = arith.constant 1 : i32
      %get3A_665 = arith.constant 4 : i32
      %get3A_666 = arith.index_cast %get3A_664 : i32 to index
      %get3A_667 = arith.index_cast %get3A_665 : i32 to index
      %get3A_668 = arith.index_cast %mul3A_595 : i32 to index
      %get3A_669 = tpu.vector_load %arg6[%get3A_666, %get3A_667, %get3A_668] {strides = array<i32>} : memref<2x8x2048xf32, #tpu.memory_space<vmem>>, vector<16xf32>,
      %get3A_670 = arith.constant 1 : i32
      %get3A_671 = arith.constant 4 : i32
      %get3A_672 = arith.index_cast %get3A_670 : i32 to index
      %get3A_673 = arith.index_cast %get3A_671 : i32 to index
      %get3A_674 = arith.index_cast %mul3A_595 : i32 to index
      %get3A_675 = tpu.vector_load %arg7[%get3A_672, %get3A_673, %get3A_674] {strides = array<i32>} : memref<2x8x2048xi32, #tpu.memory_space<vmem>>, vector<16xi32>,
      %gather3A_676 = tpu.vector_load_idx %arg8[%get3A_675] : memref<16xf32, #tpu.memory_space<vmem>>[vector<16xi32>], vector<16xf32>,
      %convert_element_type3A_677 = arith.sitofp %get3A_675 : vector<16xi32> to vector<16xf32>
      %sub3A_678 = arith.subf %get3A_669, %convert_element_type3A_677 : vector<16xf32>
      %mul3A_679 = arith.mulf %sub3A_678, %sub3A_678 : vector<16xf32>
      %mul3A_680 = arith.mulf %gather3A_676, %mul3A_679 : vector<16xf32>
      %add3A_681 = arith.addf %scan3A_590, %mul3A_680 : vector<16xf32>
      %get3A_682 = arith.constant 1 : i32
      %get3A_683 = arith.constant 5 : i32
      %get3A_684 = arith.index_cast %get3A_682 : i32 to index
      %get3A_685 = arith.index_cast %get3A_683 : i32 to index
      %get3A_686 = arith.index_cast %mul3A_595 : i32 to index
      %get3A_687 = tpu.vector_load %arg6[%get3A_684, %get3A_685, %get3A_686] {strides = array<i32>} : memref<2x8x2048xf32, #tpu.memory_space<vmem>>, vector<16xf32>,
      %get3A_688 = arith.constant 1 : i32
      %get3A_689 = arith.constant 5 : i32
      %get3A_690 = arith.index_cast %get3A_688 : i32 to index
      %get3A_691 = arith.index_cast %get3A_689 : i32 to index
      %get3A_692 = arith.index_cast %mul3A_595 : i32 to index
      %get3A_693 = tpu.vector_load %arg7[%get3A_690, %get3A_691, %get3A_692] {strides = array<i32>} : memref<2x8x2048xi32, #tpu.memory_space<vmem>>, vector<16xi32>,
      %gather3A_694 = tpu.vector_load_idx %arg8[%get3A_693] : memref<16xf32, #tpu.memory_space<vmem>>[vector<16xi32>], vector<16xf32>,
      %convert_element_type3A_695 = arith.sitofp %get3A_693 : vector<16xi32> to vector<16xf32>
      %sub3A_696 = arith.subf %get3A_687, %convert_element_type3A_695 : vector<16xf32>
      %mul3A_697 = arith.mulf %sub3A_696, %sub3A_696 : vector<16xf32>
      %mul3A_698 = arith.mulf %gather3A_694, %mul3A_697 : vector<16xf32>
      %add3A_699 = arith.addf %scan3A_591, %mul3A_698 : vector<16xf32>
      %get3A_700 = arith.constant 1 : i32
      %get3A_701 = arith.constant 6 : i32
      %get3A_702 = arith.index_cast %get3A_700 : i32 to index
      %get3A_703 = arith.index_cast %get3A_701 : i32 to index
      %get3A_704 = arith.index_cast %mul3A_595 : i32 to index
      %get3A_705 = tpu.vector_load %arg6[%get3A_702, %get3A_703, %get3A_704] {strides = array<i32>} : memref<2x8x2048xf32, #tpu.memory_space<vmem>>, vector<16xf32>,
      %get3A_706 = arith.constant 1 : i32
      %get3A_707 = arith.constant 6 : i32
      %get3A_708 = arith.index_cast %get3A_706 : i32 to index
      %get3A_709 = arith.index_cast %get3A_707 : i32 to index
      %get3A_710 = arith.index_cast %mul3A_595 : i32 to index
      %get3A_711 = tpu.vector_load %arg7[%get3A_708, %get3A_709, %get3A_710] {strides = array<i32>} : memref<2x8x2048xi32, #tpu.memory_space<vmem>>, vector<16xi32>,
      %gather3A_712 = tpu.vector_load_idx %arg8[%get3A_711] : memref<16xf32, #tpu.memory_space<vmem>>[vector<16xi32>], vector<16xf32>,
      %convert_element_type3A_713 = arith.sitofp %get3A_711 : vector<16xi32> to vector<16xf32>
      %sub3A_714 = arith.subf %get3A_705, %convert_element_type3A_713 : vector<16xf32>
      %mul3A_715 = arith.mulf %sub3A_714, %sub3A_714 : vector<16xf32>
      %mul3A_716 = arith.mulf %gather3A_712, %mul3A_715 : vector<16xf32>
      %add3A_717 = arith.addf %scan3A_592, %mul3A_716 : vector<16xf32>
      %get3A_718 = arith.constant 1 : i32
      %get3A_719 = arith.constant 7 : i32
      %get3A_720 = arith.index_cast %get3A_718 : i32 to index
      %get3A_721 = arith.index_cast %get3A_719 : i32 to index
      %get3A_722 = arith.index_cast %mul3A_595 : i32 to index
      %get3A_723 = tpu.vector_load %arg6[%get3A_720, %get3A_721, %get3A_722] {strides = array<i32>} : memref<2x8x2048xf32, #tpu.memory_space<vmem>>, vector<16xf32>,
      %get3A_724 = arith.constant 1 : i32
      %get3A_725 = arith.constant 7 : i32
      %get3A_726 = arith.index_cast %get3A_724 : i32 to index
      %get3A_727 = arith.index_cast %get3A_725 : i32 to index
      %get3A_728 = arith.index_cast %mul3A_595 : i32 to index
      %get3A_729 = tpu.vector_load %arg7[%get3A_726, %get3A_727, %get3A_728] {strides = array<i32>} : memref<2x8x2048xi32, #tpu.memory_space<vmem>>, vector<16xi32>,
      %gather3A_730 = tpu.vector_load_idx %arg8[%get3A_729] : memref<16xf32, #tpu.memory_space<vmem>>[vector<16xi32>], vector<16xf32>,
      %convert_element_type3A_731 = arith.sitofp %get3A_729 : vector<16xi32> to vector<16xf32>
      %sub3A_732 = arith.subf %get3A_723, %convert_element_type3A_731 : vector<16xf32>
      %mul3A_733 = arith.mulf %sub3A_732, %sub3A_732 : vector<16xf32>
      %mul3A_734 = arith.mulf %gather3A_730, %mul3A_733 : vector<16xf32>
      %add3A_735 = arith.addf %scan3A_593, %mul3A_734 : vector<16xf32>
      scf.yield %add3A_609, %add3A_627, %add3A_645, %add3A_663, %add3A_681, %add3A_699, %add3A_717, %add3A_735 : vector<16xf32>, vector<16xf32>, vector<16xf32>, vector<16xf32>, vector<16xf32>, vector<16xf32>, vector<16xf32>, vector<16xf32>
    }
    %scan3A_322 = arith.constant 128 : i32
    %add3A_323 = arith.constant 40 : i32
    %add3A_324 = arith.addi %mul3A_2, %add3A_323 : i32
    %dma_start3A_325 = arith.constant 1 : i32
    %dma_start3A_326 = arith.constant 1 : i32
    %dma_start3A_327 = arith.constant 0 : i32
    %dma_start3A_328 = arith.constant 0 : i32
    %dma_start3A_329 = tpu.memref_slice %arg6[%dma_start3A_325, %dma_start3A_327, %dma_start3A_328] : memref<2x8x2048xf32, #tpu.memory_space<vmem>> -> memref<1x8x2048xf32, #tpu.memory_space<vmem>>
    %dma_start3A_330 = tpu.memref_squeeze %dma_start3A_329 : memref<1x8x2048xf32, #tpu.memory_space<vmem>> -> memref<8x2048xf32, #tpu.memory_space<vmem>>
    %dma_start3A_331 = arith.constant 0 : i32
    %dma_start3A_332 = tpu.memref_slice %arg2[%add3A_324, %dma_start3A_331] : memref<4096x2048xf32, #tpu.memory_space<hbm>> -> memref<8x2048xf32, #tpu.memory_space<hbm>>
    %dma_start3A_333 = tpu.memref_slice %arg10[%dma_start3A_326] : memref<2x!tpu.dma_semaphore, #tpu.memory_space<semaphore_mem>> -> memref<1x!tpu.dma_semaphore, #tpu.memory_space<semaphore_mem>>
    %dma_start3A_334 = tpu.memref_squeeze %dma_start3A_333 : memref<1x!tpu.dma_semaphore, #tpu.memory_space<semaphore_mem>> -> memref<!tpu.dma_semaphore, #tpu.memory_space<semaphore_mem>>
    %dma_start3A_335 = arith.constant 0 : i32
    %dma_start3A_336 = arith.constant 0 : i32
    %dma_start3A_337 = tpu.memref_slice %arg6[%dma_start3A_325, %dma_start3A_335, %dma_start3A_336] : memref<2x8x2048xf32, #tpu.memory_space<vmem>> -> memref<1x8x2048xf32, #tpu.memory_space<vmem>>
    %dma_start3A_338 = tpu.memref_squeeze %dma_start3A_337 : memref<1x8x2048xf32, #tpu.memory_space<vmem>> -> memref<8x2048xf32, #tpu.memory_space<vmem>>
    %dma_start3A_339 = arith.constant 0 : i32
    %dma_start3A_340 = tpu.memref_slice %arg2[%add3A_324, %dma_start3A_339] : memref<4096x2048xf32, #tpu.memory_space<hbm>> -> memref<8x2048xf32, #tpu.memory_space<hbm>>
    tpu.enqueue_dma source(%dma_start3A_340 : memref<8x2048xf32, #tpu.memory_space<hbm>>) target(%dma_start3A_338 : memref<8x2048xf32, #tpu.memory_space<vmem>>) target_semaphore(%dma_start3A_334 : memref<!tpu.dma_semaphore, #tpu.memory_space<semaphore_mem>>)
    %dma_start3A_341 = arith.constant 1 : i32
    %dma_start3A_342 = arith.constant 1 : i32
    %dma_start3A_343 = arith.constant 0 : i32
    %dma_start3A_344 = arith.constant 0 : i32
    %dma_start3A_345 = tpu.memref_slice %arg7[%dma_start3A_341, %dma_start3A_343, %dma_start3A_344] : memref<2x8x2048xi32, #tpu.memory_space<vmem>> -> memref<1x8x2048xi32, #tpu.memory_space<vmem>>
    %dma_start3A_346 = tpu.memref_squeeze %dma_start3A_345 : memref<1x8x2048xi32, #tpu.memory_space<vmem>> -> memref<8x2048xi32, #tpu.memory_space<vmem>>
    %dma_start3A_347 = arith.constant 0 : i32
    %dma_start3A_348 = tpu.memref_slice %arg3[%add3A_324, %dma_start3A_347] : memref<4096x2048xi32, #tpu.memory_space<hbm>> -> memref<8x2048xi32, #tpu.memory_space<hbm>>
    %dma_start3A_349 = tpu.memref_slice %arg10[%dma_start3A_342] : memref<2x!tpu.dma_semaphore, #tpu.memory_space<semaphore_mem>> -> memref<1x!tpu.dma_semaphore, #tpu.memory_space<semaphore_mem>>
    %dma_start3A_350 = tpu.memref_squeeze %dma_start3A_349 : memref<1x!tpu.dma_semaphore, #tpu.memory_space<semaphore_mem>> -> memref<!tpu.dma_semaphore, #tpu.memory_space<semaphore_mem>>
    %dma_start3A_351 = arith.constant 0 : i32
    %dma_start3A_352 = arith.constant 0 : i32
    %dma_start3A_353 = tpu.memref_slice %arg7[%dma_start3A_341, %dma_start3A_351, %dma_start3A_352] : memref<2x8x2048xi32, #tpu.memory_space<vmem>> -> memref<1x8x2048xi32, #tpu.memory_space<vmem>>
    %dma_start3A_354 = tpu.memref_squeeze %dma_start3A_353 : memref<1x8x2048xi32, #tpu.memory_space<vmem>> -> memref<8x2048xi32, #tpu.memory_space<vmem>>
    %dma_start3A_355 = arith.constant 0 : i32
    %dma_start3A_356 = tpu.memref_slice %arg3[%add3A_324, %dma_start3A_355] : memref<4096x2048xi32, #tpu.memory_space<hbm>> -> memref<8x2048xi32, #tpu.memory_space<hbm>>
    tpu.enqueue_dma source(%dma_start3A_356 : memref<8x2048xi32, #tpu.memory_space<hbm>>) target(%dma_start3A_354 : memref<8x2048xi32, #tpu.memory_space<vmem>>) target_semaphore(%dma_start3A_350 : memref<!tpu.dma_semaphore, #tpu.memory_space<semaphore_mem>>)
    %dma_wait3A_357 = arith.constant 0 : i32
    %dma_wait3A_358 = arith.constant 0 : i32
    %dma_wait3A_359 = arith.constant 0 : i32
    %dma_wait3A_360 = arith.constant 0 : i32
    %dma_wait3A_361 = tpu.memref_slice %arg6[%dma_wait3A_357, %dma_wait3A_359, %dma_wait3A_360] : memref<2x8x2048xf32, #tpu.memory_space<vmem>> -> memref<1x8x2048xf32, #tpu.memory_space<vmem>>
    %dma_wait3A_362 = tpu.memref_squeeze %dma_wait3A_361 : memref<1x8x2048xf32, #tpu.memory_space<vmem>> -> memref<8x2048xf32, #tpu.memory_space<vmem>>
    %dma_wait3A_363 = arith.constant 0 : i32
    %dma_wait3A_364 = tpu.memref_slice %arg2[%add3A_252, %dma_wait3A_363] : memref<4096x2048xf32, #tpu.memory_space<hbm>> -> memref<8x2048xf32, #tpu.memory_space<hbm>>
    %dma_wait3A_365 = tpu.memref_slice %arg10[%dma_wait3A_358] : memref<2x!tpu.dma_semaphore, #tpu.memory_space<semaphore_mem>> -> memref<1x!tpu.dma_semaphore, #tpu.memory_space<semaphore_mem>>
    %dma_wait3A_366 = tpu.memref_squeeze %dma_wait3A_365 : memref<1x!tpu.dma_semaphore, #tpu.memory_space<semaphore_mem>> -> memref<!tpu.dma_semaphore, #tpu.memory_space<semaphore_mem>>
    %dma_wait3A_367 = arith.constant 0 : i32
    %dma_wait3A_368 = arith.constant 0 : i32
    %dma_wait3A_369 = tpu.memref_slice %arg6[%dma_wait3A_357, %dma_wait3A_367, %dma_wait3A_368] : memref<2x8x2048xf32, #tpu.memory_space<vmem>> -> memref<1x8x2048xf32, #tpu.memory_space<vmem>>
    %dma_wait3A_370 = tpu.memref_squeeze %dma_wait3A_369 : memref<1x8x2048xf32, #tpu.memory_space<vmem>> -> memref<8x2048xf32, #tpu.memory_space<vmem>>
    %dma_wait3A_371 = arith.constant 0 : i32
    %dma_wait3A_372 = tpu.memref_slice %arg2[%add3A_252, %dma_wait3A_371] : memref<4096x2048xf32, #tpu.memory_space<hbm>> -> memref<8x2048xf32, #tpu.memory_space<hbm>>
    tpu.wait_dma2 semaphore(%dma_wait3A_366 : memref<!tpu.dma_semaphore, #tpu.memory_space<semaphore_mem>>) src(%dma_wait3A_372 : memref<8x2048xf32, #tpu.memory_space<hbm>>) dst(%dma_wait3A_370 : memref<8x2048xf32, #tpu.memory_space<vmem>>)
    %dma_wait3A_373 = arith.constant 0 : i32
    %dma_wait3A_374 = arith.constant 0 : i32
    %dma_wait3A_375 = arith.constant 0 : i32
    %dma_wait3A_376 = arith.constant 0 : i32
    %dma_wait3A_377 = tpu.memref_slice %arg7[%dma_wait3A_373, %dma_wait3A_375, %dma_wait3A_376] : memref<2x8x2048xi32, #tpu.memory_space<vmem>> -> memref<1x8x2048xi32, #tpu.memory_space<vmem>>
    %dma_wait3A_378 = tpu.memref_squeeze %dma_wait3A_377 : memref<1x8x2048xi32, #tpu.memory_space<vmem>> -> memref<8x2048xi32, #tpu.memory_space<vmem>>
    %dma_wait3A_379 = arith.constant 0 : i32
    %dma_wait3A_380 = tpu.memref_slice %arg3[%add3A_252, %dma_wait3A_379] : memref<4096x2048xi32, #tpu.memory_space<hbm>> -> memref<8x2048xi32, #tpu.memory_space<hbm>>
    %dma_wait3A_381 = tpu.memref_slice %arg10[%dma_wait3A_374] : memref<2x!tpu.dma_semaphore, #tpu.memory_space<semaphore_mem>> -> memref<1x!tpu.dma_semaphore, #tpu.memory_space<semaphore_mem>>
    %dma_wait3A_382 = tpu.memref_squeeze %dma_wait3A_381 : memref<1x!tpu.dma_semaphore, #tpu.memory_space<semaphore_mem>> -> memref<!tpu.dma_semaphore, #tpu.memory_space<semaphore_mem>>
    %dma_wait3A_383 = arith.constant 0 : i32
    %dma_wait3A_384 = arith.constant 0 : i32
    %dma_wait3A_385 = tpu.memref_slice %arg7[%dma_wait3A_373, %dma_wait3A_383, %dma_wait3A_384] : memref<2x8x2048xi32, #tpu.memory_space<vmem>> -> memref<1x8x2048xi32, #tpu.memory_space<vmem>>
    %dma_wait3A_386 = tpu.memref_squeeze %dma_wait3A_385 : memref<1x8x2048xi32, #tpu.memory_space<vmem>> -> memref<8x2048xi32, #tpu.memory_space<vmem>>
    %dma_wait3A_387 = arith.constant 0 : i32
    %dma_wait3A_388 = tpu.memref_slice %arg3[%add3A_252, %dma_wait3A_387] : memref<4096x2048xi32, #tpu.memory_space<hbm>> -> memref<8x2048xi32, #tpu.memory_space<hbm>>
    tpu.wait_dma2 semaphore(%dma_wait3A_382 : memref<!tpu.dma_semaphore, #tpu.memory_space<semaphore_mem>>) src(%dma_wait3A_388 : memref<8x2048xi32, #tpu.memory_space<hbm>>) dst(%dma_wait3A_386 : memref<8x2048xi32, #tpu.memory_space<vmem>>)
    %scan3A_389 = arith.constant 0 : i32
    %scan3A_390 = arith.constant 128 : i32
    %scan3A_391 = arith.addi %scan3A_389, %scan3A_390 : i32
    %scan3A_392 = arith.constant 1 : i32
    %scan3A_393:8 = scf.for %scan3A_585 = %scan3A_389 to %scan3A_391 step %scan3A_392 iter_args(%scan3A_586 = %scan3A_321#0, %scan3A_587 = %scan3A_321#1, %scan3A_588 = %scan3A_321#2, %scan3A_589 = %scan3A_321#3, %scan3A_590 = %scan3A_321#4, %scan3A_591 = %scan3A_321#5, %scan3A_592 = %scan3A_321#6, %scan3A_593 = %scan3A_321#7) -> (vector<16xf32>, vector<16xf32>, vector<16xf32>, vector<16xf32>, vector<16xf32>, vector<16xf32>, vector<16xf32>, vector<16xf32>)  : i32 {
      %mul3A_594 = arith.constant 16 : i32
      %mul3A_595 = arith.muli %scan3A_585, %mul3A_594 : i32
      %get3A = arith.constant 0 : i32
      %get3A_596 = arith.constant 0 : i32
      %get3A_597 = arith.index_cast %get3A : i32 to index
      %get3A_598 = arith.index_cast %get3A_596 : i32 to index
      %get3A_599 = arith.index_cast %mul3A_595 : i32 to index
      %get3A_600 = tpu.vector_load %arg6[%get3A_597, %get3A_598, %get3A_599] {strides = array<i32>} : memref<2x8x2048xf32, #tpu.memory_space<vmem>>, vector<16xf32>,
      %get3A_601 = arith.constant 0 : i32
      %get3A_602 = arith.constant 0 : i32
      %get3A_603 = arith.index_cast %get3A_601 : i32 to index
      %get3A_604 = arith.index_cast %get3A_602 : i32 to index
      %get3A_605 = arith.index_cast %mul3A_595 : i32 to index
      %get3A_606 = tpu.vector_load %arg7[%get3A_603, %get3A_604, %get3A_605] {strides = array<i32>} : memref<2x8x2048xi32, #tpu.memory_space<vmem>>, vector<16xi32>,
      %gather3A = tpu.vector_load_idx %arg8[%get3A_606] : memref<16xf32, #tpu.memory_space<vmem>>[vector<16xi32>], vector<16xf32>,
      %convert_element_type3A = arith.sitofp %get3A_606 : vector<16xi32> to vector<16xf32>
      %sub3A = arith.subf %get3A_600, %convert_element_type3A : vector<16xf32>
      %mul3A_607 = arith.mulf %sub3A, %sub3A : vector<16xf32>
      %mul3A_608 = arith.mulf %gather3A, %mul3A_607 : vector<16xf32>
      %add3A_609 = arith.addf %scan3A_586, %mul3A_608 : vector<16xf32>
      %get3A_610 = arith.constant 0 : i32
      %get3A_611 = arith.constant 1 : i32
      %get3A_612 = arith.index_cast %get3A_610 : i32 to index
      %get3A_613 = arith.index_cast %get3A_611 : i32 to index
      %get3A_614 = arith.index_cast %mul3A_595 : i32 to index
      %get3A_615 = tpu.vector_load %arg6[%get3A_612, %get3A_613, %get3A_614] {strides = array<i32>} : memref<2x8x2048xf32, #tpu.memory_space<vmem>>, vector<16xf32>,
      %get3A_616 = arith.constant 0 : i32
      %get3A_617 = arith.constant 1 : i32
      %get3A_618 = arith.index_cast %get3A_616 : i32 to index
      %get3A_619 = arith.index_cast %get3A_617 : i32 to index
      %get3A_620 = arith.index_cast %mul3A_595 : i32 to index
      %get3A_621 = tpu.vector_load %arg7[%get3A_618, %get3A_619, %get3A_620] {strides = array<i32>} : memref<2x8x2048xi32, #tpu.memory_space<vmem>>, vector<16xi32>,
      %gather3A_622 = tpu.vector_load_idx %arg8[%get3A_621] : memref<16xf32, #tpu.memory_space<vmem>>[vector<16xi32>], vector<16xf32>,
      %convert_element_type3A_623 = arith.sitofp %get3A_621 : vector<16xi32> to vector<16xf32>
      %sub3A_624 = arith.subf %get3A_615, %convert_element_type3A_623 : vector<16xf32>
      %mul3A_625 = arith.mulf %sub3A_624, %sub3A_624 : vector<16xf32>
      %mul3A_626 = arith.mulf %gather3A_622, %mul3A_625 : vector<16xf32>
      %add3A_627 = arith.addf %scan3A_587, %mul3A_626 : vector<16xf32>
      %get3A_628 = arith.constant 0 : i32
      %get3A_629 = arith.constant 2 : i32
      %get3A_630 = arith.index_cast %get3A_628 : i32 to index
      %get3A_631 = arith.index_cast %get3A_629 : i32 to index
      %get3A_632 = arith.index_cast %mul3A_595 : i32 to index
      %get3A_633 = tpu.vector_load %arg6[%get3A_630, %get3A_631, %get3A_632] {strides = array<i32>} : memref<2x8x2048xf32, #tpu.memory_space<vmem>>, vector<16xf32>,
      %get3A_634 = arith.constant 0 : i32
      %get3A_635 = arith.constant 2 : i32
      %get3A_636 = arith.index_cast %get3A_634 : i32 to index
      %get3A_637 = arith.index_cast %get3A_635 : i32 to index
      %get3A_638 = arith.index_cast %mul3A_595 : i32 to index
      %get3A_639 = tpu.vector_load %arg7[%get3A_636, %get3A_637, %get3A_638] {strides = array<i32>} : memref<2x8x2048xi32, #tpu.memory_space<vmem>>, vector<16xi32>,
      %gather3A_640 = tpu.vector_load_idx %arg8[%get3A_639] : memref<16xf32, #tpu.memory_space<vmem>>[vector<16xi32>], vector<16xf32>,
      %convert_element_type3A_641 = arith.sitofp %get3A_639 : vector<16xi32> to vector<16xf32>
      %sub3A_642 = arith.subf %get3A_633, %convert_element_type3A_641 : vector<16xf32>
      %mul3A_643 = arith.mulf %sub3A_642, %sub3A_642 : vector<16xf32>
      %mul3A_644 = arith.mulf %gather3A_640, %mul3A_643 : vector<16xf32>
      %add3A_645 = arith.addf %scan3A_588, %mul3A_644 : vector<16xf32>
      %get3A_646 = arith.constant 0 : i32
      %get3A_647 = arith.constant 3 : i32
      %get3A_648 = arith.index_cast %get3A_646 : i32 to index
      %get3A_649 = arith.index_cast %get3A_647 : i32 to index
      %get3A_650 = arith.index_cast %mul3A_595 : i32 to index
      %get3A_651 = tpu.vector_load %arg6[%get3A_648, %get3A_649, %get3A_650] {strides = array<i32>} : memref<2x8x2048xf32, #tpu.memory_space<vmem>>, vector<16xf32>,
      %get3A_652 = arith.constant 0 : i32
      %get3A_653 = arith.constant 3 : i32
      %get3A_654 = arith.index_cast %get3A_652 : i32 to index
      %get3A_655 = arith.index_cast %get3A_653 : i32 to index
      %get3A_656 = arith.index_cast %mul3A_595 : i32 to index
      %get3A_657 = tpu.vector_load %arg7[%get3A_654, %get3A_655, %get3A_656] {strides = array<i32>} : memref<2x8x2048xi32, #tpu.memory_space<vmem>>, vector<16xi32>,
      %gather3A_658 = tpu.vector_load_idx %arg8[%get3A_657] : memref<16xf32, #tpu.memory_space<vmem>>[vector<16xi32>], vector<16xf32>,
      %convert_element_type3A_659 = arith.sitofp %get3A_657 : vector<16xi32> to vector<16xf32>
      %sub3A_660 = arith.subf %get3A_651, %convert_element_type3A_659 : vector<16xf32>
      %mul3A_661 = arith.mulf %sub3A_660, %sub3A_660 : vector<16xf32>
      %mul3A_662 = arith.mulf %gather3A_658, %mul3A_661 : vector<16xf32>
      %add3A_663 = arith.addf %scan3A_589, %mul3A_662 : vector<16xf32>
      %get3A_664 = arith.constant 0 : i32
      %get3A_665 = arith.constant 4 : i32
      %get3A_666 = arith.index_cast %get3A_664 : i32 to index
      %get3A_667 = arith.index_cast %get3A_665 : i32 to index
      %get3A_668 = arith.index_cast %mul3A_595 : i32 to index
      %get3A_669 = tpu.vector_load %arg6[%get3A_666, %get3A_667, %get3A_668] {strides = array<i32>} : memref<2x8x2048xf32, #tpu.memory_space<vmem>>, vector<16xf32>,
      %get3A_670 = arith.constant 0 : i32
      %get3A_671 = arith.constant 4 : i32
      %get3A_672 = arith.index_cast %get3A_670 : i32 to index
      %get3A_673 = arith.index_cast %get3A_671 : i32 to index
      %get3A_674 = arith.index_cast %mul3A_595 : i32 to index
      %get3A_675 = tpu.vector_load %arg7[%get3A_672, %get3A_673, %get3A_674] {strides = array<i32>} : memref<2x8x2048xi32, #tpu.memory_space<vmem>>, vector<16xi32>,
      %gather3A_676 = tpu.vector_load_idx %arg8[%get3A_675] : memref<16xf32, #tpu.memory_space<vmem>>[vector<16xi32>], vector<16xf32>,
      %convert_element_type3A_677 = arith.sitofp %get3A_675 : vector<16xi32> to vector<16xf32>
      %sub3A_678 = arith.subf %get3A_669, %convert_element_type3A_677 : vector<16xf32>
      %mul3A_679 = arith.mulf %sub3A_678, %sub3A_678 : vector<16xf32>
      %mul3A_680 = arith.mulf %gather3A_676, %mul3A_679 : vector<16xf32>
      %add3A_681 = arith.addf %scan3A_590, %mul3A_680 : vector<16xf32>
      %get3A_682 = arith.constant 0 : i32
      %get3A_683 = arith.constant 5 : i32
      %get3A_684 = arith.index_cast %get3A_682 : i32 to index
      %get3A_685 = arith.index_cast %get3A_683 : i32 to index
      %get3A_686 = arith.index_cast %mul3A_595 : i32 to index
      %get3A_687 = tpu.vector_load %arg6[%get3A_684, %get3A_685, %get3A_686] {strides = array<i32>} : memref<2x8x2048xf32, #tpu.memory_space<vmem>>, vector<16xf32>,
      %get3A_688 = arith.constant 0 : i32
      %get3A_689 = arith.constant 5 : i32
      %get3A_690 = arith.index_cast %get3A_688 : i32 to index
      %get3A_691 = arith.index_cast %get3A_689 : i32 to index
      %get3A_692 = arith.index_cast %mul3A_595 : i32 to index
      %get3A_693 = tpu.vector_load %arg7[%get3A_690, %get3A_691, %get3A_692] {strides = array<i32>} : memref<2x8x2048xi32, #tpu.memory_space<vmem>>, vector<16xi32>,
      %gather3A_694 = tpu.vector_load_idx %arg8[%get3A_693] : memref<16xf32, #tpu.memory_space<vmem>>[vector<16xi32>], vector<16xf32>,
      %convert_element_type3A_695 = arith.sitofp %get3A_693 : vector<16xi32> to vector<16xf32>
      %sub3A_696 = arith.subf %get3A_687, %convert_element_type3A_695 : vector<16xf32>
      %mul3A_697 = arith.mulf %sub3A_696, %sub3A_696 : vector<16xf32>
      %mul3A_698 = arith.mulf %gather3A_694, %mul3A_697 : vector<16xf32>
      %add3A_699 = arith.addf %scan3A_591, %mul3A_698 : vector<16xf32>
      %get3A_700 = arith.constant 0 : i32
      %get3A_701 = arith.constant 6 : i32
      %get3A_702 = arith.index_cast %get3A_700 : i32 to index
      %get3A_703 = arith.index_cast %get3A_701 : i32 to index
      %get3A_704 = arith.index_cast %mul3A_595 : i32 to index
      %get3A_705 = tpu.vector_load %arg6[%get3A_702, %get3A_703, %get3A_704] {strides = array<i32>} : memref<2x8x2048xf32, #tpu.memory_space<vmem>>, vector<16xf32>,
      %get3A_706 = arith.constant 0 : i32
      %get3A_707 = arith.constant 6 : i32
      %get3A_708 = arith.index_cast %get3A_706 : i32 to index
      %get3A_709 = arith.index_cast %get3A_707 : i32 to index
      %get3A_710 = arith.index_cast %mul3A_595 : i32 to index
      %get3A_711 = tpu.vector_load %arg7[%get3A_708, %get3A_709, %get3A_710] {strides = array<i32>} : memref<2x8x2048xi32, #tpu.memory_space<vmem>>, vector<16xi32>,
      %gather3A_712 = tpu.vector_load_idx %arg8[%get3A_711] : memref<16xf32, #tpu.memory_space<vmem>>[vector<16xi32>], vector<16xf32>,
      %convert_element_type3A_713 = arith.sitofp %get3A_711 : vector<16xi32> to vector<16xf32>
      %sub3A_714 = arith.subf %get3A_705, %convert_element_type3A_713 : vector<16xf32>
      %mul3A_715 = arith.mulf %sub3A_714, %sub3A_714 : vector<16xf32>
      %mul3A_716 = arith.mulf %gather3A_712, %mul3A_715 : vector<16xf32>
      %add3A_717 = arith.addf %scan3A_592, %mul3A_716 : vector<16xf32>
      %get3A_718 = arith.constant 0 : i32
      %get3A_719 = arith.constant 7 : i32
      %get3A_720 = arith.index_cast %get3A_718 : i32 to index
      %get3A_721 = arith.index_cast %get3A_719 : i32 to index
      %get3A_722 = arith.index_cast %mul3A_595 : i32 to index
      %get3A_723 = tpu.vector_load %arg6[%get3A_720, %get3A_721, %get3A_722] {strides = array<i32>} : memref<2x8x2048xf32, #tpu.memory_space<vmem>>, vector<16xf32>,
      %get3A_724 = arith.constant 0 : i32
      %get3A_725 = arith.constant 7 : i32
      %get3A_726 = arith.index_cast %get3A_724 : i32 to index
      %get3A_727 = arith.index_cast %get3A_725 : i32 to index
      %get3A_728 = arith.index_cast %mul3A_595 : i32 to index
      %get3A_729 = tpu.vector_load %arg7[%get3A_726, %get3A_727, %get3A_728] {strides = array<i32>} : memref<2x8x2048xi32, #tpu.memory_space<vmem>>, vector<16xi32>,
      %gather3A_730 = tpu.vector_load_idx %arg8[%get3A_729] : memref<16xf32, #tpu.memory_space<vmem>>[vector<16xi32>], vector<16xf32>,
      %convert_element_type3A_731 = arith.sitofp %get3A_729 : vector<16xi32> to vector<16xf32>
      %sub3A_732 = arith.subf %get3A_723, %convert_element_type3A_731 : vector<16xf32>
      %mul3A_733 = arith.mulf %sub3A_732, %sub3A_732 : vector<16xf32>
      %mul3A_734 = arith.mulf %gather3A_730, %mul3A_733 : vector<16xf32>
      %add3A_735 = arith.addf %scan3A_593, %mul3A_734 : vector<16xf32>
      scf.yield %add3A_609, %add3A_627, %add3A_645, %add3A_663, %add3A_681, %add3A_699, %add3A_717, %add3A_735 : vector<16xf32>, vector<16xf32>, vector<16xf32>, vector<16xf32>, vector<16xf32>, vector<16xf32>, vector<16xf32>, vector<16xf32>
    }
    %scan3A_394 = arith.constant 128 : i32
    %add3A_395 = arith.constant 48 : i32
    %add3A_396 = arith.addi %mul3A_2, %add3A_395 : i32
    %dma_start3A_397 = arith.constant 0 : i32
    %dma_start3A_398 = arith.constant 0 : i32
    %dma_start3A_399 = arith.constant 0 : i32
    %dma_start3A_400 = arith.constant 0 : i32
    %dma_start3A_401 = tpu.memref_slice %arg6[%dma_start3A_397, %dma_start3A_399, %dma_start3A_400] : memref<2x8x2048xf32, #tpu.memory_space<vmem>> -> memref<1x8x2048xf32, #tpu.memory_space<vmem>>
    %dma_start3A_402 = tpu.memref_squeeze %dma_start3A_401 : memref<1x8x2048xf32, #tpu.memory_space<vmem>> -> memref<8x2048xf32, #tpu.memory_space<vmem>>
    %dma_start3A_403 = arith.constant 0 : i32
    %dma_start3A_404 = tpu.memref_slice %arg2[%add3A_396, %dma_start3A_403] : memref<4096x2048xf32, #tpu.memory_space<hbm>> -> memref<8x2048xf32, #tpu.memory_space<hbm>>
    %dma_start3A_405 = tpu.memref_slice %arg10[%dma_start3A_398] : memref<2x!tpu.dma_semaphore, #tpu.memory_space<semaphore_mem>> -> memref<1x!tpu.dma_semaphore, #tpu.memory_space<semaphore_mem>>
    %dma_start3A_406 = tpu.memref_squeeze %dma_start3A_405 : memref<1x!tpu.dma_semaphore, #tpu.memory_space<semaphore_mem>> -> memref<!tpu.dma_semaphore, #tpu.memory_space<semaphore_mem>>
    %dma_start3A_407 = arith.constant 0 : i32
    %dma_start3A_408 = arith.constant 0 : i32
    %dma_start3A_409 = tpu.memref_slice %arg6[%dma_start3A_397, %dma_start3A_407, %dma_start3A_408] : memref<2x8x2048xf32, #tpu.memory_space<vmem>> -> memref<1x8x2048xf32, #tpu.memory_space<vmem>>
    %dma_start3A_410 = tpu.memref_squeeze %dma_start3A_409 : memref<1x8x2048xf32, #tpu.memory_space<vmem>> -> memref<8x2048xf32, #tpu.memory_space<vmem>>
    %dma_start3A_411 = arith.constant 0 : i32
    %dma_start3A_412 = tpu.memref_slice %arg2[%add3A_396, %dma_start3A_411] : memref<4096x2048xf32, #tpu.memory_space<hbm>> -> memref<8x2048xf32, #tpu.memory_space<hbm>>
    tpu.enqueue_dma source(%dma_start3A_412 : memref<8x2048xf32, #tpu.memory_space<hbm>>) target(%dma_start3A_410 : memref<8x2048xf32, #tpu.memory_space<vmem>>) target_semaphore(%dma_start3A_406 : memref<!tpu.dma_semaphore, #tpu.memory_space<semaphore_mem>>)
    %dma_start3A_413 = arith.constant 0 : i32
    %dma_start3A_414 = arith.constant 0 : i32
    %dma_start3A_415 = arith.constant 0 : i32
    %dma_start3A_416 = arith.constant 0 : i32
    %dma_start3A_417 = tpu.memref_slice %arg7[%dma_start3A_413, %dma_start3A_415, %dma_start3A_416] : memref<2x8x2048xi32, #tpu.memory_space<vmem>> -> memref<1x8x2048xi32, #tpu.memory_space<vmem>>
    %dma_start3A_418 = tpu.memref_squeeze %dma_start3A_417 : memref<1x8x2048xi32, #tpu.memory_space<vmem>> -> memref<8x2048xi32, #tpu.memory_space<vmem>>
    %dma_start3A_419 = arith.constant 0 : i32
    %dma_start3A_420 = tpu.memref_slice %arg3[%add3A_396, %dma_start3A_419] : memref<4096x2048xi32, #tpu.memory_space<hbm>> -> memref<8x2048xi32, #tpu.memory_space<hbm>>
    %dma_start3A_421 = tpu.memref_slice %arg10[%dma_start3A_414] : memref<2x!tpu.dma_semaphore, #tpu.memory_space<semaphore_mem>> -> memref<1x!tpu.dma_semaphore, #tpu.memory_space<semaphore_mem>>
    %dma_start3A_422 = tpu.memref_squeeze %dma_start3A_421 : memref<1x!tpu.dma_semaphore, #tpu.memory_space<semaphore_mem>> -> memref<!tpu.dma_semaphore, #tpu.memory_space<semaphore_mem>>
    %dma_start3A_423 = arith.constant 0 : i32
    %dma_start3A_424 = arith.constant 0 : i32
    %dma_start3A_425 = tpu.memref_slice %arg7[%dma_start3A_413, %dma_start3A_423, %dma_start3A_424] : memref<2x8x2048xi32, #tpu.memory_space<vmem>> -> memref<1x8x2048xi32, #tpu.memory_space<vmem>>
    %dma_start3A_426 = tpu.memref_squeeze %dma_start3A_425 : memref<1x8x2048xi32, #tpu.memory_space<vmem>> -> memref<8x2048xi32, #tpu.memory_space<vmem>>
    %dma_start3A_427 = arith.constant 0 : i32
    %dma_start3A_428 = tpu.memref_slice %arg3[%add3A_396, %dma_start3A_427] : memref<4096x2048xi32, #tpu.memory_space<hbm>> -> memref<8x2048xi32, #tpu.memory_space<hbm>>
    tpu.enqueue_dma source(%dma_start3A_428 : memref<8x2048xi32, #tpu.memory_space<hbm>>) target(%dma_start3A_426 : memref<8x2048xi32, #tpu.memory_space<vmem>>) target_semaphore(%dma_start3A_422 : memref<!tpu.dma_semaphore, #tpu.memory_space<semaphore_mem>>)
    %dma_wait3A_429 = arith.constant 1 : i32
    %dma_wait3A_430 = arith.constant 1 : i32
    %dma_wait3A_431 = arith.constant 0 : i32
    %dma_wait3A_432 = arith.constant 0 : i32
    %dma_wait3A_433 = tpu.memref_slice %arg6[%dma_wait3A_429, %dma_wait3A_431, %dma_wait3A_432] : memref<2x8x2048xf32, #tpu.memory_space<vmem>> -> memref<1x8x2048xf32, #tpu.memory_space<vmem>>
    %dma_wait3A_434 = tpu.memref_squeeze %dma_wait3A_433 : memref<1x8x2048xf32, #tpu.memory_space<vmem>> -> memref<8x2048xf32, #tpu.memory_space<vmem>>
    %dma_wait3A_435 = arith.constant 0 : i32
    %dma_wait3A_436 = tpu.memref_slice %arg2[%add3A_324, %dma_wait3A_435] : memref<4096x2048xf32, #tpu.memory_space<hbm>> -> memref<8x2048xf32, #tpu.memory_space<hbm>>
    %dma_wait3A_437 = tpu.memref_slice %arg10[%dma_wait3A_430] : memref<2x!tpu.dma_semaphore, #tpu.memory_space<semaphore_mem>> -> memref<1x!tpu.dma_semaphore, #tpu.memory_space<semaphore_mem>>
    %dma_wait3A_438 = tpu.memref_squeeze %dma_wait3A_437 : memref<1x!tpu.dma_semaphore, #tpu.memory_space<semaphore_mem>> -> memref<!tpu.dma_semaphore, #tpu.memory_space<semaphore_mem>>
    %dma_wait3A_439 = arith.constant 0 : i32
    %dma_wait3A_440 = arith.constant 0 : i32
    %dma_wait3A_441 = tpu.memref_slice %arg6[%dma_wait3A_429, %dma_wait3A_439, %dma_wait3A_440] : memref<2x8x2048xf32, #tpu.memory_space<vmem>> -> memref<1x8x2048xf32, #tpu.memory_space<vmem>>
    %dma_wait3A_442 = tpu.memref_squeeze %dma_wait3A_441 : memref<1x8x2048xf32, #tpu.memory_space<vmem>> -> memref<8x2048xf32, #tpu.memory_space<vmem>>
    %dma_wait3A_443 = arith.constant 0 : i32
    %dma_wait3A_444 = tpu.memref_slice %arg2[%add3A_324, %dma_wait3A_443] : memref<4096x2048xf32, #tpu.memory_space<hbm>> -> memref<8x2048xf32, #tpu.memory_space<hbm>>
    tpu.wait_dma2 semaphore(%dma_wait3A_438 : memref<!tpu.dma_semaphore, #tpu.memory_space<semaphore_mem>>) src(%dma_wait3A_444 : memref<8x2048xf32, #tpu.memory_space<hbm>>) dst(%dma_wait3A_442 : memref<8x2048xf32, #tpu.memory_space<vmem>>)
    %dma_wait3A_445 = arith.constant 1 : i32
    %dma_wait3A_446 = arith.constant 1 : i32
    %dma_wait3A_447 = arith.constant 0 : i32
    %dma_wait3A_448 = arith.constant 0 : i32
    %dma_wait3A_449 = tpu.memref_slice %arg7[%dma_wait3A_445, %dma_wait3A_447, %dma_wait3A_448] : memref<2x8x2048xi32, #tpu.memory_space<vmem>> -> memref<1x8x2048xi32, #tpu.memory_space<vmem>>
    %dma_wait3A_450 = tpu.memref_squeeze %dma_wait3A_449 : memref<1x8x2048xi32, #tpu.memory_space<vmem>> -> memref<8x2048xi32, #tpu.memory_space<vmem>>
    %dma_wait3A_451 = arith.constant 0 : i32
    %dma_wait3A_452 = tpu.memref_slice %arg3[%add3A_324, %dma_wait3A_451] : memref<4096x2048xi32, #tpu.memory_space<hbm>> -> memref<8x2048xi32, #tpu.memory_space<hbm>>
    %dma_wait3A_453 = tpu.memref_slice %arg10[%dma_wait3A_446] : memref<2x!tpu.dma_semaphore, #tpu.memory_space<semaphore_mem>> -> memref<1x!tpu.dma_semaphore, #tpu.memory_space<semaphore_mem>>
    %dma_wait3A_454 = tpu.memref_squeeze %dma_wait3A_453 : memref<1x!tpu.dma_semaphore, #tpu.memory_space<semaphore_mem>> -> memref<!tpu.dma_semaphore, #tpu.memory_space<semaphore_mem>>
    %dma_wait3A_455 = arith.constant 0 : i32
    %dma_wait3A_456 = arith.constant 0 : i32
    %dma_wait3A_457 = tpu.memref_slice %arg7[%dma_wait3A_445, %dma_wait3A_455, %dma_wait3A_456] : memref<2x8x2048xi32, #tpu.memory_space<vmem>> -> memref<1x8x2048xi32, #tpu.memory_space<vmem>>
    %dma_wait3A_458 = tpu.memref_squeeze %dma_wait3A_457 : memref<1x8x2048xi32, #tpu.memory_space<vmem>> -> memref<8x2048xi32, #tpu.memory_space<vmem>>
    %dma_wait3A_459 = arith.constant 0 : i32
    %dma_wait3A_460 = tpu.memref_slice %arg3[%add3A_324, %dma_wait3A_459] : memref<4096x2048xi32, #tpu.memory_space<hbm>> -> memref<8x2048xi32, #tpu.memory_space<hbm>>
    tpu.wait_dma2 semaphore(%dma_wait3A_454 : memref<!tpu.dma_semaphore, #tpu.memory_space<semaphore_mem>>) src(%dma_wait3A_460 : memref<8x2048xi32, #tpu.memory_space<hbm>>) dst(%dma_wait3A_458 : memref<8x2048xi32, #tpu.memory_space<vmem>>)
    %scan3A_461 = arith.constant 0 : i32
    %scan3A_462 = arith.constant 128 : i32
    %scan3A_463 = arith.addi %scan3A_461, %scan3A_462 : i32
    %scan3A_464 = arith.constant 1 : i32
    %scan3A_465:8 = scf.for %scan3A_585 = %scan3A_461 to %scan3A_463 step %scan3A_464 iter_args(%scan3A_586 = %scan3A_393#0, %scan3A_587 = %scan3A_393#1, %scan3A_588 = %scan3A_393#2, %scan3A_589 = %scan3A_393#3, %scan3A_590 = %scan3A_393#4, %scan3A_591 = %scan3A_393#5, %scan3A_592 = %scan3A_393#6, %scan3A_593 = %scan3A_393#7) -> (vector<16xf32>, vector<16xf32>, vector<16xf32>, vector<16xf32>, vector<16xf32>, vector<16xf32>, vector<16xf32>, vector<16xf32>)  : i32 {
      %mul3A_594 = arith.constant 16 : i32
      %mul3A_595 = arith.muli %scan3A_585, %mul3A_594 : i32
      %get3A = arith.constant 1 : i32
      %get3A_596 = arith.constant 0 : i32
      %get3A_597 = arith.index_cast %get3A : i32 to index
      %get3A_598 = arith.index_cast %get3A_596 : i32 to index
      %get3A_599 = arith.index_cast %mul3A_595 : i32 to index
      %get3A_600 = tpu.vector_load %arg6[%get3A_597, %get3A_598, %get3A_599] {strides = array<i32>} : memref<2x8x2048xf32, #tpu.memory_space<vmem>>, vector<16xf32>,
      %get3A_601 = arith.constant 1 : i32
      %get3A_602 = arith.constant 0 : i32
      %get3A_603 = arith.index_cast %get3A_601 : i32 to index
      %get3A_604 = arith.index_cast %get3A_602 : i32 to index
      %get3A_605 = arith.index_cast %mul3A_595 : i32 to index
      %get3A_606 = tpu.vector_load %arg7[%get3A_603, %get3A_604, %get3A_605] {strides = array<i32>} : memref<2x8x2048xi32, #tpu.memory_space<vmem>>, vector<16xi32>,
      %gather3A = tpu.vector_load_idx %arg8[%get3A_606] : memref<16xf32, #tpu.memory_space<vmem>>[vector<16xi32>], vector<16xf32>,
      %convert_element_type3A = arith.sitofp %get3A_606 : vector<16xi32> to vector<16xf32>
      %sub3A = arith.subf %get3A_600, %convert_element_type3A : vector<16xf32>
      %mul3A_607 = arith.mulf %sub3A, %sub3A : vector<16xf32>
      %mul3A_608 = arith.mulf %gather3A, %mul3A_607 : vector<16xf32>
      %add3A_609 = arith.addf %scan3A_586, %mul3A_608 : vector<16xf32>
      %get3A_610 = arith.constant 1 : i32
      %get3A_611 = arith.constant 1 : i32
      %get3A_612 = arith.index_cast %get3A_610 : i32 to index
      %get3A_613 = arith.index_cast %get3A_611 : i32 to index
      %get3A_614 = arith.index_cast %mul3A_595 : i32 to index
      %get3A_615 = tpu.vector_load %arg6[%get3A_612, %get3A_613, %get3A_614] {strides = array<i32>} : memref<2x8x2048xf32, #tpu.memory_space<vmem>>, vector<16xf32>,
      %get3A_616 = arith.constant 1 : i32
      %get3A_617 = arith.constant 1 : i32
      %get3A_618 = arith.index_cast %get3A_616 : i32 to index
      %get3A_619 = arith.index_cast %get3A_617 : i32 to index
      %get3A_620 = arith.index_cast %mul3A_595 : i32 to index
      %get3A_621 = tpu.vector_load %arg7[%get3A_618, %get3A_619, %get3A_620] {strides = array<i32>} : memref<2x8x2048xi32, #tpu.memory_space<vmem>>, vector<16xi32>,
      %gather3A_622 = tpu.vector_load_idx %arg8[%get3A_621] : memref<16xf32, #tpu.memory_space<vmem>>[vector<16xi32>], vector<16xf32>,
      %convert_element_type3A_623 = arith.sitofp %get3A_621 : vector<16xi32> to vector<16xf32>
      %sub3A_624 = arith.subf %get3A_615, %convert_element_type3A_623 : vector<16xf32>
      %mul3A_625 = arith.mulf %sub3A_624, %sub3A_624 : vector<16xf32>
      %mul3A_626 = arith.mulf %gather3A_622, %mul3A_625 : vector<16xf32>
      %add3A_627 = arith.addf %scan3A_587, %mul3A_626 : vector<16xf32>
      %get3A_628 = arith.constant 1 : i32
      %get3A_629 = arith.constant 2 : i32
      %get3A_630 = arith.index_cast %get3A_628 : i32 to index
      %get3A_631 = arith.index_cast %get3A_629 : i32 to index
      %get3A_632 = arith.index_cast %mul3A_595 : i32 to index
      %get3A_633 = tpu.vector_load %arg6[%get3A_630, %get3A_631, %get3A_632] {strides = array<i32>} : memref<2x8x2048xf32, #tpu.memory_space<vmem>>, vector<16xf32>,
      %get3A_634 = arith.constant 1 : i32
      %get3A_635 = arith.constant 2 : i32
      %get3A_636 = arith.index_cast %get3A_634 : i32 to index
      %get3A_637 = arith.index_cast %get3A_635 : i32 to index
      %get3A_638 = arith.index_cast %mul3A_595 : i32 to index
      %get3A_639 = tpu.vector_load %arg7[%get3A_636, %get3A_637, %get3A_638] {strides = array<i32>} : memref<2x8x2048xi32, #tpu.memory_space<vmem>>, vector<16xi32>,
      %gather3A_640 = tpu.vector_load_idx %arg8[%get3A_639] : memref<16xf32, #tpu.memory_space<vmem>>[vector<16xi32>], vector<16xf32>,
      %convert_element_type3A_641 = arith.sitofp %get3A_639 : vector<16xi32> to vector<16xf32>
      %sub3A_642 = arith.subf %get3A_633, %convert_element_type3A_641 : vector<16xf32>
      %mul3A_643 = arith.mulf %sub3A_642, %sub3A_642 : vector<16xf32>
      %mul3A_644 = arith.mulf %gather3A_640, %mul3A_643 : vector<16xf32>
      %add3A_645 = arith.addf %scan3A_588, %mul3A_644 : vector<16xf32>
      %get3A_646 = arith.constant 1 : i32
      %get3A_647 = arith.constant 3 : i32
      %get3A_648 = arith.index_cast %get3A_646 : i32 to index
      %get3A_649 = arith.index_cast %get3A_647 : i32 to index
      %get3A_650 = arith.index_cast %mul3A_595 : i32 to index
      %get3A_651 = tpu.vector_load %arg6[%get3A_648, %get3A_649, %get3A_650] {strides = array<i32>} : memref<2x8x2048xf32, #tpu.memory_space<vmem>>, vector<16xf32>,
      %get3A_652 = arith.constant 1 : i32
      %get3A_653 = arith.constant 3 : i32
      %get3A_654 = arith.index_cast %get3A_652 : i32 to index
      %get3A_655 = arith.index_cast %get3A_653 : i32 to index
      %get3A_656 = arith.index_cast %mul3A_595 : i32 to index
      %get3A_657 = tpu.vector_load %arg7[%get3A_654, %get3A_655, %get3A_656] {strides = array<i32>} : memref<2x8x2048xi32, #tpu.memory_space<vmem>>, vector<16xi32>,
      %gather3A_658 = tpu.vector_load_idx %arg8[%get3A_657] : memref<16xf32, #tpu.memory_space<vmem>>[vector<16xi32>], vector<16xf32>,
      %convert_element_type3A_659 = arith.sitofp %get3A_657 : vector<16xi32> to vector<16xf32>
      %sub3A_660 = arith.subf %get3A_651, %convert_element_type3A_659 : vector<16xf32>
      %mul3A_661 = arith.mulf %sub3A_660, %sub3A_660 : vector<16xf32>
      %mul3A_662 = arith.mulf %gather3A_658, %mul3A_661 : vector<16xf32>
      %add3A_663 = arith.addf %scan3A_589, %mul3A_662 : vector<16xf32>
      %get3A_664 = arith.constant 1 : i32
      %get3A_665 = arith.constant 4 : i32
      %get3A_666 = arith.index_cast %get3A_664 : i32 to index
      %get3A_667 = arith.index_cast %get3A_665 : i32 to index
      %get3A_668 = arith.index_cast %mul3A_595 : i32 to index
      %get3A_669 = tpu.vector_load %arg6[%get3A_666, %get3A_667, %get3A_668] {strides = array<i32>} : memref<2x8x2048xf32, #tpu.memory_space<vmem>>, vector<16xf32>,
      %get3A_670 = arith.constant 1 : i32
      %get3A_671 = arith.constant 4 : i32
      %get3A_672 = arith.index_cast %get3A_670 : i32 to index
      %get3A_673 = arith.index_cast %get3A_671 : i32 to index
      %get3A_674 = arith.index_cast %mul3A_595 : i32 to index
      %get3A_675 = tpu.vector_load %arg7[%get3A_672, %get3A_673, %get3A_674] {strides = array<i32>} : memref<2x8x2048xi32, #tpu.memory_space<vmem>>, vector<16xi32>,
      %gather3A_676 = tpu.vector_load_idx %arg8[%get3A_675] : memref<16xf32, #tpu.memory_space<vmem>>[vector<16xi32>], vector<16xf32>,
      %convert_element_type3A_677 = arith.sitofp %get3A_675 : vector<16xi32> to vector<16xf32>
      %sub3A_678 = arith.subf %get3A_669, %convert_element_type3A_677 : vector<16xf32>
      %mul3A_679 = arith.mulf %sub3A_678, %sub3A_678 : vector<16xf32>
      %mul3A_680 = arith.mulf %gather3A_676, %mul3A_679 : vector<16xf32>
      %add3A_681 = arith.addf %scan3A_590, %mul3A_680 : vector<16xf32>
      %get3A_682 = arith.constant 1 : i32
      %get3A_683 = arith.constant 5 : i32
      %get3A_684 = arith.index_cast %get3A_682 : i32 to index
      %get3A_685 = arith.index_cast %get3A_683 : i32 to index
      %get3A_686 = arith.index_cast %mul3A_595 : i32 to index
      %get3A_687 = tpu.vector_load %arg6[%get3A_684, %get3A_685, %get3A_686] {strides = array<i32>} : memref<2x8x2048xf32, #tpu.memory_space<vmem>>, vector<16xf32>,
      %get3A_688 = arith.constant 1 : i32
      %get3A_689 = arith.constant 5 : i32
      %get3A_690 = arith.index_cast %get3A_688 : i32 to index
      %get3A_691 = arith.index_cast %get3A_689 : i32 to index
      %get3A_692 = arith.index_cast %mul3A_595 : i32 to index
      %get3A_693 = tpu.vector_load %arg7[%get3A_690, %get3A_691, %get3A_692] {strides = array<i32>} : memref<2x8x2048xi32, #tpu.memory_space<vmem>>, vector<16xi32>,
      %gather3A_694 = tpu.vector_load_idx %arg8[%get3A_693] : memref<16xf32, #tpu.memory_space<vmem>>[vector<16xi32>], vector<16xf32>,
      %convert_element_type3A_695 = arith.sitofp %get3A_693 : vector<16xi32> to vector<16xf32>
      %sub3A_696 = arith.subf %get3A_687, %convert_element_type3A_695 : vector<16xf32>
      %mul3A_697 = arith.mulf %sub3A_696, %sub3A_696 : vector<16xf32>
      %mul3A_698 = arith.mulf %gather3A_694, %mul3A_697 : vector<16xf32>
      %add3A_699 = arith.addf %scan3A_591, %mul3A_698 : vector<16xf32>
      %get3A_700 = arith.constant 1 : i32
      %get3A_701 = arith.constant 6 : i32
      %get3A_702 = arith.index_cast %get3A_700 : i32 to index
      %get3A_703 = arith.index_cast %get3A_701 : i32 to index
      %get3A_704 = arith.index_cast %mul3A_595 : i32 to index
      %get3A_705 = tpu.vector_load %arg6[%get3A_702, %get3A_703, %get3A_704] {strides = array<i32>} : memref<2x8x2048xf32, #tpu.memory_space<vmem>>, vector<16xf32>,
      %get3A_706 = arith.constant 1 : i32
      %get3A_707 = arith.constant 6 : i32
      %get3A_708 = arith.index_cast %get3A_706 : i32 to index
      %get3A_709 = arith.index_cast %get3A_707 : i32 to index
      %get3A_710 = arith.index_cast %mul3A_595 : i32 to index
      %get3A_711 = tpu.vector_load %arg7[%get3A_708, %get3A_709, %get3A_710] {strides = array<i32>} : memref<2x8x2048xi32, #tpu.memory_space<vmem>>, vector<16xi32>,
      %gather3A_712 = tpu.vector_load_idx %arg8[%get3A_711] : memref<16xf32, #tpu.memory_space<vmem>>[vector<16xi32>], vector<16xf32>,
      %convert_element_type3A_713 = arith.sitofp %get3A_711 : vector<16xi32> to vector<16xf32>
      %sub3A_714 = arith.subf %get3A_705, %convert_element_type3A_713 : vector<16xf32>
      %mul3A_715 = arith.mulf %sub3A_714, %sub3A_714 : vector<16xf32>
      %mul3A_716 = arith.mulf %gather3A_712, %mul3A_715 : vector<16xf32>
      %add3A_717 = arith.addf %scan3A_592, %mul3A_716 : vector<16xf32>
      %get3A_718 = arith.constant 1 : i32
      %get3A_719 = arith.constant 7 : i32
      %get3A_720 = arith.index_cast %get3A_718 : i32 to index
      %get3A_721 = arith.index_cast %get3A_719 : i32 to index
      %get3A_722 = arith.index_cast %mul3A_595 : i32 to index
      %get3A_723 = tpu.vector_load %arg6[%get3A_720, %get3A_721, %get3A_722] {strides = array<i32>} : memref<2x8x2048xf32, #tpu.memory_space<vmem>>, vector<16xf32>,
      %get3A_724 = arith.constant 1 : i32
      %get3A_725 = arith.constant 7 : i32
      %get3A_726 = arith.index_cast %get3A_724 : i32 to index
      %get3A_727 = arith.index_cast %get3A_725 : i32 to index
      %get3A_728 = arith.index_cast %mul3A_595 : i32 to index
      %get3A_729 = tpu.vector_load %arg7[%get3A_726, %get3A_727, %get3A_728] {strides = array<i32>} : memref<2x8x2048xi32, #tpu.memory_space<vmem>>, vector<16xi32>,
      %gather3A_730 = tpu.vector_load_idx %arg8[%get3A_729] : memref<16xf32, #tpu.memory_space<vmem>>[vector<16xi32>], vector<16xf32>,
      %convert_element_type3A_731 = arith.sitofp %get3A_729 : vector<16xi32> to vector<16xf32>
      %sub3A_732 = arith.subf %get3A_723, %convert_element_type3A_731 : vector<16xf32>
      %mul3A_733 = arith.mulf %sub3A_732, %sub3A_732 : vector<16xf32>
      %mul3A_734 = arith.mulf %gather3A_730, %mul3A_733 : vector<16xf32>
      %add3A_735 = arith.addf %scan3A_593, %mul3A_734 : vector<16xf32>
      scf.yield %add3A_609, %add3A_627, %add3A_645, %add3A_663, %add3A_681, %add3A_699, %add3A_717, %add3A_735 : vector<16xf32>, vector<16xf32>, vector<16xf32>, vector<16xf32>, vector<16xf32>, vector<16xf32>, vector<16xf32>, vector<16xf32>
    }
    %scan3A_466 = arith.constant 128 : i32
    %add3A_467 = arith.constant 56 : i32
    %add3A_468 = arith.addi %mul3A_2, %add3A_467 : i32
    %dma_start3A_469 = arith.constant 1 : i32
    %dma_start3A_470 = arith.constant 1 : i32
    %dma_start3A_471 = arith.constant 0 : i32
    %dma_start3A_472 = arith.constant 0 : i32
    %dma_start3A_473 = tpu.memref_slice %arg6[%dma_start3A_469, %dma_start3A_471, %dma_start3A_472] : memref<2x8x2048xf32, #tpu.memory_space<vmem>> -> memref<1x8x2048xf32, #tpu.memory_space<vmem>>
    %dma_start3A_474 = tpu.memref_squeeze %dma_start3A_473 : memref<1x8x2048xf32, #tpu.memory_space<vmem>> -> memref<8x2048xf32, #tpu.memory_space<vmem>>
    %dma_start3A_475 = arith.constant 0 : i32
    %dma_start3A_476 = tpu.memref_slice %arg2[%add3A_468, %dma_start3A_475] : memref<4096x2048xf32, #tpu.memory_space<hbm>> -> memref<8x2048xf32, #tpu.memory_space<hbm>>
    %dma_start3A_477 = tpu.memref_slice %arg10[%dma_start3A_470] : memref<2x!tpu.dma_semaphore, #tpu.memory_space<semaphore_mem>> -> memref<1x!tpu.dma_semaphore, #tpu.memory_space<semaphore_mem>>
    %dma_start3A_478 = tpu.memref_squeeze %dma_start3A_477 : memref<1x!tpu.dma_semaphore, #tpu.memory_space<semaphore_mem>> -> memref<!tpu.dma_semaphore, #tpu.memory_space<semaphore_mem>>
    %dma_start3A_479 = arith.constant 0 : i32
    %dma_start3A_480 = arith.constant 0 : i32
    %dma_start3A_481 = tpu.memref_slice %arg6[%dma_start3A_469, %dma_start3A_479, %dma_start3A_480] : memref<2x8x2048xf32, #tpu.memory_space<vmem>> -> memref<1x8x2048xf32, #tpu.memory_space<vmem>>
    %dma_start3A_482 = tpu.memref_squeeze %dma_start3A_481 : memref<1x8x2048xf32, #tpu.memory_space<vmem>> -> memref<8x2048xf32, #tpu.memory_space<vmem>>
    %dma_start3A_483 = arith.constant 0 : i32
    %dma_start3A_484 = tpu.memref_slice %arg2[%add3A_468, %dma_start3A_483] : memref<4096x2048xf32, #tpu.memory_space<hbm>> -> memref<8x2048xf32, #tpu.memory_space<hbm>>
    tpu.enqueue_dma source(%dma_start3A_484 : memref<8x2048xf32, #tpu.memory_space<hbm>>) target(%dma_start3A_482 : memref<8x2048xf32, #tpu.memory_space<vmem>>) target_semaphore(%dma_start3A_478 : memref<!tpu.dma_semaphore, #tpu.memory_space<semaphore_mem>>)
    %dma_start3A_485 = arith.constant 1 : i32
    %dma_start3A_486 = arith.constant 1 : i32
    %dma_start3A_487 = arith.constant 0 : i32
    %dma_start3A_488 = arith.constant 0 : i32
    %dma_start3A_489 = tpu.memref_slice %arg7[%dma_start3A_485, %dma_start3A_487, %dma_start3A_488] : memref<2x8x2048xi32, #tpu.memory_space<vmem>> -> memref<1x8x2048xi32, #tpu.memory_space<vmem>>
    %dma_start3A_490 = tpu.memref_squeeze %dma_start3A_489 : memref<1x8x2048xi32, #tpu.memory_space<vmem>> -> memref<8x2048xi32, #tpu.memory_space<vmem>>
    %dma_start3A_491 = arith.constant 0 : i32
    %dma_start3A_492 = tpu.memref_slice %arg3[%add3A_468, %dma_start3A_491] : memref<4096x2048xi32, #tpu.memory_space<hbm>> -> memref<8x2048xi32, #tpu.memory_space<hbm>>
    %dma_start3A_493 = tpu.memref_slice %arg10[%dma_start3A_486] : memref<2x!tpu.dma_semaphore, #tpu.memory_space<semaphore_mem>> -> memref<1x!tpu.dma_semaphore, #tpu.memory_space<semaphore_mem>>
    %dma_start3A_494 = tpu.memref_squeeze %dma_start3A_493 : memref<1x!tpu.dma_semaphore, #tpu.memory_space<semaphore_mem>> -> memref<!tpu.dma_semaphore, #tpu.memory_space<semaphore_mem>>
    %dma_start3A_495 = arith.constant 0 : i32
    %dma_start3A_496 = arith.constant 0 : i32
    %dma_start3A_497 = tpu.memref_slice %arg7[%dma_start3A_485, %dma_start3A_495, %dma_start3A_496] : memref<2x8x2048xi32, #tpu.memory_space<vmem>> -> memref<1x8x2048xi32, #tpu.memory_space<vmem>>
    %dma_start3A_498 = tpu.memref_squeeze %dma_start3A_497 : memref<1x8x2048xi32, #tpu.memory_space<vmem>> -> memref<8x2048xi32, #tpu.memory_space<vmem>>
    %dma_start3A_499 = arith.constant 0 : i32
    %dma_start3A_500 = tpu.memref_slice %arg3[%add3A_468, %dma_start3A_499] : memref<4096x2048xi32, #tpu.memory_space<hbm>> -> memref<8x2048xi32, #tpu.memory_space<hbm>>
    tpu.enqueue_dma source(%dma_start3A_500 : memref<8x2048xi32, #tpu.memory_space<hbm>>) target(%dma_start3A_498 : memref<8x2048xi32, #tpu.memory_space<vmem>>) target_semaphore(%dma_start3A_494 : memref<!tpu.dma_semaphore, #tpu.memory_space<semaphore_mem>>)
    %dma_wait3A_501 = arith.constant 0 : i32
    %dma_wait3A_502 = arith.constant 0 : i32
    %dma_wait3A_503 = arith.constant 0 : i32
    %dma_wait3A_504 = arith.constant 0 : i32
    %dma_wait3A_505 = tpu.memref_slice %arg6[%dma_wait3A_501, %dma_wait3A_503, %dma_wait3A_504] : memref<2x8x2048xf32, #tpu.memory_space<vmem>> -> memref<1x8x2048xf32, #tpu.memory_space<vmem>>
    %dma_wait3A_506 = tpu.memref_squeeze %dma_wait3A_505 : memref<1x8x2048xf32, #tpu.memory_space<vmem>> -> memref<8x2048xf32, #tpu.memory_space<vmem>>
    %dma_wait3A_507 = arith.constant 0 : i32
    %dma_wait3A_508 = tpu.memref_slice %arg2[%add3A_396, %dma_wait3A_507] : memref<4096x2048xf32, #tpu.memory_space<hbm>> -> memref<8x2048xf32, #tpu.memory_space<hbm>>
    %dma_wait3A_509 = tpu.memref_slice %arg10[%dma_wait3A_502] : memref<2x!tpu.dma_semaphore, #tpu.memory_space<semaphore_mem>> -> memref<1x!tpu.dma_semaphore, #tpu.memory_space<semaphore_mem>>
    %dma_wait3A_510 = tpu.memref_squeeze %dma_wait3A_509 : memref<1x!tpu.dma_semaphore, #tpu.memory_space<semaphore_mem>> -> memref<!tpu.dma_semaphore, #tpu.memory_space<semaphore_mem>>
    %dma_wait3A_511 = arith.constant 0 : i32
    %dma_wait3A_512 = arith.constant 0 : i32
    %dma_wait3A_513 = tpu.memref_slice %arg6[%dma_wait3A_501, %dma_wait3A_511, %dma_wait3A_512] : memref<2x8x2048xf32, #tpu.memory_space<vmem>> -> memref<1x8x2048xf32, #tpu.memory_space<vmem>>
    %dma_wait3A_514 = tpu.memref_squeeze %dma_wait3A_513 : memref<1x8x2048xf32, #tpu.memory_space<vmem>> -> memref<8x2048xf32, #tpu.memory_space<vmem>>
    %dma_wait3A_515 = arith.constant 0 : i32
    %dma_wait3A_516 = tpu.memref_slice %arg2[%add3A_396, %dma_wait3A_515] : memref<4096x2048xf32, #tpu.memory_space<hbm>> -> memref<8x2048xf32, #tpu.memory_space<hbm>>
    tpu.wait_dma2 semaphore(%dma_wait3A_510 : memref<!tpu.dma_semaphore, #tpu.memory_space<semaphore_mem>>) src(%dma_wait3A_516 : memref<8x2048xf32, #tpu.memory_space<hbm>>) dst(%dma_wait3A_514 : memref<8x2048xf32, #tpu.memory_space<vmem>>)
    %dma_wait3A_517 = arith.constant 0 : i32
    %dma_wait3A_518 = arith.constant 0 : i32
    %dma_wait3A_519 = arith.constant 0 : i32
    %dma_wait3A_520 = arith.constant 0 : i32
    %dma_wait3A_521 = tpu.memref_slice %arg7[%dma_wait3A_517, %dma_wait3A_519, %dma_wait3A_520] : memref<2x8x2048xi32, #tpu.memory_space<vmem>> -> memref<1x8x2048xi32, #tpu.memory_space<vmem>>
    %dma_wait3A_522 = tpu.memref_squeeze %dma_wait3A_521 : memref<1x8x2048xi32, #tpu.memory_space<vmem>> -> memref<8x2048xi32, #tpu.memory_space<vmem>>
    %dma_wait3A_523 = arith.constant 0 : i32
    %dma_wait3A_524 = tpu.memref_slice %arg3[%add3A_396, %dma_wait3A_523] : memref<4096x2048xi32, #tpu.memory_space<hbm>> -> memref<8x2048xi32, #tpu.memory_space<hbm>>
    %dma_wait3A_525 = tpu.memref_slice %arg10[%dma_wait3A_518] : memref<2x!tpu.dma_semaphore, #tpu.memory_space<semaphore_mem>> -> memref<1x!tpu.dma_semaphore, #tpu.memory_space<semaphore_mem>>
    %dma_wait3A_526 = tpu.memref_squeeze %dma_wait3A_525 : memref<1x!tpu.dma_semaphore, #tpu.memory_space<semaphore_mem>> -> memref<!tpu.dma_semaphore, #tpu.memory_space<semaphore_mem>>
    %dma_wait3A_527 = arith.constant 0 : i32
    %dma_wait3A_528 = arith.constant 0 : i32
    %dma_wait3A_529 = tpu.memref_slice %arg7[%dma_wait3A_517, %dma_wait3A_527, %dma_wait3A_528] : memref<2x8x2048xi32, #tpu.memory_space<vmem>> -> memref<1x8x2048xi32, #tpu.memory_space<vmem>>
    %dma_wait3A_530 = tpu.memref_squeeze %dma_wait3A_529 : memref<1x8x2048xi32, #tpu.memory_space<vmem>> -> memref<8x2048xi32, #tpu.memory_space<vmem>>
    %dma_wait3A_531 = arith.constant 0 : i32
    %dma_wait3A_532 = tpu.memref_slice %arg3[%add3A_396, %dma_wait3A_531] : memref<4096x2048xi32, #tpu.memory_space<hbm>> -> memref<8x2048xi32, #tpu.memory_space<hbm>>
    tpu.wait_dma2 semaphore(%dma_wait3A_526 : memref<!tpu.dma_semaphore, #tpu.memory_space<semaphore_mem>>) src(%dma_wait3A_532 : memref<8x2048xi32, #tpu.memory_space<hbm>>) dst(%dma_wait3A_530 : memref<8x2048xi32, #tpu.memory_space<vmem>>)
    %scan3A_533 = arith.constant 0 : i32
    %scan3A_534 = arith.constant 128 : i32
    %scan3A_535 = arith.addi %scan3A_533, %scan3A_534 : i32
    %scan3A_536 = arith.constant 1 : i32
    %scan3A_537:8 = scf.for %scan3A_585 = %scan3A_533 to %scan3A_535 step %scan3A_536 iter_args(%scan3A_586 = %scan3A_465#0, %scan3A_587 = %scan3A_465#1, %scan3A_588 = %scan3A_465#2, %scan3A_589 = %scan3A_465#3, %scan3A_590 = %scan3A_465#4, %scan3A_591 = %scan3A_465#5, %scan3A_592 = %scan3A_465#6, %scan3A_593 = %scan3A_465#7) -> (vector<16xf32>, vector<16xf32>, vector<16xf32>, vector<16xf32>, vector<16xf32>, vector<16xf32>, vector<16xf32>, vector<16xf32>)  : i32 {
      %mul3A_594 = arith.constant 16 : i32
      %mul3A_595 = arith.muli %scan3A_585, %mul3A_594 : i32
      %get3A = arith.constant 0 : i32
      %get3A_596 = arith.constant 0 : i32
      %get3A_597 = arith.index_cast %get3A : i32 to index
      %get3A_598 = arith.index_cast %get3A_596 : i32 to index
      %get3A_599 = arith.index_cast %mul3A_595 : i32 to index
      %get3A_600 = tpu.vector_load %arg6[%get3A_597, %get3A_598, %get3A_599] {strides = array<i32>} : memref<2x8x2048xf32, #tpu.memory_space<vmem>>, vector<16xf32>,
      %get3A_601 = arith.constant 0 : i32
      %get3A_602 = arith.constant 0 : i32
      %get3A_603 = arith.index_cast %get3A_601 : i32 to index
      %get3A_604 = arith.index_cast %get3A_602 : i32 to index
      %get3A_605 = arith.index_cast %mul3A_595 : i32 to index
      %get3A_606 = tpu.vector_load %arg7[%get3A_603, %get3A_604, %get3A_605] {strides = array<i32>} : memref<2x8x2048xi32, #tpu.memory_space<vmem>>, vector<16xi32>,
      %gather3A = tpu.vector_load_idx %arg8[%get3A_606] : memref<16xf32, #tpu.memory_space<vmem>>[vector<16xi32>], vector<16xf32>,
      %convert_element_type3A = arith.sitofp %get3A_606 : vector<16xi32> to vector<16xf32>
      %sub3A = arith.subf %get3A_600, %convert_element_type3A : vector<16xf32>
      %mul3A_607 = arith.mulf %sub3A, %sub3A : vector<16xf32>
      %mul3A_608 = arith.mulf %gather3A, %mul3A_607 : vector<16xf32>
      %add3A_609 = arith.addf %scan3A_586, %mul3A_608 : vector<16xf32>
      %get3A_610 = arith.constant 0 : i32
      %get3A_611 = arith.constant 1 : i32
      %get3A_612 = arith.index_cast %get3A_610 : i32 to index
      %get3A_613 = arith.index_cast %get3A_611 : i32 to index
      %get3A_614 = arith.index_cast %mul3A_595 : i32 to index
      %get3A_615 = tpu.vector_load %arg6[%get3A_612, %get3A_613, %get3A_614] {strides = array<i32>} : memref<2x8x2048xf32, #tpu.memory_space<vmem>>, vector<16xf32>,
      %get3A_616 = arith.constant 0 : i32
      %get3A_617 = arith.constant 1 : i32
      %get3A_618 = arith.index_cast %get3A_616 : i32 to index
      %get3A_619 = arith.index_cast %get3A_617 : i32 to index
      %get3A_620 = arith.index_cast %mul3A_595 : i32 to index
      %get3A_621 = tpu.vector_load %arg7[%get3A_618, %get3A_619, %get3A_620] {strides = array<i32>} : memref<2x8x2048xi32, #tpu.memory_space<vmem>>, vector<16xi32>,
      %gather3A_622 = tpu.vector_load_idx %arg8[%get3A_621] : memref<16xf32, #tpu.memory_space<vmem>>[vector<16xi32>], vector<16xf32>,
      %convert_element_type3A_623 = arith.sitofp %get3A_621 : vector<16xi32> to vector<16xf32>
      %sub3A_624 = arith.subf %get3A_615, %convert_element_type3A_623 : vector<16xf32>
      %mul3A_625 = arith.mulf %sub3A_624, %sub3A_624 : vector<16xf32>
      %mul3A_626 = arith.mulf %gather3A_622, %mul3A_625 : vector<16xf32>
      %add3A_627 = arith.addf %scan3A_587, %mul3A_626 : vector<16xf32>
      %get3A_628 = arith.constant 0 : i32
      %get3A_629 = arith.constant 2 : i32
      %get3A_630 = arith.index_cast %get3A_628 : i32 to index
      %get3A_631 = arith.index_cast %get3A_629 : i32 to index
      %get3A_632 = arith.index_cast %mul3A_595 : i32 to index
      %get3A_633 = tpu.vector_load %arg6[%get3A_630, %get3A_631, %get3A_632] {strides = array<i32>} : memref<2x8x2048xf32, #tpu.memory_space<vmem>>, vector<16xf32>,
      %get3A_634 = arith.constant 0 : i32
      %get3A_635 = arith.constant 2 : i32
      %get3A_636 = arith.index_cast %get3A_634 : i32 to index
      %get3A_637 = arith.index_cast %get3A_635 : i32 to index
      %get3A_638 = arith.index_cast %mul3A_595 : i32 to index
      %get3A_639 = tpu.vector_load %arg7[%get3A_636, %get3A_637, %get3A_638] {strides = array<i32>} : memref<2x8x2048xi32, #tpu.memory_space<vmem>>, vector<16xi32>,
      %gather3A_640 = tpu.vector_load_idx %arg8[%get3A_639] : memref<16xf32, #tpu.memory_space<vmem>>[vector<16xi32>], vector<16xf32>,
      %convert_element_type3A_641 = arith.sitofp %get3A_639 : vector<16xi32> to vector<16xf32>
      %sub3A_642 = arith.subf %get3A_633, %convert_element_type3A_641 : vector<16xf32>
      %mul3A_643 = arith.mulf %sub3A_642, %sub3A_642 : vector<16xf32>
      %mul3A_644 = arith.mulf %gather3A_640, %mul3A_643 : vector<16xf32>
      %add3A_645 = arith.addf %scan3A_588, %mul3A_644 : vector<16xf32>
      %get3A_646 = arith.constant 0 : i32
      %get3A_647 = arith.constant 3 : i32
      %get3A_648 = arith.index_cast %get3A_646 : i32 to index
      %get3A_649 = arith.index_cast %get3A_647 : i32 to index
      %get3A_650 = arith.index_cast %mul3A_595 : i32 to index
      %get3A_651 = tpu.vector_load %arg6[%get3A_648, %get3A_649, %get3A_650] {strides = array<i32>} : memref<2x8x2048xf32, #tpu.memory_space<vmem>>, vector<16xf32>,
      %get3A_652 = arith.constant 0 : i32
      %get3A_653 = arith.constant 3 : i32
      %get3A_654 = arith.index_cast %get3A_652 : i32 to index
      %get3A_655 = arith.index_cast %get3A_653 : i32 to index
      %get3A_656 = arith.index_cast %mul3A_595 : i32 to index
      %get3A_657 = tpu.vector_load %arg7[%get3A_654, %get3A_655, %get3A_656] {strides = array<i32>} : memref<2x8x2048xi32, #tpu.memory_space<vmem>>, vector<16xi32>,
      %gather3A_658 = tpu.vector_load_idx %arg8[%get3A_657] : memref<16xf32, #tpu.memory_space<vmem>>[vector<16xi32>], vector<16xf32>,
      %convert_element_type3A_659 = arith.sitofp %get3A_657 : vector<16xi32> to vector<16xf32>
      %sub3A_660 = arith.subf %get3A_651, %convert_element_type3A_659 : vector<16xf32>
      %mul3A_661 = arith.mulf %sub3A_660, %sub3A_660 : vector<16xf32>
      %mul3A_662 = arith.mulf %gather3A_658, %mul3A_661 : vector<16xf32>
      %add3A_663 = arith.addf %scan3A_589, %mul3A_662 : vector<16xf32>
      %get3A_664 = arith.constant 0 : i32
      %get3A_665 = arith.constant 4 : i32
      %get3A_666 = arith.index_cast %get3A_664 : i32 to index
      %get3A_667 = arith.index_cast %get3A_665 : i32 to index
      %get3A_668 = arith.index_cast %mul3A_595 : i32 to index
      %get3A_669 = tpu.vector_load %arg6[%get3A_666, %get3A_667, %get3A_668] {strides = array<i32>} : memref<2x8x2048xf32, #tpu.memory_space<vmem>>, vector<16xf32>,
      %get3A_670 = arith.constant 0 : i32
      %get3A_671 = arith.constant 4 : i32
      %get3A_672 = arith.index_cast %get3A_670 : i32 to index
      %get3A_673 = arith.index_cast %get3A_671 : i32 to index
      %get3A_674 = arith.index_cast %mul3A_595 : i32 to index
      %get3A_675 = tpu.vector_load %arg7[%get3A_672, %get3A_673, %get3A_674] {strides = array<i32>} : memref<2x8x2048xi32, #tpu.memory_space<vmem>>, vector<16xi32>,
      %gather3A_676 = tpu.vector_load_idx %arg8[%get3A_675] : memref<16xf32, #tpu.memory_space<vmem>>[vector<16xi32>], vector<16xf32>,
      %convert_element_type3A_677 = arith.sitofp %get3A_675 : vector<16xi32> to vector<16xf32>
      %sub3A_678 = arith.subf %get3A_669, %convert_element_type3A_677 : vector<16xf32>
      %mul3A_679 = arith.mulf %sub3A_678, %sub3A_678 : vector<16xf32>
      %mul3A_680 = arith.mulf %gather3A_676, %mul3A_679 : vector<16xf32>
      %add3A_681 = arith.addf %scan3A_590, %mul3A_680 : vector<16xf32>
      %get3A_682 = arith.constant 0 : i32
      %get3A_683 = arith.constant 5 : i32
      %get3A_684 = arith.index_cast %get3A_682 : i32 to index
      %get3A_685 = arith.index_cast %get3A_683 : i32 to index
      %get3A_686 = arith.index_cast %mul3A_595 : i32 to index
      %get3A_687 = tpu.vector_load %arg6[%get3A_684, %get3A_685, %get3A_686] {strides = array<i32>} : memref<2x8x2048xf32, #tpu.memory_space<vmem>>, vector<16xf32>,
      %get3A_688 = arith.constant 0 : i32
      %get3A_689 = arith.constant 5 : i32
      %get3A_690 = arith.index_cast %get3A_688 : i32 to index
      %get3A_691 = arith.index_cast %get3A_689 : i32 to index
      %get3A_692 = arith.index_cast %mul3A_595 : i32 to index
      %get3A_693 = tpu.vector_load %arg7[%get3A_690, %get3A_691, %get3A_692] {strides = array<i32>} : memref<2x8x2048xi32, #tpu.memory_space<vmem>>, vector<16xi32>,
      %gather3A_694 = tpu.vector_load_idx %arg8[%get3A_693] : memref<16xf32, #tpu.memory_space<vmem>>[vector<16xi32>], vector<16xf32>,
      %convert_element_type3A_695 = arith.sitofp %get3A_693 : vector<16xi32> to vector<16xf32>
      %sub3A_696 = arith.subf %get3A_687, %convert_element_type3A_695 : vector<16xf32>
      %mul3A_697 = arith.mulf %sub3A_696, %sub3A_696 : vector<16xf32>
      %mul3A_698 = arith.mulf %gather3A_694, %mul3A_697 : vector<16xf32>
      %add3A_699 = arith.addf %scan3A_591, %mul3A_698 : vector<16xf32>
      %get3A_700 = arith.constant 0 : i32
      %get3A_701 = arith.constant 6 : i32
      %get3A_702 = arith.index_cast %get3A_700 : i32 to index
      %get3A_703 = arith.index_cast %get3A_701 : i32 to index
      %get3A_704 = arith.index_cast %mul3A_595 : i32 to index
      %get3A_705 = tpu.vector_load %arg6[%get3A_702, %get3A_703, %get3A_704] {strides = array<i32>} : memref<2x8x2048xf32, #tpu.memory_space<vmem>>, vector<16xf32>,
      %get3A_706 = arith.constant 0 : i32
      %get3A_707 = arith.constant 6 : i32
      %get3A_708 = arith.index_cast %get3A_706 : i32 to index
      %get3A_709 = arith.index_cast %get3A_707 : i32 to index
      %get3A_710 = arith.index_cast %mul3A_595 : i32 to index
      %get3A_711 = tpu.vector_load %arg7[%get3A_708, %get3A_709, %get3A_710] {strides = array<i32>} : memref<2x8x2048xi32, #tpu.memory_space<vmem>>, vector<16xi32>,
      %gather3A_712 = tpu.vector_load_idx %arg8[%get3A_711] : memref<16xf32, #tpu.memory_space<vmem>>[vector<16xi32>], vector<16xf32>,
      %convert_element_type3A_713 = arith.sitofp %get3A_711 : vector<16xi32> to vector<16xf32>
      %sub3A_714 = arith.subf %get3A_705, %convert_element_type3A_713 : vector<16xf32>
      %mul3A_715 = arith.mulf %sub3A_714, %sub3A_714 : vector<16xf32>
      %mul3A_716 = arith.mulf %gather3A_712, %mul3A_715 : vector<16xf32>
      %add3A_717 = arith.addf %scan3A_592, %mul3A_716 : vector<16xf32>
      %get3A_718 = arith.constant 0 : i32
      %get3A_719 = arith.constant 7 : i32
      %get3A_720 = arith.index_cast %get3A_718 : i32 to index
      %get3A_721 = arith.index_cast %get3A_719 : i32 to index
      %get3A_722 = arith.index_cast %mul3A_595 : i32 to index
      %get3A_723 = tpu.vector_load %arg6[%get3A_720, %get3A_721, %get3A_722] {strides = array<i32>} : memref<2x8x2048xf32, #tpu.memory_space<vmem>>, vector<16xf32>,
      %get3A_724 = arith.constant 0 : i32
      %get3A_725 = arith.constant 7 : i32
      %get3A_726 = arith.index_cast %get3A_724 : i32 to index
      %get3A_727 = arith.index_cast %get3A_725 : i32 to index
      %get3A_728 = arith.index_cast %mul3A_595 : i32 to index
      %get3A_729 = tpu.vector_load %arg7[%get3A_726, %get3A_727, %get3A_728] {strides = array<i32>} : memref<2x8x2048xi32, #tpu.memory_space<vmem>>, vector<16xi32>,
      %gather3A_730 = tpu.vector_load_idx %arg8[%get3A_729] : memref<16xf32, #tpu.memory_space<vmem>>[vector<16xi32>], vector<16xf32>,
      %convert_element_type3A_731 = arith.sitofp %get3A_729 : vector<16xi32> to vector<16xf32>
      %sub3A_732 = arith.subf %get3A_723, %convert_element_type3A_731 : vector<16xf32>
      %mul3A_733 = arith.mulf %sub3A_732, %sub3A_732 : vector<16xf32>
      %mul3A_734 = arith.mulf %gather3A_730, %mul3A_733 : vector<16xf32>
      %add3A_735 = arith.addf %scan3A_593, %mul3A_734 : vector<16xf32>
      scf.yield %add3A_609, %add3A_627, %add3A_645, %add3A_663, %add3A_681, %add3A_699, %add3A_717, %add3A_735 : vector<16xf32>, vector<16xf32>, vector<16xf32>, vector<16xf32>, vector<16xf32>, vector<16xf32>, vector<16xf32>, vector<16xf32>
    }
    %scan3A_538 = arith.constant 128 : i32
    %dma_wait3A_539 = arith.constant 1 : i32
    %dma_wait3A_540 = arith.constant 1 : i32
    %dma_wait3A_541 = arith.constant 0 : i32
    %dma_wait3A_542 = arith.constant 0 : i32
    %dma_wait3A_543 = tpu.memref_slice %arg6[%dma_wait3A_539, %dma_wait3A_541, %dma_wait3A_542] : memref<2x8x2048xf32, #tpu.memory_space<vmem>> -> memref<1x8x2048xf32, #tpu.memory_space<vmem>>
    %dma_wait3A_544 = tpu.memref_squeeze %dma_wait3A_543 : memref<1x8x2048xf32, #tpu.memory_space<vmem>> -> memref<8x2048xf32, #tpu.memory_space<vmem>>
    %dma_wait3A_545 = arith.constant 0 : i32
    %dma_wait3A_546 = tpu.memref_slice %arg2[%add3A_468, %dma_wait3A_545] : memref<4096x2048xf32, #tpu.memory_space<hbm>> -> memref<8x2048xf32, #tpu.memory_space<hbm>>
    %dma_wait3A_547 = tpu.memref_slice %arg10[%dma_wait3A_540] : memref<2x!tpu.dma_semaphore, #tpu.memory_space<semaphore_mem>> -> memref<1x!tpu.dma_semaphore, #tpu.memory_space<semaphore_mem>>
    %dma_wait3A_548 = tpu.memref_squeeze %dma_wait3A_547 : memref<1x!tpu.dma_semaphore, #tpu.memory_space<semaphore_mem>> -> memref<!tpu.dma_semaphore, #tpu.memory_space<semaphore_mem>>
    %dma_wait3A_549 = arith.constant 0 : i32
    %dma_wait3A_550 = arith.constant 0 : i32
    %dma_wait3A_551 = tpu.memref_slice %arg6[%dma_wait3A_539, %dma_wait3A_549, %dma_wait3A_550] : memref<2x8x2048xf32, #tpu.memory_space<vmem>> -> memref<1x8x2048xf32, #tpu.memory_space<vmem>>
    %dma_wait3A_552 = tpu.memref_squeeze %dma_wait3A_551 : memref<1x8x2048xf32, #tpu.memory_space<vmem>> -> memref<8x2048xf32, #tpu.memory_space<vmem>>
    %dma_wait3A_553 = arith.constant 0 : i32
    %dma_wait3A_554 = tpu.memref_slice %arg2[%add3A_468, %dma_wait3A_553] : memref<4096x2048xf32, #tpu.memory_space<hbm>> -> memref<8x2048xf32, #tpu.memory_space<hbm>>
    tpu.wait_dma2 semaphore(%dma_wait3A_548 : memref<!tpu.dma_semaphore, #tpu.memory_space<semaphore_mem>>) src(%dma_wait3A_554 : memref<8x2048xf32, #tpu.memory_space<hbm>>) dst(%dma_wait3A_552 : memref<8x2048xf32, #tpu.memory_space<vmem>>)
    %dma_wait3A_555 = arith.constant 1 : i32
    %dma_wait3A_556 = arith.constant 1 : i32
    %dma_wait3A_557 = arith.constant 0 : i32
    %dma_wait3A_558 = arith.constant 0 : i32
    %dma_wait3A_559 = tpu.memref_slice %arg7[%dma_wait3A_555, %dma_wait3A_557, %dma_wait3A_558] : memref<2x8x2048xi32, #tpu.memory_space<vmem>> -> memref<1x8x2048xi32, #tpu.memory_space<vmem>>
    %dma_wait3A_560 = tpu.memref_squeeze %dma_wait3A_559 : memref<1x8x2048xi32, #tpu.memory_space<vmem>> -> memref<8x2048xi32, #tpu.memory_space<vmem>>
    %dma_wait3A_561 = arith.constant 0 : i32
    %dma_wait3A_562 = tpu.memref_slice %arg3[%add3A_468, %dma_wait3A_561] : memref<4096x2048xi32, #tpu.memory_space<hbm>> -> memref<8x2048xi32, #tpu.memory_space<hbm>>
    %dma_wait3A_563 = tpu.memref_slice %arg10[%dma_wait3A_556] : memref<2x!tpu.dma_semaphore, #tpu.memory_space<semaphore_mem>> -> memref<1x!tpu.dma_semaphore, #tpu.memory_space<semaphore_mem>>
    %dma_wait3A_564 = tpu.memref_squeeze %dma_wait3A_563 : memref<1x!tpu.dma_semaphore, #tpu.memory_space<semaphore_mem>> -> memref<!tpu.dma_semaphore, #tpu.memory_space<semaphore_mem>>
    %dma_wait3A_565 = arith.constant 0 : i32
    %dma_wait3A_566 = arith.constant 0 : i32
    %dma_wait3A_567 = tpu.memref_slice %arg7[%dma_wait3A_555, %dma_wait3A_565, %dma_wait3A_566] : memref<2x8x2048xi32, #tpu.memory_space<vmem>> -> memref<1x8x2048xi32, #tpu.memory_space<vmem>>
    %dma_wait3A_568 = tpu.memref_squeeze %dma_wait3A_567 : memref<1x8x2048xi32, #tpu.memory_space<vmem>> -> memref<8x2048xi32, #tpu.memory_space<vmem>>
    %dma_wait3A_569 = arith.constant 0 : i32
    %dma_wait3A_570 = tpu.memref_slice %arg3[%add3A_468, %dma_wait3A_569] : memref<4096x2048xi32, #tpu.memory_space<hbm>> -> memref<8x2048xi32, #tpu.memory_space<hbm>>
    tpu.wait_dma2 semaphore(%dma_wait3A_564 : memref<!tpu.dma_semaphore, #tpu.memory_space<semaphore_mem>>) src(%dma_wait3A_570 : memref<8x2048xi32, #tpu.memory_space<hbm>>) dst(%dma_wait3A_568 : memref<8x2048xi32, #tpu.memory_space<vmem>>)
    %scan3A_571 = arith.constant 0 : i32
    %scan3A_572 = arith.constant 128 : i32
    %scan3A_573 = arith.addi %scan3A_571, %scan3A_572 : i32
    %scan3A_574 = arith.constant 1 : i32
    %scan3A_575:8 = scf.for %scan3A_585 = %scan3A_571 to %scan3A_573 step %scan3A_574 iter_args(%scan3A_586 = %scan3A_537#0, %scan3A_587 = %scan3A_537#1, %scan3A_588 = %scan3A_537#2, %scan3A_589 = %scan3A_537#3, %scan3A_590 = %scan3A_537#4, %scan3A_591 = %scan3A_537#5, %scan3A_592 = %scan3A_537#6, %scan3A_593 = %scan3A_537#7) -> (vector<16xf32>, vector<16xf32>, vector<16xf32>, vector<16xf32>, vector<16xf32>, vector<16xf32>, vector<16xf32>, vector<16xf32>)  : i32 {
      %mul3A_594 = arith.constant 16 : i32
      %mul3A_595 = arith.muli %scan3A_585, %mul3A_594 : i32
      %get3A = arith.constant 1 : i32
      %get3A_596 = arith.constant 0 : i32
      %get3A_597 = arith.index_cast %get3A : i32 to index
      %get3A_598 = arith.index_cast %get3A_596 : i32 to index
      %get3A_599 = arith.index_cast %mul3A_595 : i32 to index
      %get3A_600 = tpu.vector_load %arg6[%get3A_597, %get3A_598, %get3A_599] {strides = array<i32>} : memref<2x8x2048xf32, #tpu.memory_space<vmem>>, vector<16xf32>,
      %get3A_601 = arith.constant 1 : i32
      %get3A_602 = arith.constant 0 : i32
      %get3A_603 = arith.index_cast %get3A_601 : i32 to index
      %get3A_604 = arith.index_cast %get3A_602 : i32 to index
      %get3A_605 = arith.index_cast %mul3A_595 : i32 to index
      %get3A_606 = tpu.vector_load %arg7[%get3A_603, %get3A_604, %get3A_605] {strides = array<i32>} : memref<2x8x2048xi32, #tpu.memory_space<vmem>>, vector<16xi32>,
      %gather3A = tpu.vector_load_idx %arg8[%get3A_606] : memref<16xf32, #tpu.memory_space<vmem>>[vector<16xi32>], vector<16xf32>,
      %convert_element_type3A = arith.sitofp %get3A_606 : vector<16xi32> to vector<16xf32>
      %sub3A = arith.subf %get3A_600, %convert_element_type3A : vector<16xf32>
      %mul3A_607 = arith.mulf %sub3A, %sub3A : vector<16xf32>
      %mul3A_608 = arith.mulf %gather3A, %mul3A_607 : vector<16xf32>
      %add3A_609 = arith.addf %scan3A_586, %mul3A_608 : vector<16xf32>
      %get3A_610 = arith.constant 1 : i32
      %get3A_611 = arith.constant 1 : i32
      %get3A_612 = arith.index_cast %get3A_610 : i32 to index
      %get3A_613 = arith.index_cast %get3A_611 : i32 to index
      %get3A_614 = arith.index_cast %mul3A_595 : i32 to index
      %get3A_615 = tpu.vector_load %arg6[%get3A_612, %get3A_613, %get3A_614] {strides = array<i32>} : memref<2x8x2048xf32, #tpu.memory_space<vmem>>, vector<16xf32>,
      %get3A_616 = arith.constant 1 : i32
      %get3A_617 = arith.constant 1 : i32
      %get3A_618 = arith.index_cast %get3A_616 : i32 to index
      %get3A_619 = arith.index_cast %get3A_617 : i32 to index
      %get3A_620 = arith.index_cast %mul3A_595 : i32 to index
      %get3A_621 = tpu.vector_load %arg7[%get3A_618, %get3A_619, %get3A_620] {strides = array<i32>} : memref<2x8x2048xi32, #tpu.memory_space<vmem>>, vector<16xi32>,
      %gather3A_622 = tpu.vector_load_idx %arg8[%get3A_621] : memref<16xf32, #tpu.memory_space<vmem>>[vector<16xi32>], vector<16xf32>,
      %convert_element_type3A_623 = arith.sitofp %get3A_621 : vector<16xi32> to vector<16xf32>
      %sub3A_624 = arith.subf %get3A_615, %convert_element_type3A_623 : vector<16xf32>
      %mul3A_625 = arith.mulf %sub3A_624, %sub3A_624 : vector<16xf32>
      %mul3A_626 = arith.mulf %gather3A_622, %mul3A_625 : vector<16xf32>
      %add3A_627 = arith.addf %scan3A_587, %mul3A_626 : vector<16xf32>
      %get3A_628 = arith.constant 1 : i32
      %get3A_629 = arith.constant 2 : i32
      %get3A_630 = arith.index_cast %get3A_628 : i32 to index
      %get3A_631 = arith.index_cast %get3A_629 : i32 to index
      %get3A_632 = arith.index_cast %mul3A_595 : i32 to index
      %get3A_633 = tpu.vector_load %arg6[%get3A_630, %get3A_631, %get3A_632] {strides = array<i32>} : memref<2x8x2048xf32, #tpu.memory_space<vmem>>, vector<16xf32>,
      %get3A_634 = arith.constant 1 : i32
      %get3A_635 = arith.constant 2 : i32
      %get3A_636 = arith.index_cast %get3A_634 : i32 to index
      %get3A_637 = arith.index_cast %get3A_635 : i32 to index
      %get3A_638 = arith.index_cast %mul3A_595 : i32 to index
      %get3A_639 = tpu.vector_load %arg7[%get3A_636, %get3A_637, %get3A_638] {strides = array<i32>} : memref<2x8x2048xi32, #tpu.memory_space<vmem>>, vector<16xi32>,
      %gather3A_640 = tpu.vector_load_idx %arg8[%get3A_639] : memref<16xf32, #tpu.memory_space<vmem>>[vector<16xi32>], vector<16xf32>,
      %convert_element_type3A_641 = arith.sitofp %get3A_639 : vector<16xi32> to vector<16xf32>
      %sub3A_642 = arith.subf %get3A_633, %convert_element_type3A_641 : vector<16xf32>
      %mul3A_643 = arith.mulf %sub3A_642, %sub3A_642 : vector<16xf32>
      %mul3A_644 = arith.mulf %gather3A_640, %mul3A_643 : vector<16xf32>
      %add3A_645 = arith.addf %scan3A_588, %mul3A_644 : vector<16xf32>
      %get3A_646 = arith.constant 1 : i32
      %get3A_647 = arith.constant 3 : i32
      %get3A_648 = arith.index_cast %get3A_646 : i32 to index
      %get3A_649 = arith.index_cast %get3A_647 : i32 to index
      %get3A_650 = arith.index_cast %mul3A_595 : i32 to index
      %get3A_651 = tpu.vector_load %arg6[%get3A_648, %get3A_649, %get3A_650] {strides = array<i32>} : memref<2x8x2048xf32, #tpu.memory_space<vmem>>, vector<16xf32>,
      %get3A_652 = arith.constant 1 : i32
      %get3A_653 = arith.constant 3 : i32
      %get3A_654 = arith.index_cast %get3A_652 : i32 to index
      %get3A_655 = arith.index_cast %get3A_653 : i32 to index
      %get3A_656 = arith.index_cast %mul3A_595 : i32 to index
      %get3A_657 = tpu.vector_load %arg7[%get3A_654, %get3A_655, %get3A_656] {strides = array<i32>} : memref<2x8x2048xi32, #tpu.memory_space<vmem>>, vector<16xi32>,
      %gather3A_658 = tpu.vector_load_idx %arg8[%get3A_657] : memref<16xf32, #tpu.memory_space<vmem>>[vector<16xi32>], vector<16xf32>,
      %convert_element_type3A_659 = arith.sitofp %get3A_657 : vector<16xi32> to vector<16xf32>
      %sub3A_660 = arith.subf %get3A_651, %convert_element_type3A_659 : vector<16xf32>
      %mul3A_661 = arith.mulf %sub3A_660, %sub3A_660 : vector<16xf32>
      %mul3A_662 = arith.mulf %gather3A_658, %mul3A_661 : vector<16xf32>
      %add3A_663 = arith.addf %scan3A_589, %mul3A_662 : vector<16xf32>
      %get3A_664 = arith.constant 1 : i32
      %get3A_665 = arith.constant 4 : i32
      %get3A_666 = arith.index_cast %get3A_664 : i32 to index
      %get3A_667 = arith.index_cast %get3A_665 : i32 to index
      %get3A_668 = arith.index_cast %mul3A_595 : i32 to index
      %get3A_669 = tpu.vector_load %arg6[%get3A_666, %get3A_667, %get3A_668] {strides = array<i32>} : memref<2x8x2048xf32, #tpu.memory_space<vmem>>, vector<16xf32>,
      %get3A_670 = arith.constant 1 : i32
      %get3A_671 = arith.constant 4 : i32
      %get3A_672 = arith.index_cast %get3A_670 : i32 to index
      %get3A_673 = arith.index_cast %get3A_671 : i32 to index
      %get3A_674 = arith.index_cast %mul3A_595 : i32 to index
      %get3A_675 = tpu.vector_load %arg7[%get3A_672, %get3A_673, %get3A_674] {strides = array<i32>} : memref<2x8x2048xi32, #tpu.memory_space<vmem>>, vector<16xi32>,
      %gather3A_676 = tpu.vector_load_idx %arg8[%get3A_675] : memref<16xf32, #tpu.memory_space<vmem>>[vector<16xi32>], vector<16xf32>,
      %convert_element_type3A_677 = arith.sitofp %get3A_675 : vector<16xi32> to vector<16xf32>
      %sub3A_678 = arith.subf %get3A_669, %convert_element_type3A_677 : vector<16xf32>
      %mul3A_679 = arith.mulf %sub3A_678, %sub3A_678 : vector<16xf32>
      %mul3A_680 = arith.mulf %gather3A_676, %mul3A_679 : vector<16xf32>
      %add3A_681 = arith.addf %scan3A_590, %mul3A_680 : vector<16xf32>
      %get3A_682 = arith.constant 1 : i32
      %get3A_683 = arith.constant 5 : i32
      %get3A_684 = arith.index_cast %get3A_682 : i32 to index
      %get3A_685 = arith.index_cast %get3A_683 : i32 to index
      %get3A_686 = arith.index_cast %mul3A_595 : i32 to index
      %get3A_687 = tpu.vector_load %arg6[%get3A_684, %get3A_685, %get3A_686] {strides = array<i32>} : memref<2x8x2048xf32, #tpu.memory_space<vmem>>, vector<16xf32>,
      %get3A_688 = arith.constant 1 : i32
      %get3A_689 = arith.constant 5 : i32
      %get3A_690 = arith.index_cast %get3A_688 : i32 to index
      %get3A_691 = arith.index_cast %get3A_689 : i32 to index
      %get3A_692 = arith.index_cast %mul3A_595 : i32 to index
      %get3A_693 = tpu.vector_load %arg7[%get3A_690, %get3A_691, %get3A_692] {strides = array<i32>} : memref<2x8x2048xi32, #tpu.memory_space<vmem>>, vector<16xi32>,
      %gather3A_694 = tpu.vector_load_idx %arg8[%get3A_693] : memref<16xf32, #tpu.memory_space<vmem>>[vector<16xi32>], vector<16xf32>,
      %convert_element_type3A_695 = arith.sitofp %get3A_693 : vector<16xi32> to vector<16xf32>
      %sub3A_696 = arith.subf %get3A_687, %convert_element_type3A_695 : vector<16xf32>
      %mul3A_697 = arith.mulf %sub3A_696, %sub3A_696 : vector<16xf32>
      %mul3A_698 = arith.mulf %gather3A_694, %mul3A_697 : vector<16xf32>
      %add3A_699 = arith.addf %scan3A_591, %mul3A_698 : vector<16xf32>
      %get3A_700 = arith.constant 1 : i32
      %get3A_701 = arith.constant 6 : i32
      %get3A_702 = arith.index_cast %get3A_700 : i32 to index
      %get3A_703 = arith.index_cast %get3A_701 : i32 to index
      %get3A_704 = arith.index_cast %mul3A_595 : i32 to index
      %get3A_705 = tpu.vector_load %arg6[%get3A_702, %get3A_703, %get3A_704] {strides = array<i32>} : memref<2x8x2048xf32, #tpu.memory_space<vmem>>, vector<16xf32>,
      %get3A_706 = arith.constant 1 : i32
      %get3A_707 = arith.constant 6 : i32
      %get3A_708 = arith.index_cast %get3A_706 : i32 to index
      %get3A_709 = arith.index_cast %get3A_707 : i32 to index
      %get3A_710 = arith.index_cast %mul3A_595 : i32 to index
      %get3A_711 = tpu.vector_load %arg7[%get3A_708, %get3A_709, %get3A_710] {strides = array<i32>} : memref<2x8x2048xi32, #tpu.memory_space<vmem>>, vector<16xi32>,
      %gather3A_712 = tpu.vector_load_idx %arg8[%get3A_711] : memref<16xf32, #tpu.memory_space<vmem>>[vector<16xi32>], vector<16xf32>,
      %convert_element_type3A_713 = arith.sitofp %get3A_711 : vector<16xi32> to vector<16xf32>
      %sub3A_714 = arith.subf %get3A_705, %convert_element_type3A_713 : vector<16xf32>
      %mul3A_715 = arith.mulf %sub3A_714, %sub3A_714 : vector<16xf32>
      %mul3A_716 = arith.mulf %gather3A_712, %mul3A_715 : vector<16xf32>
      %add3A_717 = arith.addf %scan3A_592, %mul3A_716 : vector<16xf32>
      %get3A_718 = arith.constant 1 : i32
      %get3A_719 = arith.constant 7 : i32
      %get3A_720 = arith.index_cast %get3A_718 : i32 to index
      %get3A_721 = arith.index_cast %get3A_719 : i32 to index
      %get3A_722 = arith.index_cast %mul3A_595 : i32 to index
      %get3A_723 = tpu.vector_load %arg6[%get3A_720, %get3A_721, %get3A_722] {strides = array<i32>} : memref<2x8x2048xf32, #tpu.memory_space<vmem>>, vector<16xf32>,
      %get3A_724 = arith.constant 1 : i32
      %get3A_725 = arith.constant 7 : i32
      %get3A_726 = arith.index_cast %get3A_724 : i32 to index
      %get3A_727 = arith.index_cast %get3A_725 : i32 to index
      %get3A_728 = arith.index_cast %mul3A_595 : i32 to index
      %get3A_729 = tpu.vector_load %arg7[%get3A_726, %get3A_727, %get3A_728] {strides = array<i32>} : memref<2x8x2048xi32, #tpu.memory_space<vmem>>, vector<16xi32>,
      %gather3A_730 = tpu.vector_load_idx %arg8[%get3A_729] : memref<16xf32, #tpu.memory_space<vmem>>[vector<16xi32>], vector<16xf32>,
      %convert_element_type3A_731 = arith.sitofp %get3A_729 : vector<16xi32> to vector<16xf32>
      %sub3A_732 = arith.subf %get3A_723, %convert_element_type3A_731 : vector<16xf32>
      %mul3A_733 = arith.mulf %sub3A_732, %sub3A_732 : vector<16xf32>
      %mul3A_734 = arith.mulf %gather3A_730, %mul3A_733 : vector<16xf32>
      %add3A_735 = arith.addf %scan3A_593, %mul3A_734 : vector<16xf32>
      scf.yield %add3A_609, %add3A_627, %add3A_645, %add3A_663, %add3A_681, %add3A_699, %add3A_717, %add3A_735 : vector<16xf32>, vector<16xf32>, vector<16xf32>, vector<16xf32>, vector<16xf32>, vector<16xf32>, vector<16xf32>, vector<16xf32>
    }
    %scan3A_576 = arith.constant 128 : i32
    %add3A_577 = arith.addf %scan3A_575#0, %scan3A_575#1 : vector<16xf32>
    %add3A_578 = arith.addf %add3A_577, %scan3A_575#2 : vector<16xf32>
    %add3A_579 = arith.addf %add3A_578, %scan3A_575#3 : vector<16xf32>
    %add3A_580 = arith.addf %add3A_579, %scan3A_575#4 : vector<16xf32>
    %add3A_581 = arith.addf %add3A_580, %scan3A_575#5 : vector<16xf32>
    %add3A_582 = arith.addf %add3A_581, %scan3A_575#6 : vector<16xf32>
    %add3A_583 = arith.addf %add3A_582, %scan3A_575#7 : vector<16xf32>
    %swap3A = arith.constant 0 : index
    %swap3A_584 = tpu.vector_load %arg9[%swap3A] {strides = array<i32>} : memref<16xf32, #tpu.memory_space<vmem>>, vector<16xf32>,
    tpu.vector_store %arg9[%swap3A], %add3A_583 {strides = array<i32>} : memref<16xf32, #tpu.memory_space<vmem>>, vector<16xf32>,
    "tpu.region"() ({
      %run_scoped3A = tpu.sem_alloc : memref<!tpu.dma_semaphore, #tpu.memory_space<semaphore_mem>>
      %dma_start3A_585 = arith.constant 0 : i32
      %dma_start3A_586 = tpu.memref_slice %arg5[%add3A, %dma_start3A_585] : memref<32x16xf32, #tpu.memory_space<hbm>> -> memref<1x16xf32, #tpu.memory_space<hbm>>
      %dma_start3A_587 = tpu.memref_squeeze %dma_start3A_586 : memref<1x16xf32, #tpu.memory_space<hbm>> -> memref<16xf32, #tpu.memory_space<hbm>>
      %dma_start3A_588 = arith.constant 0 : i32
      %dma_start3A_589 = tpu.memref_slice %arg5[%add3A, %dma_start3A_588] : memref<32x16xf32, #tpu.memory_space<hbm>> -> memref<1x16xf32, #tpu.memory_space<hbm>>
      %dma_start3A_590 = tpu.memref_squeeze %dma_start3A_589 : memref<1x16xf32, #tpu.memory_space<hbm>> -> memref<16xf32, #tpu.memory_space<hbm>>
      tpu.enqueue_dma source(%arg9 : memref<16xf32, #tpu.memory_space<vmem>>) target(%dma_start3A_590 : memref<16xf32, #tpu.memory_space<hbm>>) target_semaphore(%run_scoped3A : memref<!tpu.dma_semaphore, #tpu.memory_space<semaphore_mem>>)
      %dma_wait3A_591 = arith.constant 0 : i32
      %dma_wait3A_592 = tpu.memref_slice %arg5[%add3A, %dma_wait3A_591] : memref<32x16xf32, #tpu.memory_space<hbm>> -> memref<1x16xf32, #tpu.memory_space<hbm>>
      %dma_wait3A_593 = tpu.memref_squeeze %dma_wait3A_592 : memref<1x16xf32, #tpu.memory_space<hbm>> -> memref<16xf32, #tpu.memory_space<hbm>>
      %dma_wait3A_594 = arith.constant 0 : i32
      %dma_wait3A_595 = tpu.memref_slice %arg5[%add3A, %dma_wait3A_594] : memref<32x16xf32, #tpu.memory_space<hbm>> -> memref<1x16xf32, #tpu.memory_space<hbm>>
      %dma_wait3A_596 = tpu.memref_squeeze %dma_wait3A_595 : memref<1x16xf32, #tpu.memory_space<hbm>> -> memref<16xf32, #tpu.memory_space<hbm>>
      tpu.wait_dma2 semaphore(%run_scoped3A : memref<!tpu.dma_semaphore, #tpu.memory_space<semaphore_mem>>) src(%arg9 : memref<16xf32, #tpu.memory_space<vmem>>) dst(%dma_wait3A_596 : memref<16xf32, #tpu.memory_space<hbm>>)
      tpu.yield
    }) : () -> ()
    return
  }
}

module attributes {stable_mosaic.version = 14 : i64} {
  func.func @_tc_body(%arg0: i32, %arg1: memref<16xf32, #tpu.memory_space<smem>>, %arg2: memref<256x2048xf32, #tpu.memory_space<vmem>>, %arg3: memref<256x2048xi32, #tpu.memory_space<vmem>>, %arg4: memref<1xf32, #tpu.memory_space<smem>>) attributes {dimension_semantics = [#tpu.dimension_semantics<arbitrary>], iteration_bounds = array<i64: 8>, scalar_prefetch = 0 : i64, scratch_operands = 0 : i64, tpu.core_type = #tpu.core_type<tc>, window_params = [{transform_indices = @transform_0, window_bounds = array<i64: 16>}, {transform_indices = @transform_1, window_bounds = array<i64: 256, 2048>}, {transform_indices = @transform_2, window_bounds = array<i64: 256, 2048>}, {transform_indices = @transform_3, window_bounds = array<i64: 1>}]} {
    %get3A = arith.constant 0 : index
    %get3A_0 = arith.constant 0 : index
    %get3A_1 = vector.load %arg2[%get3A, %get3A_0] : memref<256x2048xf32, #tpu.memory_space<vmem>>, vector<256x2048xf32>
    %get3A_2 = arith.constant 0 : index
    %get3A_3 = arith.constant 0 : index
    %get3A_4 = vector.load %arg3[%get3A_2, %get3A_3] : memref<256x2048xi32, #tpu.memory_space<vmem>>, vector<256x2048xi32>
    %convert_element_type3A = arith.sitofp %get3A_4 : vector<256x2048xi32> to vector<256x2048xf32>
    %sub3A = arith.subf %get3A_1, %convert_element_type3A : vector<256x2048xf32>
    %mul3A = arith.mulf %sub3A, %sub3A : vector<256x2048xf32>
    %shift_right_arithmetic3A = arith.constant 0 : i32
    %shift_right_arithmetic3A_5 = vector.broadcast %shift_right_arithmetic3A : i32 to vector<256x2048xi32>
    %shift_right_arithmetic3A_6 = arith.shrsi %get3A_4, %shift_right_arithmetic3A_5 : vector<256x2048xi32>
    %and3A = arith.constant 1 : i32
    %and3A_7 = vector.broadcast %and3A : i32 to vector<256x2048xi32>
    %and3A_8 = arith.andi %shift_right_arithmetic3A_6, %and3A_7 : vector<256x2048xi32>
    %eq3A = arith.constant 1 : i32
    %eq3A_9 = vector.broadcast %eq3A : i32 to vector<256x2048xi32>
    %eq3A_10 = arith.cmpi eq, %and3A_8, %eq3A_9 : vector<256x2048xi32>
    %shift_right_arithmetic3A_11 = arith.constant 1 : i32
    %shift_right_arithmetic3A_12 = vector.broadcast %shift_right_arithmetic3A_11 : i32 to vector<256x2048xi32>
    %shift_right_arithmetic3A_13 = arith.shrsi %get3A_4, %shift_right_arithmetic3A_12 : vector<256x2048xi32>
    %and3A_14 = arith.constant 1 : i32
    %and3A_15 = vector.broadcast %and3A_14 : i32 to vector<256x2048xi32>
    %and3A_16 = arith.andi %shift_right_arithmetic3A_13, %and3A_15 : vector<256x2048xi32>
    %eq3A_17 = arith.constant 1 : i32
    %eq3A_18 = vector.broadcast %eq3A_17 : i32 to vector<256x2048xi32>
    %eq3A_19 = arith.cmpi eq, %and3A_16, %eq3A_18 : vector<256x2048xi32>
    %shift_right_arithmetic3A_20 = arith.constant 2 : i32
    %shift_right_arithmetic3A_21 = vector.broadcast %shift_right_arithmetic3A_20 : i32 to vector<256x2048xi32>
    %shift_right_arithmetic3A_22 = arith.shrsi %get3A_4, %shift_right_arithmetic3A_21 : vector<256x2048xi32>
    %and3A_23 = arith.constant 1 : i32
    %and3A_24 = vector.broadcast %and3A_23 : i32 to vector<256x2048xi32>
    %and3A_25 = arith.andi %shift_right_arithmetic3A_22, %and3A_24 : vector<256x2048xi32>
    %eq3A_26 = arith.constant 1 : i32
    %eq3A_27 = vector.broadcast %eq3A_26 : i32 to vector<256x2048xi32>
    %eq3A_28 = arith.cmpi eq, %and3A_25, %eq3A_27 : vector<256x2048xi32>
    %shift_right_arithmetic3A_29 = arith.constant 3 : i32
    %shift_right_arithmetic3A_30 = vector.broadcast %shift_right_arithmetic3A_29 : i32 to vector<256x2048xi32>
    %shift_right_arithmetic3A_31 = arith.shrsi %get3A_4, %shift_right_arithmetic3A_30 : vector<256x2048xi32>
    %and3A_32 = arith.constant 1 : i32
    %and3A_33 = vector.broadcast %and3A_32 : i32 to vector<256x2048xi32>
    %and3A_34 = arith.andi %shift_right_arithmetic3A_31, %and3A_33 : vector<256x2048xi32>
    %eq3A_35 = arith.constant 1 : i32
    %eq3A_36 = vector.broadcast %eq3A_35 : i32 to vector<256x2048xi32>
    %eq3A_37 = arith.cmpi eq, %and3A_34, %eq3A_36 : vector<256x2048xi32>
    %get3A_38 = arith.constant 1 : index
    %get3A_39 = memref.load %arg1[%get3A_38] : memref<16xf32, #tpu.memory_space<smem>>
    %get3A_40 = arith.constant 0 : index
    %get3A_41 = memref.load %arg1[%get3A_40] : memref<16xf32, #tpu.memory_space<smem>>
    %broadcast_in_dim3A = vector.broadcast %get3A_39 : f32 to vector<256x2048xf32>
    %broadcast_in_dim3A_42 = vector.broadcast %get3A_41 : f32 to vector<256x2048xf32>
    %select_n3A = arith.select %eq3A_10, %broadcast_in_dim3A, %broadcast_in_dim3A_42 : vector<256x2048xi1>, vector<256x2048xf32>
    %get3A_43 = arith.constant 3 : index
    %get3A_44 = memref.load %arg1[%get3A_43] : memref<16xf32, #tpu.memory_space<smem>>
    %get3A_45 = arith.constant 2 : index
    %get3A_46 = memref.load %arg1[%get3A_45] : memref<16xf32, #tpu.memory_space<smem>>
    %broadcast_in_dim3A_47 = vector.broadcast %get3A_44 : f32 to vector<256x2048xf32>
    %broadcast_in_dim3A_48 = vector.broadcast %get3A_46 : f32 to vector<256x2048xf32>
    %select_n3A_49 = arith.select %eq3A_10, %broadcast_in_dim3A_47, %broadcast_in_dim3A_48 : vector<256x2048xi1>, vector<256x2048xf32>
    %get3A_50 = arith.constant 5 : index
    %get3A_51 = memref.load %arg1[%get3A_50] : memref<16xf32, #tpu.memory_space<smem>>
    %get3A_52 = arith.constant 4 : index
    %get3A_53 = memref.load %arg1[%get3A_52] : memref<16xf32, #tpu.memory_space<smem>>
    %broadcast_in_dim3A_54 = vector.broadcast %get3A_51 : f32 to vector<256x2048xf32>
    %broadcast_in_dim3A_55 = vector.broadcast %get3A_53 : f32 to vector<256x2048xf32>
    %select_n3A_56 = arith.select %eq3A_10, %broadcast_in_dim3A_54, %broadcast_in_dim3A_55 : vector<256x2048xi1>, vector<256x2048xf32>
    %get3A_57 = arith.constant 7 : index
    %get3A_58 = memref.load %arg1[%get3A_57] : memref<16xf32, #tpu.memory_space<smem>>
    %get3A_59 = arith.constant 6 : index
    %get3A_60 = memref.load %arg1[%get3A_59] : memref<16xf32, #tpu.memory_space<smem>>
    %broadcast_in_dim3A_61 = vector.broadcast %get3A_58 : f32 to vector<256x2048xf32>
    %broadcast_in_dim3A_62 = vector.broadcast %get3A_60 : f32 to vector<256x2048xf32>
    %select_n3A_63 = arith.select %eq3A_10, %broadcast_in_dim3A_61, %broadcast_in_dim3A_62 : vector<256x2048xi1>, vector<256x2048xf32>
    %get3A_64 = arith.constant 9 : index
    %get3A_65 = memref.load %arg1[%get3A_64] : memref<16xf32, #tpu.memory_space<smem>>
    %get3A_66 = arith.constant 8 : index
    %get3A_67 = memref.load %arg1[%get3A_66] : memref<16xf32, #tpu.memory_space<smem>>
    %broadcast_in_dim3A_68 = vector.broadcast %get3A_65 : f32 to vector<256x2048xf32>
    %broadcast_in_dim3A_69 = vector.broadcast %get3A_67 : f32 to vector<256x2048xf32>
    %select_n3A_70 = arith.select %eq3A_10, %broadcast_in_dim3A_68, %broadcast_in_dim3A_69 : vector<256x2048xi1>, vector<256x2048xf32>
    %get3A_71 = arith.constant 11 : index
    %get3A_72 = memref.load %arg1[%get3A_71] : memref<16xf32, #tpu.memory_space<smem>>
    %get3A_73 = arith.constant 10 : index
    %get3A_74 = memref.load %arg1[%get3A_73] : memref<16xf32, #tpu.memory_space<smem>>
    %broadcast_in_dim3A_75 = vector.broadcast %get3A_72 : f32 to vector<256x2048xf32>
    %broadcast_in_dim3A_76 = vector.broadcast %get3A_74 : f32 to vector<256x2048xf32>
    %select_n3A_77 = arith.select %eq3A_10, %broadcast_in_dim3A_75, %broadcast_in_dim3A_76 : vector<256x2048xi1>, vector<256x2048xf32>
    %get3A_78 = arith.constant 13 : index
    %get3A_79 = memref.load %arg1[%get3A_78] : memref<16xf32, #tpu.memory_space<smem>>
    %get3A_80 = arith.constant 12 : index
    %get3A_81 = memref.load %arg1[%get3A_80] : memref<16xf32, #tpu.memory_space<smem>>
    %broadcast_in_dim3A_82 = vector.broadcast %get3A_79 : f32 to vector<256x2048xf32>
    %broadcast_in_dim3A_83 = vector.broadcast %get3A_81 : f32 to vector<256x2048xf32>
    %select_n3A_84 = arith.select %eq3A_10, %broadcast_in_dim3A_82, %broadcast_in_dim3A_83 : vector<256x2048xi1>, vector<256x2048xf32>
    %get3A_85 = arith.constant 15 : index
    %get3A_86 = memref.load %arg1[%get3A_85] : memref<16xf32, #tpu.memory_space<smem>>
    %get3A_87 = arith.constant 14 : index
    %get3A_88 = memref.load %arg1[%get3A_87] : memref<16xf32, #tpu.memory_space<smem>>
    %broadcast_in_dim3A_89 = vector.broadcast %get3A_86 : f32 to vector<256x2048xf32>
    %broadcast_in_dim3A_90 = vector.broadcast %get3A_88 : f32 to vector<256x2048xf32>
    %select_n3A_91 = arith.select %eq3A_10, %broadcast_in_dim3A_89, %broadcast_in_dim3A_90 : vector<256x2048xi1>, vector<256x2048xf32>
    %select_n3A_92 = arith.select %eq3A_19, %select_n3A_49, %select_n3A : vector<256x2048xi1>, vector<256x2048xf32>
    %select_n3A_93 = arith.select %eq3A_19, %select_n3A_63, %select_n3A_56 : vector<256x2048xi1>, vector<256x2048xf32>
    %select_n3A_94 = arith.select %eq3A_19, %select_n3A_77, %select_n3A_70 : vector<256x2048xi1>, vector<256x2048xf32>
    %select_n3A_95 = arith.select %eq3A_19, %select_n3A_91, %select_n3A_84 : vector<256x2048xi1>, vector<256x2048xf32>
    %select_n3A_96 = arith.select %eq3A_28, %select_n3A_93, %select_n3A_92 : vector<256x2048xi1>, vector<256x2048xf32>
    %select_n3A_97 = arith.select %eq3A_28, %select_n3A_95, %select_n3A_94 : vector<256x2048xi1>, vector<256x2048xf32>
    %select_n3A_98 = arith.select %eq3A_37, %select_n3A_97, %select_n3A_96 : vector<256x2048xi1>, vector<256x2048xf32>
    %mul3A_99 = arith.mulf %select_n3A_98, %mul3A : vector<256x2048xf32>
    %reduce_sum3A = vector.shape_cast %mul3A_99 : vector<256x2048xf32> to vector<1x256x2048xf32>
    %reduce_sum3A_100 = arith.constant dense<0.000000e+00> : vector<1xf32>
    %reduce_sum3A_101 = vector.multi_reduction <add>, %reduce_sum3A, %reduce_sum3A_100 [1, 2] : vector<1x256x2048xf32> to vector<1xf32>
    %reduce_sum3A_102 = vector.shape_cast %reduce_sum3A_101 : vector<1xf32> to vector<1x1x1xf32>
    %reduce_sum3A_103 = vector.extract %reduce_sum3A_102[0, 0, 0] : f32 from vector<1x1x1xf32>
    %eq3A_104 = arith.constant 0 : i32
    %eq3A_105 = arith.cmpi eq, %arg0, %eq3A_104 : i32
    %convert_element_type3A_106 = arith.extui %eq3A_105 : i1 to i32
    %cond3A = arith.constant 0 : i32
    %cond3A_107 = arith.cmpi ne, %convert_element_type3A_106, %cond3A : i32
    scf.if %cond3A_107 {
      %swap3A_111 = arith.constant 0.000000e+00 : f32
      %swap3A_112 = arith.constant 0 : index
      %swap3A_113 = memref.load %arg4[%swap3A_112] : memref<1xf32, #tpu.memory_space<smem>>
      memref.store %swap3A_111, %arg4[%swap3A_112] : memref<1xf32, #tpu.memory_space<smem>>
    } else {
    }
    %get3A_108 = arith.constant 0 : index
    %get3A_109 = memref.load %arg4[%get3A_108] : memref<1xf32, #tpu.memory_space<smem>>
    %add3A = arith.addf %get3A_109, %reduce_sum3A_103 : f32
    %swap3A = arith.constant 0 : index
    %swap3A_110 = memref.load %arg4[%swap3A] : memref<1xf32, #tpu.memory_space<smem>>
    memref.store %add3A, %arg4[%swap3A] : memref<1xf32, #tpu.memory_space<smem>>
    return
  }
  func.func @transform_0(%arg0: i32) -> i32 {
    %c0_i32 = arith.constant 0 : i32
    %c0_i32_0 = arith.constant 0 : i32
    return %c0_i32 : i32
  }
  func.func @transform_1(%arg0: i32) -> (i32, i32) {
    %add3A = arith.constant 8 : i32
    %add3A_0 = arith.addi %add3A, %arg0 : i32
    %c0_i32 = arith.constant 0 : i32
    %c0_i32_1 = arith.constant 0 : i32
    return %add3A_0, %c0_i32 : i32, i32
  }
  func.func @transform_2(%arg0: i32) -> (i32, i32) {
    %add3A = arith.constant 8 : i32
    %add3A_0 = arith.addi %add3A, %arg0 : i32
    %c0_i32 = arith.constant 0 : i32
    %c0_i32_1 = arith.constant 0 : i32
    return %add3A_0, %c0_i32 : i32, i32
  }
  func.func @transform_3(%arg0: i32) -> i32 {
    %c0_i32 = arith.constant 0 : i32
    %c0_i32_0 = arith.constant 0 : i32
    return %c0_i32 : i32
  }
}

</mosaic_0001>

<sc_bundles>
// kernel: kernel.4.cloned.1.call-start
scs
__scs_entry_jumppad:
0x0: {  	(pc) =	sbr.rel $0x88, $3  }
0x1: {  	(tag) =	ssettag $0x0;
	lr =	simm.s32 $0x1  }
0x2: {  	[smem:$0x3F9E] =	sst lr;
	_ =	strace $0xD0000000  }
0x3: {  	_ = 	snop  }
0x4: {  	_ = 	snop  }
0x5: {  	_ = 	snop  }
0x6: {  	_ = 	snop  }
0x7: {  	_ = 	snop  }
__scs_overlays_trampoline_lowered:
0x8: {  	[smem:$0x3FAD] =	sst s0  }
0x9: {  	[smem:$0x3FAE] =	sst s1  }
0xa: {  	[smem:$0x3FAF] =	sst s2  }
0xb: {  	[smem:$0x3FB0] =	sst s3  }
0xc: {  	[smem:$0x3FB1] =	sst s4  }
0xd: {  	[smem:$0x3FB2] =	sst s5  }
0xe: {  	[smem:$0x3FB3] =	sst s6  }
0xf: {  	[smem:$0x3FB4] =	sst s7  }
0x10: {  	[smem:$0x3FB5] =	sst s8  }
0x11: {  	[smem:$0x3FB6] =	sst s9;
	s0 =	simm.s32 @!p0 $0x0  }
0x12: {  	s1 =	sld [smem:$0x3F9C];
	s0 =	simm.s32 @p0 $0x1  }
0x13: {  	[smem:$0x3FB7] =	sst s0;
	s0 =	simm.s32 @!p1 $0x0  }
0x14: {  	s2 =	sld [smem:$0x3F9B];
	s0 =	simm.s32 @p1 $0x1  }
0x15: {  	[smem:$0x3FB8] =	sst s0;
	s0 =	simm.s32 @!p2 $0x0  }
0x16: {  	s3 =	sld [smem:$0x3FDB];
	s0 =	simm.s32 @p2 $0x1  }
0x17: {  	s4 =	simm.s32 $0x1BF5;
	[smem:$0x3FBA] =	sst s0  }
0x18: {  	s0 =	sld [smem:$0x3F9D];
	_ =	swait.ge [sflag:s4], $0x0  }
0x19: {  	s7 =	sld [smem:$0x3F9E]  }
0x1a: {  	s8 =	sadd.s32 $0xFFFFE003, lr  }
0x1b: {  	s9 =	sadd.s32 $0xFFFFFEF7, lr;
	s5 =	simm.s32 $0xFFFFFFFF;
	p2 =	slt.u32 s8, $0xFFFFF086  }
0x1c: {  	p1 =	slt.u32 s9, $0xF7A;
	s5 =	simm.s32 @!p2 $0x0  }
0x1d: {  	s5 =	simm.s32 @p1 $0x1;
	p0 =	seq.s32 s7, s2  }
0x1e: {  	s7 =	smul.u32 @!p0 $0xF7A, s2;
	p2 =	seq.s32 @!p0 s5, $0x0  }
0x1f: {  	s9 =	smul.u32 $0xF7A, s1;
	s8 =	simm.s32 @!p0 $0x1BF5;
	p2 =	por !p2, p0  }
0x20: {  	[sflag:s8] =	ssyncset.s32 @!p0 $0xFFFFF086;
	s6 =	sadd.s32 @!p0 s3, s7;
	s7 =	simm.s32 @!p0 $0x108  }
0x21: {  	s3 =	sadd.s32 s3, s9;
	s6 =	sadd.s32 @!p0 $0x88, s6;
	s7 =	simm.s32 @p2 $0x1082  }
0x22: {  	[simem:s7], [sflag:s8] =	dma.local @!p0 [hbm:s6], $0xF7A  }
0x23: {  	s9 =	sor.u32 $0xD0000000, s2;
	s6 =	simm.s32 $0x108;
	_ =	swait.ge @!p0 [sflag:s8], $0x0  }
0x24: {  	s3 =	sadd.s32 $0x88, s3;
	s6 =	simm.s32 @!p1 $0x1082;
	[sflag:s4] =	ssyncset.s32 $0xFFFFF086  }
0x25: {  	[simem:s6], [sflag:s4] =	dma.local [hbm:s3], $0xF7A  }
0x26: {  	[smem:$0x3F9E] =	sst s1;
	(tag) =	ssettag s2;
	_ =	strace s9  }
0x27: {  	s1 =	sld [smem:$0x3FAE]  }
0x28: {  	s2 =	sld [smem:$0x3FAF]  }
0x29: {  	s4 =	sld [smem:$0x3FB1]  }
0x2a: {  	p0 =	seq.s32 s5, $0x0;
	s5 =	sld [smem:$0x3FB2]  }
0x2b: {  	s6 =	sld [smem:$0x3FB3]  }
0x2c: {  	s7 =	sld [smem:$0x3FB4]  }
0x2d: {  	s3 =	simm.s32 $0x108;
	s8 =	sld [smem:$0x3FB5]  }
0x2e: {  	s3 =	simm.s32 @!p0 $0x1082;
	s9 =	sld [smem:$0x3FB6]  }
0x2f: {  	lr =	sadd.s32 s0, s3;
	s0 =	sld [smem:$0x3FAD]  }
0x30: {  	s3 =	sld [smem:$0x3FB0]  }
0x31: {  	[smem:$0x3FB9] =	sst s10  }
0x32: {  	s10 =	sld [smem:$0x3FB7];
	_ =	sdelay $0x3  }
0x33: {  	p0 =	seq.s32 s10, $0x1;
	s10 =	sld [smem:$0x3FB9];
	_ =	sdelay $0x3  }
0x34: {  	[smem:$0x3FB9] =	sst s10  }
0x35: {  	s10 =	sld [smem:$0x3FB8];
	_ =	sdelay $0x3  }
0x36: {  	p1 =	seq.s32 s10, $0x1;
	s10 =	sld [smem:$0x3FB9];
	_ =	sdelay $0x3  }
0x37: {  	[smem:$0x3FB9] =	sst s10  }
0x38: {  	s10 =	sld [smem:$0x3FBA]  }
0x39: {  	_ = 	snop;
	(pc) =	sbr.ind lr, $3  }
0x3a: {  	_ = 	snop  }
0x3b: {  	_ = 	snop  }
0x3c: {  	p2 =	seq.s32 s10, $0x1;
	s10 =	sld [smem:$0x3FB9]  }
0x3d: {  	_ =	shalt  }
0x3e: {  	_ =	shalt  }
0x3f: {  	_ =	shalt  }
0x40: {  	_ =	shalt  }
0x41: {  	_ =	shalt  }
0x42: {  	_ =	shalt  }
0x43: {  	_ =	shalt  }
0x44: {  	_ =	shalt  }
0x45: {  	_ =	shalt  }
0x46: {  	_ =	shalt  }
0x47: {  	_ =	shalt  }
0x48: {  	_ =	shalt  }
0x49: {  	_ =	shalt  }
0x4a: {  	_ =	shalt  }
0x4b: {  	_ =	shalt  }
0x4c: {  	_ =	shalt  }
0x4d: {  	_ =	shalt  }
0x4e: {  	_ =	shalt  }
0x4f: {  	_ =	shalt  }
0x50: {  	_ =	shalt  }
0x51: {  	_ =	shalt  }
0x52: {  	_ =	shalt  }
0x53: {  	_ =	shalt  }
0x54: {  	_ =	shalt  }
0x55: {  	_ =	shalt  }
0x56: {  	_ =	shalt  }
0x57: {  	_ =	shalt  }
0x58: {  	_ =	shalt  }
0x59: {  	_ =	shalt  }
0x5a: {  	_ =	shalt  }
0x5b: {  	_ =	shalt  }
0x5c: {  	_ =	shalt  }
0x5d: {  	_ =	shalt  }
0x5e: {  	_ =	shalt  }
0x5f: {  	_ =	shalt  }
0x60: {  	_ =	shalt  }
0x61: {  	_ =	shalt  }
0x62: {  	_ =	shalt  }
0x63: {  	_ =	shalt  }
0x64: {  	_ =	shalt  }
0x65: {  	_ =	shalt  }
0x66: {  	_ =	shalt  }
0x67: {  	_ =	shalt  }
0x68: {  	_ =	shalt  }
0x69: {  	_ =	shalt  }
0x6a: {  	_ =	shalt  }
0x6b: {  	_ =	shalt  }
0x6c: {  	_ =	shalt  }
0x6d: {  	_ =	shalt  }
0x6e: {  	_ =	shalt  }
0x6f: {  	_ =	shalt  }
0x70: {  	_ =	shalt  }
0x71: {  	_ =	shalt  }
0x72: {  	_ =	shalt  }
0x73: {  	_ =	shalt  }
0x74: {  	_ =	shalt  }
0x75: {  	_ =	shalt  }
0x76: {  	_ =	shalt  }
0x77: {  	_ =	shalt  }
0x78: {  	_ =	shalt  }
0x79: {  	_ =	shalt  }
0x7a: {  	_ =	shalt  }
0x7b: {  	_ =	shalt  }
0x7c: {  	_ =	shalt  }
0x7d: {  	_ =	shalt  }
0x7e: {  	_ =	shalt  }
0x7f: {  	_ =	shalt  }
0x80: {  	_ =	shalt  }
0x81: {  	_ =	shalt  }
0x82: {  	_ =	shalt  }
0x83: {  	_ =	shalt  }
0x84: {  	_ =	shalt  }
0x85: {  	_ =	shalt  }
0x86: {  	_ =	shalt  }
0x87: {  	_ =	shalt  }
.Lfunc_end0:
.L_simem_size_0:
called_computation_lowered:
.L_overlay_start_0:
0x88: {  	s2 =	sld [smem:$0x3FD9]  }
0x89: {  	s3 =	sld [smem:$0x3FFE];
	_ =	sdelay $0x1  }
0x8a: {  	s1 =	srdreg.scid  }
0x8b: {  	s0 =	sand.u32 $0x1, s1  }
0x8c: {  	s17 =	sshll.u32 s0, $0xA;
	s2 =	sadd.s32 s3, s2  }
0x8d: {  	s2 =	sadd.s32 s2, s17  }
0x8e: {  	[smem:$0x3FC5] =	sst s2  }
0x8f: {  	_ = 	snop  }
0x90: {  	s2 =	sld [smem:$0x3FC9]  }
0x91: {  	s18 =	sld [smem:$0x3FC8]  }
0x92: {  	s4 =	sld [smem:$0x3FC7];
	(tm) =	ssettm $0x1  }
0x93: {  	s5 =	sld [smem:$0x3FFB];
	_ =	sdelay $0x3  }
0x94: {  	_ =	strace s5  }
0x95: {  	s5 =	sld [smem:$0x3FFC];
	_ =	sdelay $0x3  }
0x96: {  	_ =	strace s5  }
0x97: {  	s5 =	sld [smem:$0x3FFD];
	_ =	sdelay $0x3  }
0x98: {  	_ =	strace s5  }
0x99: {  	_ =	strace $0x8FFFFFFF  }
0x9a: {  	s19 =	sld [smem:$0x3FDB];
	_ =	sdelay $0x1  }
0x9b: {  	s6 =	simm.s32 $_scs_section_size  }
0x9c: {  	s7 =	simm.s32 $_size__tile_overlayer_lowered;
	s8 =	simm.s32 $_tile_overlayer_lowered  }
0x9d: {  	s22 =	simm.s32 $0x1BFF;
	s21 =	sshll.u32 s8, $0x1;
	s5 =	sadd.s32 s6, s19  }
0x9e: {  	s9 =	simm.s32 $0x0;
	s20 =	sshll.u32 s7, $0x1;
	s7 =	sadd.s32 s21, s5  }
0x9f: {  	[timem:s9], [sflag:s22] =	dma.local [hbm:s7], s20  }
0xa0: {  	_ =	swait.ge [sflag:s22], s20  }
0xa1: {  	s6 =	ssub.s32 $0x0, s20;
	[sflag:s22] =	ssyncset.done $0x0  }
0xa2: {  	[sflag:s22] =	ssyncadd.s32 s6;
	_ =	sdelay $0x1  }
0xa3: {  	s23 =	simm.s32 $0x1B8B  }
0xa4: {  	_ =	swait.ge [sflag:s23], $0x1  }
0xa5: {  	[sflag:s23] =	ssyncset.done $0x0  }
0xa6: {  	s25 =	simm.s32 $0x1B8E;
	s24 =	sld [smem:$0x3FFE];
	[sflag:s23] =	ssyncadd.s32 $0xFFFFFFFF  }
0xa7: {  	s26 =	simm.s32 $execute0_lowered;
	[smem:$0x3FD2] =	sst s25  }
0xa8: {  	s7 =	sshll.u32 s26, $0x1;
	_ =	strace $0x80000046;
	[dreg:$0x1] =	wrdreg $0xFFFFFFFF  }
0xa9: {  	s28 =	simm.s32 $_size_execute0_lowered;
	s5 =	sadd.s32 s5, s7;
	[dreg:$0x0] =	wrdreg $0x0  }
0xaa: {  	s7 =	sshll.u32 s28, $0x1;
	[dreg:$0x2] =	wrdreg s5  }
0xab: {  	[dreg:$0x3] =	wrdreg s7  }
0xac: {  	[dreg:$0x4] =	wrdreg $0xC0  }
0xad: {  	_ =	task [dreg:s9], $0x5FFFF  }
0xae: {  	[dreg:$0x1] =	wrdreg $0xFFFFFFFF  }
0xaf: {  	[dreg:$0x0] =	wrdreg $0x60  }
0xb0: {  	[dreg:$0x2] =	wrdreg s2  }
0xb1: {  	[dreg:$0x3] =	wrdreg s18  }
0xb2: {  	[dreg:$0x4] =	wrdreg s4  }
0xb3: {  	[dreg:$0x5] =	wrdreg s24  }
0xb4: {  	[dreg:$0x6] =	wrdreg $0x9  }
0xb5: {  	_ =	task.clear_ibuf [dreg:s9], $0x7FFFF;
	_ =	strace $0x90000046  }
0xb6: {  	s29 =	simm.s32 $0x9;
	_ =	strace $0x80000048  }
0xb7: {  	_ =	swait.ge [sflag:s29], $0x1  }
0xb8: {  	[sflag:s29] =	ssyncadd.s32 $0xFFFFFFFF  }
0xb9: {  	_ =	strace $0x90000048  }
0xba: {  	_ =	sfence  }
0xbb: {  	s30 =	sld [smem:$0x0];
	_ =	sdelay $0x2  }
0xbc: {  	s31 =	sshll.u32 s1, $0xD;
	s1 =	sshrl.u32 s1, $0x2  }
0xbd: {  	s3 =	sand.u32 $0x4000, s31;
	s1 =	sadd.s32 s1, s30  }
0xbe: {  	s0 =	sor.u32 s3, s0;
	s1 =	sshll.u32 s1, $0x11  }
0xbf: {  	s0 =	sor.u32 s1, s0  }
0xc0: {  	s0 =	sadd.s32 $0x8F2B, s0  }
0xc1: {  	[sflag:s0] =	ssyncadd.remote.s32 $0x1  }
0xc2: {  	_ =	sfence.sel $0xFFFF  }
0xc3: {  	[dreg:$0x0] =	wrdreg $0xFFFFFFFF;
	(pc) =	sbr.abs _section_cstart, $3  }
0xc4: {  	[dreg:$0x1] =	wrdreg $0xFFFFFFFF  }
0xc5: {  	_ =	task.clear_ibuf [dreg:s9], $0x2FFFF;
	_ =	strace $0x9FFFFFFF  }
0xc6: {  	(tm) =	ssettm $0x7FFFFFFF  }
0xc7: {  	_ =	shalt  }
tec
execute0_lowered:
.L_overlay_start_1:
0x0: {  	(tag) =	ssettag $0x1  }
0x1: {  	s0 =	rddreg [dreg:$0x0]  }
0x2: {  	s1 =	rddreg [dreg:$0x1]  }
0x3: {  	s2 =	rddreg [dreg:$0x3]  }
0x4: {  	s4 =	srdreg.scid;
	s5 =	stileid.u32;
	s3 =	simm.s32 $0x0  }
0x5: {  	s22 =	simm.s32 $0x10000;
	s23 =	simm.s32 $0x3;
	s28 =	simm.s32 $0x1  }
0x6: {  	s29 =	simm.s32 $0x2;
	s4 =	sand.u32 $0x1, s4;
	s5 =	sshll.u32 s5, $0x1  }
0x7: {  	s31 =	simm.s32 $0x4;
	[smem:$0x7FF] =	sst s3;
	s5 =	sor.u32 s4, s5  }
0x8: {  	_ =	strace $0x80000047;
	s4 =	ssub.s32 $0x2, s4;
	s6 =	sshll.u32 s5, $0x4  }
0x9: {  	s24 =	sshrl.u32 s4, $0x1;
	s5 =	sshll.u32 s5, $0xE;
	s2 =	sadd.s32 s6, s2  }
0xa: {  	s4 =	ssub.s32 s4, s24;
	s25 =	sadd.s32 s0, s5;
	s7 =	sor.u32 $0x800, s5  }
0xb: {  	s26 =	sadd.s32 s1, s5;
	s9 =	sor.u32 $0x1000, s5;
	s11 =	sor.u32 $0x1800, s5  }
0xc: {  	s13 =	sor.u32 $0x2000, s5;
	s15 =	sor.u32 $0x2800, s5;
	s17 =	sor.u32 $0x3000, s5  }
0xd: {  	s5 =	sor.u32 $0x3800, s5;
	s24 =	simm.s32 $0x8000;
	[dreg:$0x5] =	wrdreg s25  }
0xe: {  	[dreg:$0x6] =	wrdreg s26;
	s30 =	sadd.s32 s0, s7;
	s7 =	sadd.s32 s1, s7  }
0xf: {  	s8 =	sadd.s32 s0, s9;
	s9 =	sadd.s32 s1, s9;
	s10 =	sadd.s32 s0, s11  }
0x10: {  	s11 =	sadd.s32 s1, s11;
	s12 =	sadd.s32 s0, s13;
	s13 =	sadd.s32 s1, s13  }
0x11: {  	s14 =	sadd.s32 s0, s15;
	s15 =	sadd.s32 s1, s15;
	s16 =	sadd.s32 s0, s17  }
0x12: {  	s17 =	sadd.s32 s1, s17;
	s18 =	sadd.s32 s0, s5;
	s19 =	sadd.s32 s1, s5  }
0x13: {  	s20 =	sadd.s32 $0x200, s2;
	s21 =	smax.u32 s4, $0x1;
	s25 =	simm.s32 $0x4000  }
0x14: {  	s26 =	simm.s32 $0xC000;
	s0 =	simm.s32 $0x0;
	[dreg:$0x7] =	wrdreg s30  }
.LBB2_1:
0x15: {  	s1 =	rddreg [dreg:$0x2]  }
0x16: {  	[tilespmem:s22], [sflag:$0x3] =	stream.linear.gather [hbm4b:s1+s3], $0x80, $0x38;
	[tilespmem:$0x10100] =	vst v63  }
0x17: {  	_ =	swait.ge [sflag:s23], $0x80  }
0x18: {  	[sflag:s23] =	ssyncset.done $0x0  }
0x19: {  	s2 =	rddreg [dreg:$0x5];
	[sflag:s23] =	ssyncadd.s32 $0xFFFFFF80  }
0x1a: {  	[tilespmem:s3], [sflag:$0x1] =	stream.linear.gather [hbm4b:s2+s3], $0x4000, $0x38;
	[tilespmem:$0x10100] =	vst v63  }
0x1b: {  	s4 =	rddreg [dreg:$0x6]  }
0x1c: {  	[tilespmem:s24], [sflag:$0x1] =	stream.linear.gather [hbm4b:s4+s3], $0x4000, $0x38;
	[tilespmem:$0x10100] =	vst v63  }
0x1d: {  	s5 =	rddreg [dreg:$0x7]  }
0x1e: {  	[tilespmem:s25], [sflag:$0x2] =	stream.linear.gather [hbm4b:s5+s3], $0x4000, $0x38;
	[tilespmem:$0x10100] =	vst v63  }
0x1f: {  	_ = 	snop  }
0x20: {  	[tilespmem:s26], [sflag:$0x2] =	stream.linear.gather [hbm4b:s7+s3], $0x4000, $0x38;
	[tilespmem:$0x10100] =	vst v63  }
0x21: {  	_ =	swait.ge [sflag:s28], $0x4000  }
0x22: {  	s6 =	sand.u32 $0x7, s3;
	[sflag:s28] =	ssyncset.done $0x0  }
0x23: {  	s1 =	sshll.u32 s6, $0x4;
	[sflag:s28] =	ssyncadd.s32 $0xFFFFC000  }
0x24: {  	s1 =	sadd.s32 $0x0, s1;
	_ =	swait.ge [sflag:s28], $0x4000  }
0x25: {  	s1 =	sor.u32 $0x380, s1;
	[sflag:s28] =	ssyncset.done $0x0  }
0x26: {  	s2 =	sand.u32 $0x70, s3;
	s4 =	sand.u32 $0x3C00, s3;
	[sflag:s28] =	ssyncadd.s32 $0xFFFFC000  }
0x27: {  	s2 =	sor.u32 s2, s4;
	v0 =	vld [tilespmem:s1+$0x8000]  }
0x28: {  	v1 =	vld [tilespmem:s2+$0x8000]  }
0x29: {  	v3 =	vld [tilespmem:s2+$0x8080]  }
0x2a: {  	v4 =	vld [tilespmem:s2+$0x8100]  }
0x2b: {  	v20 =	vld [tilespmem:s2+$0x8180]  }
0x2c: {  	v2 =	vld [tilespmem:s1+$0x0]  }
0x2d: {  	v10 =	vld [tilespmem:s2+$0x8200]  }
0x2e: {  	v8 =	vld [tilespmem:s2+$0x8280]  }
0x2f: {  	v9 =	vld [tilespmem:s2+$0x8300]  }
0x30: {  	v6 =	vld [tilespmem:s2+$0x0]  }
0x31: {  	v7 =	vld [tilespmem:s2+$0x80]  }
0x32: {  	v18 =	vld [tilespmem:s2+$0x200]  }
0x33: {  	v21 =	vld [tilespmem:s2+$0x280]  }
0x34: {  	v5 =	vld.idx.msk [tilespmem:v0+s22+$0x0], $0xffff;
	v0 =	vcvt.s32.f32 v0  }
0x35: {  	v11 =	vld [tilespmem:s2+$0x100];
	v12 =	vcvt.s32.f32 v1;
	v13 =	vcvt.s32.f32 v3  }
0x36: {  	v14 =	vld [tilespmem:s2+$0x180];
	v15 =	vcvt.s32.f32 v4;
	v19 =	vcvt.s32.f32 v10;
	v0 =	vsub.f32 v2, v0  }
0x37: {  	v16 =	vcvt.s32.f32 v20;
	v23 =	vcvt.s32.f32 v8  }
0x38: {  	v6 =	vsub.f32 v6, v12;
	v22 =	vsub.f32 v18, v19;
	v0 =	vmul.f32 v0, v0  }
0x39: {  	v21 =	vsub.f32 v21, v23;
	v18 =	vld.idx.msk [tilespmem:v4+s22+$0x0], $0xffff;
	v4 =	vimm.f32 $0.0e+00;
	v2 =	vimm.f32 $0.0e+00  }
0x3a: {  	v17 =	vld [tilespmem:s2+$0x300];
	v0 =	vmul.f32 v0, v5;
	v5 =	vsub.f32 v7, v13;
	v7 =	vsub.f32 v11, v15  }
0x3b: {  	v11 =	vcvt.s32.f32 v9;
	v13 =	vmul.f32 v6, v6;
	v6 =	vsub.f32 v14, v16;
	v15 =	vld.idx.msk [tilespmem:v1+s22+$0x0], $0xffff  }
0x3c: {  	v16 =	vld.idx.msk [tilespmem:v3+s22+$0x0], $0xffff;
	v3 =	vimm.f32 $0.0e+00;
	v1 =	vimm.f32 $0.0e+00;
	v14 =	vmul.f32 v5, v5  }
0x3d: {  	s30 =	simm.s32 $0x0;
	s1 =	simm.s32 $0x1;
	v0 =	vadd.f32 v0, v2;
	v12 =	vmul.f32 v7, v7;
	v19 =	vmul.f32 v6, v6  }
0x3e: {  	s4 =	simm.s32 $0x20;
	s2 =	simm.s32 $0x10;
	s5 =	sand.u32 $0x7, s1;
	v20 =	vld.idx.msk [tilespmem:v20+s22+$0x0], $0xffff;
	v7 =	vimm.f32 $0.0e+00;
	v6 =	vimm.f32 $0.0e+00;
	v5 =	vimm.f32 $0.0e+00  }
.LBB2_2:
0x3f: {  	p0 =	sne.s32 s4, $0x7F0;
	s5 =	sshll.u32 s5, $0x4;
	v10 =	vld.idx.msk [tilespmem:v10+s22+$0x0], $0xffff;
	v22 =	vmul.f32 v22, v22;
	v11 =	vsub.f32 v17, v11;
	s30 =	sadd.s32 $0x80, s30  }
0x40: {  	s2 =	sand.u32 $0x70, s2;
	s6 =	sadd.s32 s5, s30;
	s5 =	sand.u32 $0x3C00, s30;
	v8 =	vld.idx.msk [tilespmem:v8+s22+$0x0], $0xffff;
	v17 =	vmul.f32 v21, v21  }
0x41: {  	v13 =	vmul.f32 v13, v15;
	s5 =	sor.u32 s2, s5;
	s6 =	sor.u32 $0x380, s6;
	v9 =	vld.idx.msk [tilespmem:v9+s22+$0x0], $0xffff;
	v11 =	vmul.f32 v11, v11;
	s2 =	smov.u32 s4  }
0x42: {  	v14 =	vmul.f32 v14, v16;
	v15 =	vld [tilespmem:s6+$0x8000]  }
0x43: {  	v2 =	vadd.f32 v13, v2;
	v12 =	vmul.f32 v12, v18;
	v16 =	vld [tilespmem:s5+$0x8000]  }
0x44: {  	v7 =	vadd.f32 v14, v7;
	v13 =	vmul.f32 v19, v20;
	v18 =	vld [tilespmem:s5+$0x8080]  }
0x45: {  	v6 =	vadd.f32 v12, v6;
	v10 =	vmul.f32 v22, v10;
	v19 =	vld [tilespmem:s5+$0x8100]  }
0x46: {  	v5 =	vadd.f32 v13, v5;
	v8 =	vmul.f32 v17, v8;
	v20 =	vld [tilespmem:s5+$0x8180]  }
0x47: {  	v4 =	vadd.f32 v10, v4;
	v9 =	vmul.f32 v11, v9;
	v12 =	vld [tilespmem:s6+$0x0]  }
0x48: {  	v3 =	vadd.f32 v8, v3;
	v13 =	vcvt.s32.f32 v16;
	v10 =	vld [tilespmem:s5+$0x8200]  }
0x49: {  	v1 =	vadd.f32 v9, v1;
	v14 =	vcvt.s32.f32 v18;
	v8 =	vld [tilespmem:s5+$0x8280]  }
0x4a: {  	v11 =	vcvt.s32.f32 v15;
	v21 =	vcvt.s32.f32 v19;
	v17 =	vld.idx.msk [tilespmem:v15+s22+$0x0], $0xffff  }
0x4b: {  	v22 =	vcvt.s32.f32 v20;
	v9 =	vld [tilespmem:s5+$0x8300]  }
0x4c: {  	v15 =	vld [tilespmem:s5+$0x0];
	v11 =	vsub.f32 v12, v11  }
0x4d: {  	v12 =	vld [tilespmem:s5+$0x80];
	v23 =	vcvt.s32.f32 v10  }
0x4e: {  	v24 =	vld [tilespmem:s5+$0x100];
	v25 =	vcvt.s32.f32 v8;
	v26 =	vmul.f32 v11, v11  }
0x4f: {  	v27 =	vld [tilespmem:s5+$0x180]  }
0x50: {  	v28 =	vld [tilespmem:s5+$0x200];
	v11 =	vcvt.s32.f32 v9;
	v26 =	vmul.f32 v26, v17  }
0x51: {  	v13 =	vsub.f32 v15, v13;
	v29 =	vld [tilespmem:s5+$0x280]  }
.Ltmp0:
0x52: {  	v12 =	vsub.f32 v12, v14;
	v17 =	vld [tilespmem:s5+$0x300];
	v0 =	vadd.f32 v26, v0;
	(pc) =	sbr.rel @p0 .LBB2_2-.Ltmp0, $4  }
0x53: {  	v15 =	vld.idx.msk [tilespmem:v16+s22+$0x0], $0xffff;
	v13 =	vmul.f32 v13, v13;
	v21 =	vsub.f32 v24, v21  }
0x54: {  	v16 =	vld.idx.msk [tilespmem:v18+s22+$0x0], $0xffff;
	v14 =	vmul.f32 v12, v12;
	v24 =	vsub.f32 v27, v22  }
0x55: {  	s1 =	sadd.s32 $0x1, s1;
	v18 =	vld.idx.msk [tilespmem:v19+s22+$0x0], $0xffff;
	v12 =	vmul.f32 v21, v21;
	v22 =	vsub.f32 v28, v23  }
0x56: {  	s4 =	sadd.s32 $0x10, s4;
	s5 =	sand.u32 $0x7, s1;
	v20 =	vld.idx.msk [tilespmem:v20+s22+$0x0], $0xffff;
	v19 =	vmul.f32 v24, v24;
	v21 =	vsub.f32 v29, v25  }
0x57: {  	_ =	sdelay $0x3  }
0x58: {  	s1 =	sshll.u32 s5, $0x4;
	v10 =	vld.idx.msk [tilespmem:v10+s22+$0x0], $0xffff;
	s4 =	sadd.s32 $0x80, s30  }
0x59: {  	v8 =	vld.idx.msk [tilespmem:v8+s22+$0x0], $0xffff;
	s1 =	sadd.s32 s1, s4  }
0x5a: {  	s2 =	sand.u32 $0x70, s2;
	v9 =	vld.idx.msk [tilespmem:v9+s22+$0x0], $0xffff;
	s4 =	sand.u32 $0x3C00, s4;
	s1 =	sor.u32 $0x380, s1  }
0x5b: {  	s2 =	sor.u32 s2, s4;
	v23 =	vld [tilespmem:s1+$0x8000]  }
0x5c: {  	v24 =	vld [tilespmem:s2+$0x8000]  }
0x5d: {  	v25 =	vld [tilespmem:s2+$0x8080]  }
0x5e: {  	v26 =	vld [tilespmem:s2+$0x8100]  }
0x5f: {  	v27 =	vld [tilespmem:s2+$0x8180]  }
0x60: {  	v28 =	vld [tilespmem:s1+$0x0]  }
0x61: {  	v29 =	vld [tilespmem:s2+$0x8200]  }
0x62: {  	v30 =	vld [tilespmem:s2+$0x8280]  }
0x63: {  	v32 =	vld [tilespmem:s2+$0x8300]  }
0x64: {  	v33 =	vld [tilespmem:s2+$0x0]  }
0x65: {  	v34 =	vld [tilespmem:s2+$0x80]  }
0x66: {  	v35 =	vld [tilespmem:s2+$0x100]  }
0x67: {  	v36 =	vld [tilespmem:s2+$0x180]  }
0x68: {  	v37 =	vld [tilespmem:s2+$0x200]  }
0x69: {  	v38 =	vld [tilespmem:s2+$0x280]  }
0x6a: {  	v39 =	vld [tilespmem:s2+$0x300]  }
0x6b: {  	v31 =	vld.idx.msk [tilespmem:v23+s22+$0x0], $0xffff  }
0x6c: {  	v40 =	vld.idx.msk [tilespmem:v24+s22+$0x0], $0xffff  }
0x6d: {  	v41 =	vld.idx.msk [tilespmem:v25+s22+$0x0], $0xffff  }
0x6e: {  	v42 =	vld.idx.msk [tilespmem:v26+s22+$0x0], $0xffff  }
0x6f: {  	v43 =	vld.idx.msk [tilespmem:v27+s22+$0x0], $0xffff  }
0x70: {  	v44 =	vld.idx.msk [tilespmem:v29+s22+$0x0], $0xffff  }
0x71: {  	s1 =	simm.s32 $0x0;
	v45 =	vld.idx.msk [tilespmem:v30+s22+$0x0], $0xffff  }
0x72: {  	v11 =	vsub.f32 v17, v11;
	v46 =	vld.idx.msk [tilespmem:v32+s22+$0x0], $0xffff;
	[tilespmem:s1], [sflag:$0x1] =	stream.linear.gather [hbm4b:s8+s1], $0x4000, $0x38  }
0x73: {  	v13 =	vmul.f32 v13, v15  }
0x74: {  	v14 =	vmul.f32 v14, v16;
	v11 =	vmul.f32 v11, v11;
	[tilespmem:s24], [sflag:$0x1] =	stream.linear.gather [hbm4b:s9+s1], $0x4000, $0x38;
	[tilespmem:$0x10100] =	vst v63  }
0x75: {  	v12 =	vmul.f32 v12, v18;
	v2 =	vadd.f32 v13, v2;
	v13 =	vmul.f32 v22, v22;
	_ =	swait.ge [sflag:s29], $0x4000  }
0x76: {  	v15 =	vmul.f32 v19, v20;
	v14 =	vadd.f32 v14, v7;
	v7 =	vmul.f32 v21, v21;
	[sflag:s29] =	ssyncset.done $0x0  }
0x77: {  	s4 =	sand.u32 $0x7, s1;
	v12 =	vadd.f32 v12, v6;
	v6 =	vmul.f32 v13, v10;
	[sflag:s29] =	ssyncadd.s32 $0xFFFFC000  }
0x78: {  	s2 =	sshll.u32 s4, $0x4;
	v13 =	vadd.f32 v15, v5;
	v5 =	vmul.f32 v7, v8;
	v7 =	vmul.f32 v11, v9;
	_ =	swait.ge [sflag:s29], $0x4000  }
0x79: {  	s5 =	sand.u32 $0x3C00, s1;
	s2 =	sadd.s32 $0x0, s2;
	v11 =	vadd.f32 v6, v4;
	v16 =	vcvt.s32.f32 v23;
	v4 =	vcvt.s32.f32 v24;
	[sflag:s29] =	ssyncset.done $0x0  }
0x7a: {  	s4 =	sand.u32 $0x70, s1;
	s6 =	sor.u32 $0x4380, s2;
	v3 =	vadd.f32 v5, v3;
	v5 =	vcvt.s32.f32 v25;
	v8 =	vcvt.s32.f32 v26;
	[sflag:s29] =	ssyncadd.s32 $0xFFFFC000  }
0x7b: {  	s5 =	sor.u32 s4, s5;
	v9 =	vcvt.s32.f32 v27;
	v18 =	vcvt.s32.f32 v30;
	v10 =	vsub.f32 v28, v16;
	v15 =	vld [tilespmem:s6+$0x8000]  }
0x7c: {  	v20 =	vcvt.s32.f32 v32;
	v4 =	vsub.f32 v33, v4;
	v5 =	vsub.f32 v34, v5;
	v16 =	vld [tilespmem:s5+$0xC000]  }
0x7d: {  	v8 =	vsub.f32 v35, v8;
	v6 =	vmul.f32 v10, v10;
	v10 =	vcvt.s32.f32 v29;
	v17 =	vld [tilespmem:s5+$0xC080]  }
0x7e: {  	v1 =	vadd.f32 v7, v1;
	v9 =	vsub.f32 v36, v9;
	v4 =	vmul.f32 v4, v4;
	v19 =	vld [tilespmem:s5+$0xC100]  }
0x7f: {  	v5 =	vmul.f32 v5, v5;
	v23 =	vmul.f32 v8, v8;
	v10 =	vsub.f32 v37, v10;
	v21 =	vld [tilespmem:s5+$0xC180]  }
0x80: {  	v20 =	vsub.f32 v39, v20;
	v56 =	vmul.f32 v9, v9;
	v6 =	vmul.f32 v6, v31;
	v22 =	vld [tilespmem:s6+$0x0]  }
0x81: {  	v18 =	vsub.f32 v38, v18;
	v57 =	vmul.f32 v10, v10;
	v4 =	vmul.f32 v4, v40;
	v9 =	vld [tilespmem:s5+$0xC200]  }
0x82: {  	v59 =	vadd.f32 v6, v0;
	v0 =	vmul.f32 v20, v20;
	v20 =	vmul.f32 v23, v42;
	v8 =	vld [tilespmem:s5+$0xC280]  }
0x83: {  	v7 =	vadd.f32 v4, v2;
	v2 =	vmul.f32 v56, v43;
	v23 =	vmul.f32 v57, v44;
	v10 =	vld [tilespmem:s5+$0xC300]  }
0x84: {  	v5 =	vmul.f32 v5, v41;
	v60 =	vld [tilespmem:s5+$0x4000]  }
0x85: {  	v18 =	vmul.f32 v18, v18;
	v4 =	vadd.f32 v2, v13;
	v2 =	vadd.f32 v23, v11;
	v11 =	vld [tilespmem:s5+$0x4100]  }
0x86: {  	v6 =	vadd.f32 v5, v14;
	v5 =	vadd.f32 v20, v12;
	v12 =	vcvt.s32.f32 v15;
	v58 =	vld.idx.msk [tilespmem:v15+s22+$0x0], $0xffff  }
0x87: {  	v13 =	vmul.f32 v18, v45;
	v15 =	vld [tilespmem:s5+$0x4080]  }
0x88: {  	v0 =	vmul.f32 v0, v46;
	v18 =	vld [tilespmem:s5+$0x4180];
	v14 =	vcvt.s32.f32 v16;
	v12 =	vsub.f32 v22, v12  }
0x89: {  	v3 =	vadd.f32 v13, v3;
	v13 =	vcvt.s32.f32 v17;
	v20 =	vcvt.s32.f32 v19;
	v22 =	vld [tilespmem:s5+$0x4200]  }
0x8a: {  	v23 =	vld [tilespmem:s5+$0x4280];
	v0 =	vadd.f32 v0, v1;
	v1 =	vcvt.s32.f32 v21;
	v12 =	vmul.f32 v12, v12  }
0x8b: {  	v61 =	vcvt.s32.f32 v9;
	v62 =	vcvt.s32.f32 v8;
	v24 =	vsub.f32 v60, v14;
	v14 =	vld [tilespmem:s5+$0x4300]  }
0x8c: {  	v20 =	vsub.f32 v11, v20;
	v26 =	vmul.f32 v12, v58;
	v15 =	vsub.f32 v15, v13;
	v12 =	vld.idx.msk [tilespmem:v16+s22+$0x0], $0xffff  }
0x8d: {  	v11 =	vcvt.s32.f32 v10;
	v63 =	vsub.f32 v18, v1;
	v16 =	vmul.f32 v24, v24;
	v13 =	vld.idx.msk [tilespmem:v17+s22+$0x0], $0xffff  }
0x8e: {  	s2 =	simm.s32 $0x1;
	v22 =	vsub.f32 v22, v61;
	v17 =	vmul.f32 v20, v20;
	v18 =	vmul.f32 v15, v15;
	v15 =	vld.idx.msk [tilespmem:v19+s22+$0x0], $0xffff  }
0x8f: {  	s30 =	simm.s32 $0x10;
	s4 =	simm.s32 $0x20;
	s5 =	sand.u32 $0x7, s2;
	v20 =	vmul.f32 v63, v63;
	v1 =	vadd.f32 v26, v59;
	v19 =	vld.idx.msk [tilespmem:v21+s22+$0x0], $0xffff;
	v21 =	vsub.f32 v23, v62  }
.LBB2_4:
0x90: {  	p0 =	sne.s32 s4, $0x7F0;
	s5 =	sshll.u32 s5, $0x4;
	v9 =	vld.idx.msk [tilespmem:v9+s22+$0x0], $0xffff;
	v22 =	vmul.f32 v22, v22;
	v11 =	vsub.f32 v14, v11;
	s1 =	sadd.s32 $0x80, s1  }
0x91: {  	s6 =	sadd.s32 s5, s1;
	s5 =	sand.u32 $0x70, s30;
	s30 =	sand.u32 $0x3C00, s1;
	v8 =	vld.idx.msk [tilespmem:v8+s22+$0x0], $0xffff;
	v14 =	vmul.f32 v21, v21  }
0x92: {  	v12 =	vmul.f32 v16, v12;
	s5 =	sor.u32 s5, s30;
	s6 =	sor.u32 $0x4380, s6;
	v10 =	vld.idx.msk [tilespmem:v10+s22+$0x0], $0xffff;
	v11 =	vmul.f32 v11, v11;
	s30 =	smov.u32 s4  }
0x93: {  	v13 =	vmul.f32 v18, v13;
	v16 =	vld [tilespmem:s6+$0x8000]  }
0x94: {  	v7 =	vadd.f32 v12, v7;
	v12 =	vmul.f32 v17, v15;
	v18 =	vld [tilespmem:s5+$0xC000]  }
0x95: {  	v6 =	vadd.f32 v13, v6;
	v13 =	vmul.f32 v20, v19;
	v15 =	vld [tilespmem:s5+$0xC080]  }
0x96: {  	v5 =	vadd.f32 v12, v5;
	v9 =	vmul.f32 v22, v9;
	v17 =	vld [tilespmem:s5+$0xC100]  }
0x97: {  	v4 =	vadd.f32 v13, v4;
	v8 =	vmul.f32 v14, v8;
	v19 =	vld [tilespmem:s5+$0xC180]  }
0x98: {  	v2 =	vadd.f32 v9, v2;
	v10 =	vmul.f32 v11, v10;
	v12 =	vld [tilespmem:s6+$0x0]  }
0x99: {  	v3 =	vadd.f32 v8, v3;
	v13 =	vcvt.s32.f32 v18;
	v9 =	vld [tilespmem:s5+$0xC200]  }
0x9a: {  	v0 =	vadd.f32 v10, v0;
	v14 =	vcvt.s32.f32 v15;
	v8 =	vld [tilespmem:s5+$0xC280]  }
0x9b: {  	v11 =	vcvt.s32.f32 v16;
	v20 =	vcvt.s32.f32 v17;
	v21 =	vld.idx.msk [tilespmem:v16+s22+$0x0], $0xffff  }
0x9c: {  	v22 =	vcvt.s32.f32 v19;
	v10 =	vld [tilespmem:s5+$0xC300]  }
0x9d: {  	v16 =	vld [tilespmem:s5+$0x4000];
	v11 =	vsub.f32 v12, v11  }
0x9e: {  	v12 =	vld [tilespmem:s5+$0x4080];
	v23 =	vcvt.s32.f32 v9  }
0x9f: {  	v24 =	vld [tilespmem:s5+$0x4100];
	v25 =	vcvt.s32.f32 v8;
	v26 =	vmul.f32 v11, v11  }
0xa0: {  	v27 =	vld [tilespmem:s5+$0x4180]  }
0xa1: {  	v28 =	vld [tilespmem:s5+$0x4200];
	v11 =	vcvt.s32.f32 v10;
	v21 =	vmul.f32 v26, v21  }
0xa2: {  	v13 =	vsub.f32 v16, v13;
	v26 =	vld [tilespmem:s5+$0x4280]  }
.Ltmp1:
0xa3: {  	v29 =	vsub.f32 v12, v14;
	v14 =	vld [tilespmem:s5+$0x4300];
	v1 =	vadd.f32 v21, v1;
	(pc) =	sbr.rel @p0 .LBB2_4-.Ltmp1, $4  }
0xa4: {  	v12 =	vld.idx.msk [tilespmem:v18+s22+$0x0], $0xffff;
	v16 =	vmul.f32 v13, v13;
	v20 =	vsub.f32 v24, v20  }
0xa5: {  	v13 =	vld.idx.msk [tilespmem:v15+s22+$0x0], $0xffff;
	v18 =	vmul.f32 v29, v29;
	v21 =	vsub.f32 v27, v22  }
0xa6: {  	s2 =	sadd.s32 $0x1, s2;
	v15 =	vld.idx.msk [tilespmem:v17+s22+$0x0], $0xffff;
	v17 =	vmul.f32 v20, v20;
	v22 =	vsub.f32 v28, v23  }
0xa7: {  	s4 =	sadd.s32 $0x10, s4;
	s5 =	sand.u32 $0x7, s2;
	v19 =	vld.idx.msk [tilespmem:v19+s22+$0x0], $0xffff;
	v20 =	vmul.f32 v21, v21;
	v21 =	vsub.f32 v26, v25  }
0xa8: {  	_ =	sdelay $0x3  }
0xa9: {  	s2 =	sshll.u32 s5, $0x4;
	v9 =	vld.idx.msk [tilespmem:v9+s22+$0x0], $0xffff;
	s1 =	sadd.s32 $0x80, s1  }
0xaa: {  	v8 =	vld.idx.msk [tilespmem:v8+s22+$0x0], $0xffff;
	s2 =	sadd.s32 s2, s1  }
0xab: {  	s4 =	sand.u32 $0x70, s30;
	v10 =	vld.idx.msk [tilespmem:v10+s22+$0x0], $0xffff;
	s1 =	sand.u32 $0x3C00, s1;
	s2 =	sor.u32 $0x4380, s2  }
0xac: {  	s1 =	sor.u32 s4, s1;
	v23 =	vld [tilespmem:s2+$0x8000]  }
0xad: {  	v24 =	vld [tilespmem:s1+$0xC000]  }
0xae: {  	v25 =	vld [tilespmem:s1+$0xC080]  }
0xaf: {  	v26 =	vld [tilespmem:s1+$0xC100]  }
0xb0: {  	v27 =	vld [tilespmem:s1+$0xC180]  }
0xb1: {  	v28 =	vld [tilespmem:s2+$0x0]  }
0xb2: {  	v29 =	vld [tilespmem:s1+$0xC200]  }
0xb3: {  	v30 =	vld [tilespmem:s1+$0xC280]  }
0xb4: {  	v32 =	vld [tilespmem:s1+$0xC300]  }
0xb5: {  	v33 =	vld [tilespmem:s1+$0x4000]  }
0xb6: {  	v34 =	vld [tilespmem:s1+$0x4080]  }
0xb7: {  	v35 =	vld [tilespmem:s1+$0x4100]  }
0xb8: {  	v36 =	vld [tilespmem:s1+$0x4180]  }
0xb9: {  	v37 =	vld [tilespmem:s1+$0x4200]  }
0xba: {  	v38 =	vld [tilespmem:s1+$0x4280]  }
0xbb: {  	v39 =	vld [tilespmem:s1+$0x4300]  }
0xbc: {  	v31 =	vld.idx.msk [tilespmem:v23+s22+$0x0], $0xffff  }
0xbd: {  	v40 =	vld.idx.msk [tilespmem:v24+s22+$0x0], $0xffff  }
0xbe: {  	v41 =	vld.idx.msk [tilespmem:v25+s22+$0x0], $0xffff  }
0xbf: {  	v42 =	vld.idx.msk [tilespmem:v26+s22+$0x0], $0xffff  }
0xc0: {  	v43 =	vld.idx.msk [tilespmem:v27+s22+$0x0], $0xffff  }
0xc1: {  	v44 =	vld.idx.msk [tilespmem:v29+s22+$0x0], $0xffff  }
0xc2: {  	s1 =	simm.s32 $0x0;
	v45 =	vld.idx.msk [tilespmem:v30+s22+$0x0], $0xffff  }
0xc3: {  	v11 =	vsub.f32 v14, v11;
	v46 =	vld.idx.msk [tilespmem:v32+s22+$0x0], $0xffff;
	[tilespmem:s25], [sflag:$0x2] =	stream.linear.gather [hbm4b:s10+s1], $0x4000, $0x38  }
0xc4: {  	v12 =	vmul.f32 v16, v12  }
0xc5: {  	v13 =	vmul.f32 v18, v13;
	v11 =	vmul.f32 v11, v11;
	[tilespmem:s26], [sflag:$0x2] =	stream.linear.gather [hbm4b:s11+s1], $0x4000, $0x38;
	[tilespmem:$0x10100] =	vst v63  }
0xc6: {  	v14 =	vmul.f32 v17, v15;
	v7 =	vadd.f32 v12, v7;
	v12 =	vmul.f32 v22, v22;
	_ =	swait.ge [sflag:s28], $0x4000  }
0xc7: {  	v15 =	vmul.f32 v20, v19;
	v6 =	vadd.f32 v13, v6;
	v13 =	vmul.f32 v21, v21;
	[sflag:s28] =	ssyncset.done $0x0  }
0xc8: {  	s4 =	sand.u32 $0x7, s1;
	v9 =	vmul.f32 v12, v9;
	v16 =	vcvt.s32.f32 v23;
	[sflag:s28] =	ssyncadd.s32 $0xFFFFC000  }
0xc9: {  	s2 =	sshll.u32 s4, $0x4;
	v5 =	vadd.f32 v14, v5;
	v10 =	vmul.f32 v11, v10;
	v8 =	vmul.f32 v13, v8;
	_ =	swait.ge [sflag:s28], $0x4000  }
0xca: {  	s5 =	sand.u32 $0x3C00, s1;
	s2 =	sadd.s32 $0x0, s2;
	v2 =	vadd.f32 v9, v2;
	v9 =	vcvt.s32.f32 v24;
	v12 =	vsub.f32 v28, v16;
	[sflag:s28] =	ssyncset.done $0x0  }
0xcb: {  	s4 =	sand.u32 $0x70, s1;
	s6 =	sor.u32 $0x380, s2;
	v3 =	vadd.f32 v8, v3;
	v8 =	vcvt.s32.f32 v25;
	v13 =	vcvt.s32.f32 v26;
	[sflag:s28] =	ssyncadd.s32 $0xFFFFC000  }
0xcc: {  	v4 =	vadd.f32 v15, v4;
	s5 =	sor.u32 s4, s5;
	v14 =	vcvt.s32.f32 v27;
	v11 =	vmul.f32 v12, v12;
	v12 =	vld [tilespmem:s6+$0x8000]  }
0xcd: {  	v18 =	vcvt.s32.f32 v30;
	v20 =	vcvt.s32.f32 v32;
	v9 =	vsub.f32 v33, v9;
	v15 =	vld [tilespmem:s5+$0x8000]  }
0xce: {  	v8 =	vsub.f32 v34, v8;
	v16 =	vcvt.s32.f32 v29;
	v13 =	vsub.f32 v35, v13;
	v17 =	vld [tilespmem:s5+$0x8080]  }
0xcf: {  	v14 =	vsub.f32 v36, v14;
	v18 =	vsub.f32 v38, v18;
	v22 =	vmul.f32 v9, v9;
	v19 =	vld [tilespmem:s5+$0x8100]  }
0xd0: {  	v23 =	vmul.f32 v8, v8;
	v8 =	vsub.f32 v37, v16;
	v13 =	vmul.f32 v13, v13;
	v21 =	vld [tilespmem:s5+$0x8180]  }
0xd1: {  	v14 =	vmul.f32 v14, v14;
	v18 =	vmul.f32 v18, v18;
	v16 =	vld [tilespmem:s6+$0x0]  }
0xd2: {  	v55 =	vmul.f32 v8, v8;
	v11 =	vmul.f32 v11, v31;
	v9 =	vld [tilespmem:s5+$0x8200]  }
0xd3: {  	v20 =	vsub.f32 v39, v20;
	v22 =	vmul.f32 v22, v40;
	v23 =	vmul.f32 v23, v41;
	v8 =	vld [tilespmem:s5+$0x8280]  }
0xd4: {  	v0 =	vadd.f32 v10, v0;
	v13 =	vmul.f32 v13, v42;
	v14 =	vmul.f32 v14, v43;
	v10 =	vld [tilespmem:s5+$0x8300]  }
0xd5: {  	v1 =	vadd.f32 v11, v1;
	v11 =	vmul.f32 v20, v20;
	v7 =	vadd.f32 v22, v7;
	v22 =	vld [tilespmem:s5+$0x0]  }
0xd6: {  	v20 =	vmul.f32 v55, v44;
	v4 =	vadd.f32 v14, v4;
	v14 =	vmul.f32 v18, v45;
	v18 =	vld [tilespmem:s5+$0x100]  }
0xd7: {  	v6 =	vadd.f32 v23, v6;
	v56 =	vld.idx.msk [tilespmem:v12+s22+$0x0], $0xffff;
	v12 =	vcvt.s32.f32 v12  }
0xd8: {  	v5 =	vadd.f32 v13, v5;
	v13 =	vld [tilespmem:s5+$0x80];
	v2 =	vadd.f32 v20, v2  }
0xd9: {  	v11 =	vmul.f32 v11, v46;
	v23 =	vld [tilespmem:s5+$0x180];
	v20 =	vcvt.s32.f32 v15;
	v12 =	vsub.f32 v16, v12  }
0xda: {  	v3 =	vadd.f32 v14, v3;
	v58 =	vld [tilespmem:s5+$0x200];
	v57 =	vcvt.s32.f32 v19;
	v59 =	vcvt.s32.f32 v21  }
0xdb: {  	v60 =	vld [tilespmem:s5+$0x280];
	v0 =	vadd.f32 v11, v0;
	v16 =	vcvt.s32.f32 v17;
	v11 =	vmul.f32 v12, v12  }
0xdc: {  	v14 =	vld [tilespmem:s5+$0x300];
	v61 =	vcvt.s32.f32 v9;
	v20 =	vsub.f32 v22, v20;
	v24 =	vsub.f32 v18, v57  }
0xdd: {  	v62 =	vcvt.s32.f32 v8;
	v63 =	vsub.f32 v13, v16;
	v12 =	vld.idx.msk [tilespmem:v15+s22+$0x0], $0xffff;
	v22 =	vmul.f32 v11, v56  }
0xde: {  	v16 =	vmul.f32 v20, v20;
	v13 =	vld.idx.msk [tilespmem:v17+s22+$0x0], $0xffff;
	v20 =	vsub.f32 v23, v59;
	v17 =	vmul.f32 v24, v24  }
0xdf: {  	s2 =	simm.s32 $0x1;
	v15 =	vld.idx.msk [tilespmem:v19+s22+$0x0], $0xffff;
	v11 =	vcvt.s32.f32 v10;
	v1 =	vadd.f32 v22, v1;
	v22 =	vsub.f32 v58, v61  }
0xe0: {  	s30 =	simm.s32 $0x10;
	s4 =	simm.s32 $0x20;
	s5 =	sand.u32 $0x7, s2;
	v19 =	vld.idx.msk [tilespmem:v21+s22+$0x0], $0xffff;
	v21 =	vsub.f32 v60, v62;
	v18 =	vmul.f32 v63, v63;
	v20 =	vmul.f32 v20, v20  }
.LBB2_6:
0xe1: {  	p0 =	sne.s32 s4, $0x7F0;
	s5 =	sshll.u32 s5, $0x4;
	v9 =	vld.idx.msk [tilespmem:v9+s22+$0x0], $0xffff;
	v22 =	vmul.f32 v22, v22;
	v11 =	vsub.f32 v14, v11;
	s1 =	sadd.s32 $0x80, s1  }
0xe2: {  	s6 =	sadd.s32 s5, s1;
	s5 =	sand.u32 $0x70, s30;
	s30 =	sand.u32 $0x3C00, s1;
	v8 =	vld.idx.msk [tilespmem:v8+s22+$0x0], $0xffff;
	v14 =	vmul.f32 v21, v21  }
0xe3: {  	v12 =	vmul.f32 v16, v12;
	s5 =	sor.u32 s5, s30;
	s6 =	sor.u32 $0x380, s6;
	v10 =	vld.idx.msk [tilespmem:v10+s22+$0x0], $0xffff;
	v11 =	vmul.f32 v11, v11;
	s30 =	smov.u32 s4  }
0xe4: {  	v13 =	vmul.f32 v18, v13;
	v16 =	vld [tilespmem:s6+$0x8000]  }
0xe5: {  	v7 =	vadd.f32 v12, v7;
	v12 =	vmul.f32 v17, v15;
	v18 =	vld [tilespmem:s5+$0x8000]  }
0xe6: {  	v6 =	vadd.f32 v13, v6;
	v13 =	vmul.f32 v20, v19;
	v15 =	vld [tilespmem:s5+$0x8080]  }
0xe7: {  	v5 =	vadd.f32 v12, v5;
	v9 =	vmul.f32 v22, v9;
	v17 =	vld [tilespmem:s5+$0x8100]  }
0xe8: {  	v4 =	vadd.f32 v13, v4;
	v8 =	vmul.f32 v14, v8;
	v19 =	vld [tilespmem:s5+$0x8180]  }
0xe9: {  	v2 =	vadd.f32 v9, v2;
	v10 =	vmul.f32 v11, v10;
	v12 =	vld [tilespmem:s6+$0x0]  }
0xea: {  	v3 =	vadd.f32 v8, v3;
	v13 =	vcvt.s32.f32 v18;
	v9 =	vld [tilespmem:s5+$0x8200]  }
0xeb: {  	v0 =	vadd.f32 v10, v0;
	v14 =	vcvt.s32.f32 v15;
	v8 =	vld [tilespmem:s5+$0x8280]  }
0xec: {  	v11 =	vcvt.s32.f32 v16;
	v20 =	vcvt.s32.f32 v17;
	v21 =	vld.idx.msk [tilespmem:v16+s22+$0x0], $0xffff  }
0xed: {  	v22 =	vcvt.s32.f32 v19;
	v10 =	vld [tilespmem:s5+$0x8300]  }
0xee: {  	v16 =	vld [tilespmem:s5+$0x0];
	v11 =	vsub.f32 v12, v11  }
0xef: {  	v12 =	vld [tilespmem:s5+$0x80];
	v23 =	vcvt.s32.f32 v9  }
0xf0: {  	v24 =	vld [tilespmem:s5+$0x100];
	v25 =	vcvt.s32.f32 v8;
	v26 =	vmul.f32 v11, v11  }
0xf1: {  	v27 =	vld [tilespmem:s5+$0x180]  }
0xf2: {  	v28 =	vld [tilespmem:s5+$0x200];
	v11 =	vcvt.s32.f32 v10;
	v21 =	vmul.f32 v26, v21  }
0xf3: {  	v13 =	vsub.f32 v16, v13;
	v26 =	vld [tilespmem:s5+$0x280]  }
.Ltmp2:
0xf4: {  	v29 =	vsub.f32 v12, v14;
	v14 =	vld [tilespmem:s5+$0x300];
	v1 =	vadd.f32 v21, v1;
	(pc) =	sbr.rel @p0 .LBB2_6-.Ltmp2, $4  }
0xf5: {  	v12 =	vld.idx.msk [tilespmem:v18+s22+$0x0], $0xffff;
	v16 =	vmul.f32 v13, v13;
	v20 =	vsub.f32 v24, v20  }
0xf6: {  	v13 =	vld.idx.msk [tilespmem:v15+s22+$0x0], $0xffff;
	v18 =	vmul.f32 v29, v29;
	v21 =	vsub.f32 v27, v22  }
0xf7: {  	s2 =	sadd.s32 $0x1, s2;
	v15 =	vld.idx.msk [tilespmem:v17+s22+$0x0], $0xffff;
	v17 =	vmul.f32 v20, v20;
	v22 =	vsub.f32 v28, v23  }
0xf8: {  	s4 =	sadd.s32 $0x10, s4;
	s5 =	sand.u32 $0x7, s2;
	v19 =	vld.idx.msk [tilespmem:v19+s22+$0x0], $0xffff;
	v20 =	vmul.f32 v21, v21;
	v21 =	vsub.f32 v26, v25  }
0xf9: {  	_ =	sdelay $0x3  }
0xfa: {  	s2 =	sshll.u32 s5, $0x4;
	v9 =	vld.idx.msk [tilespmem:v9+s22+$0x0], $0xffff;
	s1 =	sadd.s32 $0x80, s1  }
0xfb: {  	v8 =	vld.idx.msk [tilespmem:v8+s22+$0x0], $0xffff;
	s2 =	sadd.s32 s2, s1  }
0xfc: {  	s4 =	sand.u32 $0x70, s30;
	v10 =	vld.idx.msk [tilespmem:v10+s22+$0x0], $0xffff;
	s1 =	sand.u32 $0x3C00, s1;
	s2 =	sor.u32 $0x380, s2  }
0xfd: {  	s1 =	sor.u32 s4, s1;
	v23 =	vld [tilespmem:s2+$0x8000]  }
0xfe: {  	v24 =	vld [tilespmem:s1+$0x8000]  }
0xff: {  	v25 =	vld [tilespmem:s1+$0x8080]  }
0x100: {  	v26 =	vld [tilespmem:s1+$0x8100]  }
0x101: {  	v27 =	vld [tilespmem:s1+$0x8180]  }
0x102: {  	v28 =	vld [tilespmem:s2+$0x0]  }
0x103: {  	v29 =	vld [tilespmem:s1+$0x8200]  }
0x104: {  	v30 =	vld [tilespmem:s1+$0x8280]  }
0x105: {  	v32 =	vld [tilespmem:s1+$0x8300]  }
0x106: {  	v33 =	vld [tilespmem:s1+$0x0]  }
0x107: {  	v34 =	vld [tilespmem:s1+$0x80]  }
0x108: {  	v35 =	vld [tilespmem:s1+$0x100]  }
0x109: {  	v36 =	vld [tilespmem:s1+$0x180]  }
0x10a: {  	v37 =	vld [tilespmem:s1+$0x200]  }
0x10b: {  	v38 =	vld [tilespmem:s1+$0x280]  }
0x10c: {  	v39 =	vld [tilespmem:s1+$0x300]  }
0x10d: {  	v31 =	vld.idx.msk [tilespmem:v23+s22+$0x0], $0xffff  }
0x10e: {  	v40 =	vld.idx.msk [tilespmem:v24+s22+$0x0], $0xffff  }
0x10f: {  	v41 =	vld.idx.msk [tilespmem:v25+s22+$0x0], $0xffff  }
0x110: {  	v42 =	vld.idx.msk [tilespmem:v26+s22+$0x0], $0xffff  }
0x111: {  	v43 =	vld.idx.msk [tilespmem:v27+s22+$0x0], $0xffff  }
0x112: {  	v44 =	vld.idx.msk [tilespmem:v29+s22+$0x0], $0xffff  }
0x113: {  	s1 =	simm.s32 $0x0;
	v45 =	vld.idx.msk [tilespmem:v30+s22+$0x0], $0xffff  }
0x114: {  	v11 =	vsub.f32 v14, v11;
	v46 =	vld.idx.msk [tilespmem:v32+s22+$0x0], $0xffff;
	[tilespmem:s1], [sflag:$0x1] =	stream.linear.gather [hbm4b:s12+s1], $0x4000, $0x38  }
0x115: {  	v12 =	vmul.f32 v16, v12  }
0x116: {  	v13 =	vmul.f32 v18, v13;
	v11 =	vmul.f32 v11, v11;
	[tilespmem:s24], [sflag:$0x1] =	stream.linear.gather [hbm4b:s13+s1], $0x4000, $0x38;
	[tilespmem:$0x10100] =	vst v63  }
0x117: {  	v14 =	vmul.f32 v17, v15;
	v7 =	vadd.f32 v12, v7;
	v12 =	vmul.f32 v22, v22;
	_ =	swait.ge [sflag:s29], $0x4000  }
0x118: {  	v15 =	vmul.f32 v20, v19;
	v6 =	vadd.f32 v13, v6;
	v13 =	vmul.f32 v21, v21;
	[sflag:s29] =	ssyncset.done $0x0  }
0x119: {  	s4 =	sand.u32 $0x7, s1;
	v9 =	vmul.f32 v12, v9;
	v16 =	vcvt.s32.f32 v23;
	[sflag:s29] =	ssyncadd.s32 $0xFFFFC000  }
0x11a: {  	s2 =	sshll.u32 s4, $0x4;
	v5 =	vadd.f32 v14, v5;
	v10 =	vmul.f32 v11, v10;
	v8 =	vmul.f32 v13, v8;
	_ =	swait.ge [sflag:s29], $0x4000  }
0x11b: {  	s5 =	sand.u32 $0x3C00, s1;
	s2 =	sadd.s32 $0x0, s2;
	v2 =	vadd.f32 v9, v2;
	v9 =	vcvt.s32.f32 v24;
	v12 =	vsub.f32 v28, v16;
	[sflag:s29] =	ssyncset.done $0x0  }
0x11c: {  	s4 =	sand.u32 $0x70, s1;
	s6 =	sor.u32 $0x4380, s2;
	v3 =	vadd.f32 v8, v3;
	v8 =	vcvt.s32.f32 v25;
	v13 =	vcvt.s32.f32 v26;
	[sflag:s29] =	ssyncadd.s32 $0xFFFFC000  }
0x11d: {  	v4 =	vadd.f32 v15, v4;
	s5 =	sor.u32 s4, s5;
	v14 =	vcvt.s32.f32 v27;
	v11 =	vmul.f32 v12, v12;
	v12 =	vld [tilespmem:s6+$0x8000]  }
0x11e: {  	v18 =	vcvt.s32.f32 v30;
	v20 =	vcvt.s32.f32 v32;
	v9 =	vsub.f32 v33, v9;
	v15 =	vld [tilespmem:s5+$0xC000]  }
0x11f: {  	v8 =	vsub.f32 v34, v8;
	v16 =	vcvt.s32.f32 v29;
	v13 =	vsub.f32 v35, v13;
	v17 =	vld [tilespmem:s5+$0xC080]  }
0x120: {  	v14 =	vsub.f32 v36, v14;
	v18 =	vsub.f32 v38, v18;
	v22 =	vmul.f32 v9, v9;
	v19 =	vld [tilespmem:s5+$0xC100]  }
0x121: {  	v23 =	vmul.f32 v8, v8;
	v8 =	vsub.f32 v37, v16;
	v13 =	vmul.f32 v13, v13;
	v21 =	vld [tilespmem:s5+$0xC180]  }
0x122: {  	v14 =	vmul.f32 v14, v14;
	v18 =	vmul.f32 v18, v18;
	v16 =	vld [tilespmem:s6+$0x0]  }
0x123: {  	v55 =	vmul.f32 v8, v8;
	v11 =	vmul.f32 v11, v31;
	v9 =	vld [tilespmem:s5+$0xC200]  }
0x124: {  	v20 =	vsub.f32 v39, v20;
	v22 =	vmul.f32 v22, v40;
	v23 =	vmul.f32 v23, v41;
	v8 =	vld [tilespmem:s5+$0xC280]  }
0x125: {  	v0 =	vadd.f32 v10, v0;
	v13 =	vmul.f32 v13, v42;
	v14 =	vmul.f32 v14, v43;
	v10 =	vld [tilespmem:s5+$0xC300]  }
0x126: {  	v1 =	vadd.f32 v11, v1;
	v11 =	vmul.f32 v20, v20;
	v7 =	vadd.f32 v22, v7;
	v22 =	vld [tilespmem:s5+$0x4000]  }
0x127: {  	v20 =	vmul.f32 v55, v44;
	v4 =	vadd.f32 v14, v4;
	v14 =	vmul.f32 v18, v45;
	v18 =	vld [tilespmem:s5+$0x4100]  }
0x128: {  	v6 =	vadd.f32 v23, v6;
	v56 =	vld.idx.msk [tilespmem:v12+s22+$0x0], $0xffff;
	v12 =	vcvt.s32.f32 v12  }
0x129: {  	v5 =	vadd.f32 v13, v5;
	v13 =	vld [tilespmem:s5+$0x4080];
	v2 =	vadd.f32 v20, v2  }
0x12a: {  	v11 =	vmul.f32 v11, v46;
	v23 =	vld [tilespmem:s5+$0x4180];
	v20 =	vcvt.s32.f32 v15;
	v12 =	vsub.f32 v16, v12  }
0x12b: {  	v3 =	vadd.f32 v14, v3;
	v58 =	vld [tilespmem:s5+$0x4200];
	v57 =	vcvt.s32.f32 v19;
	v59 =	vcvt.s32.f32 v21  }
0x12c: {  	v60 =	vld [tilespmem:s5+$0x4280];
	v0 =	vadd.f32 v11, v0;
	v16 =	vcvt.s32.f32 v17;
	v11 =	vmul.f32 v12, v12  }
0x12d: {  	v14 =	vld [tilespmem:s5+$0x4300];
	v61 =	vcvt.s32.f32 v9;
	v20 =	vsub.f32 v22, v20;
	v24 =	vsub.f32 v18, v57  }
0x12e: {  	v62 =	vcvt.s32.f32 v8;
	v63 =	vsub.f32 v13, v16;
	v12 =	vld.idx.msk [tilespmem:v15+s22+$0x0], $0xffff;
	v22 =	vmul.f32 v11, v56  }
0x12f: {  	v16 =	vmul.f32 v20, v20;
	v13 =	vld.idx.msk [tilespmem:v17+s22+$0x0], $0xffff;
	v20 =	vsub.f32 v23, v59;
	v17 =	vmul.f32 v24, v24  }
0x130: {  	s2 =	simm.s32 $0x1;
	v15 =	vld.idx.msk [tilespmem:v19+s22+$0x0], $0xffff;
	v11 =	vcvt.s32.f32 v10;
	v1 =	vadd.f32 v22, v1;
	v22 =	vsub.f32 v58, v61  }
0x131: {  	s30 =	simm.s32 $0x10;
	s4 =	simm.s32 $0x20;
	s5 =	sand.u32 $0x7, s2;
	v19 =	vld.idx.msk [tilespmem:v21+s22+$0x0], $0xffff;
	v21 =	vsub.f32 v60, v62;
	v18 =	vmul.f32 v63, v63;
	v20 =	vmul.f32 v20, v20  }
.LBB2_8:
0x132: {  	p0 =	sne.s32 s4, $0x7F0;
	s5 =	sshll.u32 s5, $0x4;
	v9 =	vld.idx.msk [tilespmem:v9+s22+$0x0], $0xffff;
	v22 =	vmul.f32 v22, v22;
	v11 =	vsub.f32 v14, v11;
	s1 =	sadd.s32 $0x80, s1  }
0x133: {  	s6 =	sadd.s32 s5, s1;
	s5 =	sand.u32 $0x70, s30;
	s30 =	sand.u32 $0x3C00, s1;
	v8 =	vld.idx.msk [tilespmem:v8+s22+$0x0], $0xffff;
	v14 =	vmul.f32 v21, v21  }
0x134: {  	v12 =	vmul.f32 v16, v12;
	s5 =	sor.u32 s5, s30;
	s6 =	sor.u32 $0x4380, s6;
	v10 =	vld.idx.msk [tilespmem:v10+s22+$0x0], $0xffff;
	v11 =	vmul.f32 v11, v11;
	s30 =	smov.u32 s4  }
0x135: {  	v13 =	vmul.f32 v18, v13;
	v16 =	vld [tilespmem:s6+$0x8000]  }
0x136: {  	v7 =	vadd.f32 v12, v7;
	v12 =	vmul.f32 v17, v15;
	v18 =	vld [tilespmem:s5+$0xC000]  }
0x137: {  	v6 =	vadd.f32 v13, v6;
	v13 =	vmul.f32 v20, v19;
	v15 =	vld [tilespmem:s5+$0xC080]  }
0x138: {  	v5 =	vadd.f32 v12, v5;
	v9 =	vmul.f32 v22, v9;
	v17 =	vld [tilespmem:s5+$0xC100]  }
0x139: {  	v4 =	vadd.f32 v13, v4;
	v8 =	vmul.f32 v14, v8;
	v19 =	vld [tilespmem:s5+$0xC180]  }
0x13a: {  	v2 =	vadd.f32 v9, v2;
	v10 =	vmul.f32 v11, v10;
	v12 =	vld [tilespmem:s6+$0x0]  }
0x13b: {  	v3 =	vadd.f32 v8, v3;
	v13 =	vcvt.s32.f32 v18;
	v9 =	vld [tilespmem:s5+$0xC200]  }
0x13c: {  	v0 =	vadd.f32 v10, v0;
	v14 =	vcvt.s32.f32 v15;
	v8 =	vld [tilespmem:s5+$0xC280]  }
0x13d: {  	v11 =	vcvt.s32.f32 v16;
	v20 =	vcvt.s32.f32 v17;
	v21 =	vld.idx.msk [tilespmem:v16+s22+$0x0], $0xffff  }
0x13e: {  	v22 =	vcvt.s32.f32 v19;
	v10 =	vld [tilespmem:s5+$0xC300]  }
0x13f: {  	v16 =	vld [tilespmem:s5+$0x4000];
	v11 =	vsub.f32 v12, v11  }
0x140: {  	v12 =	vld [tilespmem:s5+$0x4080];
	v23 =	vcvt.s32.f32 v9  }
0x141: {  	v24 =	vld [tilespmem:s5+$0x4100];
	v25 =	vcvt.s32.f32 v8;
	v26 =	vmul.f32 v11, v11  }
0x142: {  	v27 =	vld [tilespmem:s5+$0x4180]  }
0x143: {  	v28 =	vld [tilespmem:s5+$0x4200];
	v11 =	vcvt.s32.f32 v10;
	v21 =	vmul.f32 v26, v21  }
0x144: {  	v13 =	vsub.f32 v16, v13;
	v26 =	vld [tilespmem:s5+$0x4280]  }
.Ltmp3:
0x145: {  	v29 =	vsub.f32 v12, v14;
	v14 =	vld [tilespmem:s5+$0x4300];
	v1 =	vadd.f32 v21, v1;
	(pc) =	sbr.rel @p0 .LBB2_8-.Ltmp3, $4  }
0x146: {  	v12 =	vld.idx.msk [tilespmem:v18+s22+$0x0], $0xffff;
	v16 =	vmul.f32 v13, v13;
	v20 =	vsub.f32 v24, v20  }
0x147: {  	v13 =	vld.idx.msk [tilespmem:v15+s22+$0x0], $0xffff;
	v18 =	vmul.f32 v29, v29;
	v21 =	vsub.f32 v27, v22  }
0x148: {  	s2 =	sadd.s32 $0x1, s2;
	v15 =	vld.idx.msk [tilespmem:v17+s22+$0x0], $0xffff;
	v17 =	vmul.f32 v20, v20;
	v22 =	vsub.f32 v28, v23  }
0x149: {  	s4 =	sadd.s32 $0x10, s4;
	s5 =	sand.u32 $0x7, s2;
	v19 =	vld.idx.msk [tilespmem:v19+s22+$0x0], $0xffff;
	v20 =	vmul.f32 v21, v21;
	v21 =	vsub.f32 v26, v25  }
0x14a: {  	_ =	sdelay $0x3  }
0x14b: {  	s2 =	sshll.u32 s5, $0x4;
	v9 =	vld.idx.msk [tilespmem:v9+s22+$0x0], $0xffff;
	s1 =	sadd.s32 $0x80, s1  }
0x14c: {  	v8 =	vld.idx.msk [tilespmem:v8+s22+$0x0], $0xffff;
	s2 =	sadd.s32 s2, s1  }
0x14d: {  	s4 =	sand.u32 $0x70, s30;
	v10 =	vld.idx.msk [tilespmem:v10+s22+$0x0], $0xffff;
	s1 =	sand.u32 $0x3C00, s1;
	s2 =	sor.u32 $0x4380, s2  }
0x14e: {  	s1 =	sor.u32 s4, s1;
	v23 =	vld [tilespmem:s2+$0x8000]  }
0x14f: {  	v24 =	vld [tilespmem:s1+$0xC000]  }
0x150: {  	v25 =	vld [tilespmem:s1+$0xC080]  }
0x151: {  	v26 =	vld [tilespmem:s1+$0xC100]  }
0x152: {  	v27 =	vld [tilespmem:s1+$0xC180]  }
0x153: {  	v28 =	vld [tilespmem:s2+$0x0]  }
0x154: {  	v29 =	vld [tilespmem:s1+$0xC200]  }
0x155: {  	v30 =	vld [tilespmem:s1+$0xC280]  }
0x156: {  	v32 =	vld [tilespmem:s1+$0xC300]  }
0x157: {  	v33 =	vld [tilespmem:s1+$0x4000]  }
0x158: {  	v34 =	vld [tilespmem:s1+$0x4080]  }
0x159: {  	v35 =	vld [tilespmem:s1+$0x4100]  }
0x15a: {  	v36 =	vld [tilespmem:s1+$0x4180]  }
0x15b: {  	v37 =	vld [tilespmem:s1+$0x4200]  }
0x15c: {  	v38 =	vld [tilespmem:s1+$0x4280]  }
0x15d: {  	v39 =	vld [tilespmem:s1+$0x4300]  }
0x15e: {  	v31 =	vld.idx.msk [tilespmem:v23+s22+$0x0], $0xffff  }
0x15f: {  	v40 =	vld.idx.msk [tilespmem:v24+s22+$0x0], $0xffff  }
0x160: {  	v41 =	vld.idx.msk [tilespmem:v25+s22+$0x0], $0xffff  }
0x161: {  	v42 =	vld.idx.msk [tilespmem:v26+s22+$0x0], $0xffff  }
0x162: {  	v43 =	vld.idx.msk [tilespmem:v27+s22+$0x0], $0xffff  }
0x163: {  	v44 =	vld.idx.msk [tilespmem:v29+s22+$0x0], $0xffff  }
0x164: {  	s1 =	simm.s32 $0x0;
	v45 =	vld.idx.msk [tilespmem:v30+s22+$0x0], $0xffff  }
0x165: {  	v11 =	vsub.f32 v14, v11;
	v46 =	vld.idx.msk [tilespmem:v32+s22+$0x0], $0xffff;
	[tilespmem:s25], [sflag:$0x2] =	stream.linear.gather [hbm4b:s14+s1], $0x4000, $0x38  }
0x166: {  	v12 =	vmul.f32 v16, v12  }
0x167: {  	v13 =	vmul.f32 v18, v13;
	v11 =	vmul.f32 v11, v11;
	[tilespmem:s26], [sflag:$0x2] =	stream.linear.gather [hbm4b:s15+s1], $0x4000, $0x38;
	[tilespmem:$0x10100] =	vst v63  }
0x168: {  	v14 =	vmul.f32 v17, v15;
	v7 =	vadd.f32 v12, v7;
	v12 =	vmul.f32 v22, v22;
	_ =	swait.ge [sflag:s28], $0x4000  }
0x169: {  	v15 =	vmul.f32 v20, v19;
	v6 =	vadd.f32 v13, v6;
	v13 =	vmul.f32 v21, v21;
	[sflag:s28] =	ssyncset.done $0x0  }
0x16a: {  	s4 =	sand.u32 $0x7, s1;
	v9 =	vmul.f32 v12, v9;
	v16 =	vcvt.s32.f32 v23;
	[sflag:s28] =	ssyncadd.s32 $0xFFFFC000  }
0x16b: {  	s2 =	sshll.u32 s4, $0x4;
	v5 =	vadd.f32 v14, v5;
	v10 =	vmul.f32 v11, v10;
	v8 =	vmul.f32 v13, v8;
	_ =	swait.ge [sflag:s28], $0x4000  }
0x16c: {  	s5 =	sand.u32 $0x3C00, s1;
	s2 =	sadd.s32 $0x0, s2;
	v2 =	vadd.f32 v9, v2;
	v9 =	vcvt.s32.f32 v24;
	v12 =	vsub.f32 v28, v16;
	[sflag:s28] =	ssyncset.done $0x0  }
0x16d: {  	s4 =	sand.u32 $0x70, s1;
	s6 =	sor.u32 $0x380, s2;
	v3 =	vadd.f32 v8, v3;
	v8 =	vcvt.s32.f32 v25;
	v13 =	vcvt.s32.f32 v26;
	[sflag:s28] =	ssyncadd.s32 $0xFFFFC000  }
0x16e: {  	v4 =	vadd.f32 v15, v4;
	s5 =	sor.u32 s4, s5;
	v14 =	vcvt.s32.f32 v27;
	v11 =	vmul.f32 v12, v12;
	v12 =	vld [tilespmem:s6+$0x8000]  }
0x16f: {  	v18 =	vcvt.s32.f32 v30;
	v20 =	vcvt.s32.f32 v32;
	v9 =	vsub.f32 v33, v9;
	v15 =	vld [tilespmem:s5+$0x8000]  }
0x170: {  	v8 =	vsub.f32 v34, v8;
	v16 =	vcvt.s32.f32 v29;
	v13 =	vsub.f32 v35, v13;
	v17 =	vld [tilespmem:s5+$0x8080]  }
0x171: {  	v14 =	vsub.f32 v36, v14;
	v18 =	vsub.f32 v38, v18;
	v22 =	vmul.f32 v9, v9;
	v19 =	vld [tilespmem:s5+$0x8100]  }
0x172: {  	v23 =	vmul.f32 v8, v8;
	v8 =	vsub.f32 v37, v16;
	v13 =	vmul.f32 v13, v13;
	v21 =	vld [tilespmem:s5+$0x8180]  }
0x173: {  	v14 =	vmul.f32 v14, v14;
	v18 =	vmul.f32 v18, v18;
	v16 =	vld [tilespmem:s6+$0x0]  }
0x174: {  	v55 =	vmul.f32 v8, v8;
	v11 =	vmul.f32 v11, v31;
	v9 =	vld [tilespmem:s5+$0x8200]  }
0x175: {  	v20 =	vsub.f32 v39, v20;
	v22 =	vmul.f32 v22, v40;
	v23 =	vmul.f32 v23, v41;
	v8 =	vld [tilespmem:s5+$0x8280]  }
0x176: {  	v0 =	vadd.f32 v10, v0;
	v13 =	vmul.f32 v13, v42;
	v14 =	vmul.f32 v14, v43;
	v10 =	vld [tilespmem:s5+$0x8300]  }
0x177: {  	v1 =	vadd.f32 v11, v1;
	v11 =	vmul.f32 v20, v20;
	v7 =	vadd.f32 v22, v7;
	v22 =	vld [tilespmem:s5+$0x0]  }
0x178: {  	v20 =	vmul.f32 v55, v44;
	v4 =	vadd.f32 v14, v4;
	v14 =	vmul.f32 v18, v45;
	v18 =	vld [tilespmem:s5+$0x100]  }
0x179: {  	v6 =	vadd.f32 v23, v6;
	v56 =	vld.idx.msk [tilespmem:v12+s22+$0x0], $0xffff;
	v12 =	vcvt.s32.f32 v12  }
0x17a: {  	v5 =	vadd.f32 v13, v5;
	v13 =	vld [tilespmem:s5+$0x80];
	v2 =	vadd.f32 v20, v2  }
0x17b: {  	v11 =	vmul.f32 v11, v46;
	v23 =	vld [tilespmem:s5+$0x180];
	v20 =	vcvt.s32.f32 v15;
	v12 =	vsub.f32 v16, v12  }
0x17c: {  	v3 =	vadd.f32 v14, v3;
	v58 =	vld [tilespmem:s5+$0x200];
	v57 =	vcvt.s32.f32 v19;
	v59 =	vcvt.s32.f32 v21  }
0x17d: {  	v60 =	vld [tilespmem:s5+$0x280];
	v0 =	vadd.f32 v11, v0;
	v16 =	vcvt.s32.f32 v17;
	v11 =	vmul.f32 v12, v12  }
0x17e: {  	v14 =	vld [tilespmem:s5+$0x300];
	v61 =	vcvt.s32.f32 v9;
	v20 =	vsub.f32 v22, v20;
	v24 =	vsub.f32 v18, v57  }
0x17f: {  	v62 =	vcvt.s32.f32 v8;
	v63 =	vsub.f32 v13, v16;
	v12 =	vld.idx.msk [tilespmem:v15+s22+$0x0], $0xffff;
	v22 =	vmul.f32 v11, v56  }
0x180: {  	v16 =	vmul.f32 v20, v20;
	v13 =	vld.idx.msk [tilespmem:v17+s22+$0x0], $0xffff;
	v20 =	vsub.f32 v23, v59;
	v17 =	vmul.f32 v24, v24  }
0x181: {  	s2 =	simm.s32 $0x1;
	v15 =	vld.idx.msk [tilespmem:v19+s22+$0x0], $0xffff;
	v11 =	vcvt.s32.f32 v10;
	v1 =	vadd.f32 v22, v1;
	v22 =	vsub.f32 v58, v61  }
0x182: {  	s30 =	simm.s32 $0x10;
	s4 =	simm.s32 $0x20;
	s5 =	sand.u32 $0x7, s2;
	v19 =	vld.idx.msk [tilespmem:v21+s22+$0x0], $0xffff;
	v21 =	vsub.f32 v60, v62;
	v18 =	vmul.f32 v63, v63;
	v20 =	vmul.f32 v20, v20  }
.LBB2_10:
0x183: {  	p0 =	sne.s32 s4, $0x7F0;
	s5 =	sshll.u32 s5, $0x4;
	v9 =	vld.idx.msk [tilespmem:v9+s22+$0x0], $0xffff;
	v22 =	vmul.f32 v22, v22;
	v11 =	vsub.f32 v14, v11;
	s1 =	sadd.s32 $0x80, s1  }
0x184: {  	s6 =	sadd.s32 s5, s1;
	s5 =	sand.u32 $0x70, s30;
	s30 =	sand.u32 $0x3C00, s1;
	v8 =	vld.idx.msk [tilespmem:v8+s22+$0x0], $0xffff;
	v14 =	vmul.f32 v21, v21  }
0x185: {  	v12 =	vmul.f32 v16, v12;
	s5 =	sor.u32 s5, s30;
	s6 =	sor.u32 $0x380, s6;
	v10 =	vld.idx.msk [tilespmem:v10+s22+$0x0], $0xffff;
	v11 =	vmul.f32 v11, v11;
	s30 =	smov.u32 s4  }
0x186: {  	v13 =	vmul.f32 v18, v13;
	v16 =	vld [tilespmem:s6+$0x8000]  }
0x187: {  	v7 =	vadd.f32 v12, v7;
	v12 =	vmul.f32 v17, v15;
	v18 =	vld [tilespmem:s5+$0x8000]  }
0x188: {  	v6 =	vadd.f32 v13, v6;
	v13 =	vmul.f32 v20, v19;
	v15 =	vld [tilespmem:s5+$0x8080]  }
0x189: {  	v5 =	vadd.f32 v12, v5;
	v9 =	vmul.f32 v22, v9;
	v17 =	vld [tilespmem:s5+$0x8100]  }
0x18a: {  	v4 =	vadd.f32 v13, v4;
	v8 =	vmul.f32 v14, v8;
	v19 =	vld [tilespmem:s5+$0x8180]  }
0x18b: {  	v2 =	vadd.f32 v9, v2;
	v10 =	vmul.f32 v11, v10;
	v12 =	vld [tilespmem:s6+$0x0]  }
0x18c: {  	v3 =	vadd.f32 v8, v3;
	v13 =	vcvt.s32.f32 v18;
	v9 =	vld [tilespmem:s5+$0x8200]  }
0x18d: {  	v0 =	vadd.f32 v10, v0;
	v14 =	vcvt.s32.f32 v15;
	v8 =	vld [tilespmem:s5+$0x8280]  }
0x18e: {  	v11 =	vcvt.s32.f32 v16;
	v20 =	vcvt.s32.f32 v17;
	v21 =	vld.idx.msk [tilespmem:v16+s22+$0x0], $0xffff  }
0x18f: {  	v22 =	vcvt.s32.f32 v19;
	v10 =	vld [tilespmem:s5+$0x8300]  }
0x190: {  	v16 =	vld [tilespmem:s5+$0x0];
	v11 =	vsub.f32 v12, v11  }
0x191: {  	v12 =	vld [tilespmem:s5+$0x80];
	v23 =	vcvt.s32.f32 v9  }
0x192: {  	v24 =	vld [tilespmem:s5+$0x100];
	v25 =	vcvt.s32.f32 v8;
	v26 =	vmul.f32 v11, v11  }
0x193: {  	v27 =	vld [tilespmem:s5+$0x180]  }
0x194: {  	v28 =	vld [tilespmem:s5+$0x200];
	v11 =	vcvt.s32.f32 v10;
	v21 =	vmul.f32 v26, v21  }
0x195: {  	v13 =	vsub.f32 v16, v13;
	v26 =	vld [tilespmem:s5+$0x280]  }
.Ltmp4:
0x196: {  	v29 =	vsub.f32 v12, v14;
	v14 =	vld [tilespmem:s5+$0x300];
	v1 =	vadd.f32 v21, v1;
	(pc) =	sbr.rel @p0 .LBB2_10-.Ltmp4, $4  }
0x197: {  	v12 =	vld.idx.msk [tilespmem:v18+s22+$0x0], $0xffff;
	v16 =	vmul.f32 v13, v13;
	v20 =	vsub.f32 v24, v20  }
0x198: {  	v13 =	vld.idx.msk [tilespmem:v15+s22+$0x0], $0xffff;
	v18 =	vmul.f32 v29, v29;
	v21 =	vsub.f32 v27, v22  }
0x199: {  	s2 =	sadd.s32 $0x1, s2;
	v15 =	vld.idx.msk [tilespmem:v17+s22+$0x0], $0xffff;
	v17 =	vmul.f32 v20, v20;
	v22 =	vsub.f32 v28, v23  }
0x19a: {  	s4 =	sadd.s32 $0x10, s4;
	s5 =	sand.u32 $0x7, s2;
	v19 =	vld.idx.msk [tilespmem:v19+s22+$0x0], $0xffff;
	v20 =	vmul.f32 v21, v21;
	v21 =	vsub.f32 v26, v25  }
0x19b: {  	_ =	sdelay $0x3  }
0x19c: {  	s2 =	sshll.u32 s5, $0x4;
	v9 =	vld.idx.msk [tilespmem:v9+s22+$0x0], $0xffff;
	s1 =	sadd.s32 $0x80, s1  }
0x19d: {  	v8 =	vld.idx.msk [tilespmem:v8+s22+$0x0], $0xffff;
	s2 =	sadd.s32 s2, s1  }
0x19e: {  	s4 =	sand.u32 $0x70, s30;
	v10 =	vld.idx.msk [tilespmem:v10+s22+$0x0], $0xffff;
	s1 =	sand.u32 $0x3C00, s1;
	s2 =	sor.u32 $0x380, s2  }
0x19f: {  	s1 =	sor.u32 s4, s1;
	v23 =	vld [tilespmem:s2+$0x8000]  }
0x1a0: {  	v24 =	vld [tilespmem:s1+$0x8000]  }
0x1a1: {  	v25 =	vld [tilespmem:s1+$0x8080]  }
0x1a2: {  	v26 =	vld [tilespmem:s1+$0x8100]  }
0x1a3: {  	v27 =	vld [tilespmem:s1+$0x8180]  }
0x1a4: {  	v28 =	vld [tilespmem:s2+$0x0]  }
0x1a5: {  	v29 =	vld [tilespmem:s1+$0x8200]  }
0x1a6: {  	v30 =	vld [tilespmem:s1+$0x8280]  }
0x1a7: {  	v32 =	vld [tilespmem:s1+$0x8300]  }
0x1a8: {  	v33 =	vld [tilespmem:s1+$0x0]  }
0x1a9: {  	v34 =	vld [tilespmem:s1+$0x80]  }
0x1aa: {  	v35 =	vld [tilespmem:s1+$0x100]  }
0x1ab: {  	v36 =	vld [tilespmem:s1+$0x180]  }
0x1ac: {  	v37 =	vld [tilespmem:s1+$0x200]  }
0x1ad: {  	v38 =	vld [tilespmem:s1+$0x280]  }
0x1ae: {  	v39 =	vld [tilespmem:s1+$0x300]  }
0x1af: {  	v31 =	vld.idx.msk [tilespmem:v23+s22+$0x0], $0xffff  }
0x1b0: {  	v40 =	vld.idx.msk [tilespmem:v24+s22+$0x0], $0xffff  }
0x1b1: {  	v41 =	vld.idx.msk [tilespmem:v25+s22+$0x0], $0xffff  }
0x1b2: {  	v42 =	vld.idx.msk [tilespmem:v26+s22+$0x0], $0xffff  }
0x1b3: {  	v43 =	vld.idx.msk [tilespmem:v27+s22+$0x0], $0xffff  }
0x1b4: {  	v44 =	vld.idx.msk [tilespmem:v29+s22+$0x0], $0xffff  }
0x1b5: {  	s1 =	simm.s32 $0x0;
	v45 =	vld.idx.msk [tilespmem:v30+s22+$0x0], $0xffff  }
0x1b6: {  	v11 =	vsub.f32 v14, v11;
	v46 =	vld.idx.msk [tilespmem:v32+s22+$0x0], $0xffff;
	[tilespmem:s1], [sflag:$0x1] =	stream.linear.gather [hbm4b:s16+s1], $0x4000, $0x38  }
0x1b7: {  	v12 =	vmul.f32 v16, v12  }
0x1b8: {  	v13 =	vmul.f32 v18, v13;
	v11 =	vmul.f32 v11, v11;
	[tilespmem:s24], [sflag:$0x1] =	stream.linear.gather [hbm4b:s17+s1], $0x4000, $0x38;
	[tilespmem:$0x10100] =	vst v63  }
0x1b9: {  	v14 =	vmul.f32 v17, v15;
	v7 =	vadd.f32 v12, v7;
	v12 =	vmul.f32 v22, v22;
	_ =	swait.ge [sflag:s29], $0x4000  }
0x1ba: {  	v15 =	vmul.f32 v20, v19;
	v6 =	vadd.f32 v13, v6;
	v13 =	vmul.f32 v21, v21;
	[sflag:s29] =	ssyncset.done $0x0  }
0x1bb: {  	s4 =	sand.u32 $0x7, s1;
	v9 =	vmul.f32 v12, v9;
	v16 =	vcvt.s32.f32 v23;
	[sflag:s29] =	ssyncadd.s32 $0xFFFFC000  }
0x1bc: {  	s2 =	sshll.u32 s4, $0x4;
	v5 =	vadd.f32 v14, v5;
	v10 =	vmul.f32 v11, v10;
	v8 =	vmul.f32 v13, v8;
	_ =	swait.ge [sflag:s29], $0x4000  }
0x1bd: {  	s5 =	sand.u32 $0x3C00, s1;
	s2 =	sadd.s32 $0x0, s2;
	v2 =	vadd.f32 v9, v2;
	v9 =	vcvt.s32.f32 v24;
	v12 =	vsub.f32 v28, v16;
	[sflag:s29] =	ssyncset.done $0x0  }
0x1be: {  	s4 =	sand.u32 $0x70, s1;
	s6 =	sor.u32 $0x4380, s2;
	v3 =	vadd.f32 v8, v3;
	v8 =	vcvt.s32.f32 v25;
	v13 =	vcvt.s32.f32 v26;
	[sflag:s29] =	ssyncadd.s32 $0xFFFFC000  }
0x1bf: {  	v4 =	vadd.f32 v15, v4;
	s5 =	sor.u32 s4, s5;
	v14 =	vcvt.s32.f32 v27;
	v11 =	vmul.f32 v12, v12;
	v12 =	vld [tilespmem:s6+$0x8000]  }
0x1c0: {  	v18 =	vcvt.s32.f32 v30;
	v20 =	vcvt.s32.f32 v32;
	v9 =	vsub.f32 v33, v9;
	v15 =	vld [tilespmem:s5+$0xC000]  }
0x1c1: {  	v8 =	vsub.f32 v34, v8;
	v16 =	vcvt.s32.f32 v29;
	v13 =	vsub.f32 v35, v13;
	v17 =	vld [tilespmem:s5+$0xC080]  }
0x1c2: {  	v14 =	vsub.f32 v36, v14;
	v18 =	vsub.f32 v38, v18;
	v22 =	vmul.f32 v9, v9;
	v19 =	vld [tilespmem:s5+$0xC100]  }
0x1c3: {  	v23 =	vmul.f32 v8, v8;
	v8 =	vsub.f32 v37, v16;
	v13 =	vmul.f32 v13, v13;
	v21 =	vld [tilespmem:s5+$0xC180]  }
0x1c4: {  	v14 =	vmul.f32 v14, v14;
	v18 =	vmul.f32 v18, v18;
	v16 =	vld [tilespmem:s6+$0x0]  }
0x1c5: {  	v55 =	vmul.f32 v8, v8;
	v11 =	vmul.f32 v11, v31;
	v9 =	vld [tilespmem:s5+$0xC200]  }
0x1c6: {  	v20 =	vsub.f32 v39, v20;
	v22 =	vmul.f32 v22, v40;
	v23 =	vmul.f32 v23, v41;
	v8 =	vld [tilespmem:s5+$0xC280]  }
0x1c7: {  	v0 =	vadd.f32 v10, v0;
	v13 =	vmul.f32 v13, v42;
	v14 =	vmul.f32 v14, v43;
	v10 =	vld [tilespmem:s5+$0xC300]  }
0x1c8: {  	v1 =	vadd.f32 v11, v1;
	v11 =	vmul.f32 v20, v20;
	v7 =	vadd.f32 v22, v7;
	v22 =	vld [tilespmem:s5+$0x4000]  }
0x1c9: {  	v20 =	vmul.f32 v55, v44;
	v4 =	vadd.f32 v14, v4;
	v14 =	vmul.f32 v18, v45;
	v18 =	vld [tilespmem:s5+$0x4100]  }
0x1ca: {  	v6 =	vadd.f32 v23, v6;
	v56 =	vld.idx.msk [tilespmem:v12+s22+$0x0], $0xffff;
	v12 =	vcvt.s32.f32 v12  }
0x1cb: {  	v5 =	vadd.f32 v13, v5;
	v13 =	vld [tilespmem:s5+$0x4080];
	v2 =	vadd.f32 v20, v2  }
0x1cc: {  	v11 =	vmul.f32 v11, v46;
	v23 =	vld [tilespmem:s5+$0x4180];
	v20 =	vcvt.s32.f32 v15;
	v12 =	vsub.f32 v16, v12  }
0x1cd: {  	v3 =	vadd.f32 v14, v3;
	v58 =	vld [tilespmem:s5+$0x4200];
	v57 =	vcvt.s32.f32 v19;
	v59 =	vcvt.s32.f32 v21  }
0x1ce: {  	v60 =	vld [tilespmem:s5+$0x4280];
	v0 =	vadd.f32 v11, v0;
	v16 =	vcvt.s32.f32 v17;
	v11 =	vmul.f32 v12, v12  }
0x1cf: {  	v14 =	vld [tilespmem:s5+$0x4300];
	v61 =	vcvt.s32.f32 v9;
	v20 =	vsub.f32 v22, v20;
	v24 =	vsub.f32 v18, v57  }
0x1d0: {  	v62 =	vcvt.s32.f32 v8;
	v63 =	vsub.f32 v13, v16;
	v12 =	vld.idx.msk [tilespmem:v15+s22+$0x0], $0xffff;
	v22 =	vmul.f32 v11, v56  }
0x1d1: {  	v16 =	vmul.f32 v20, v20;
	v13 =	vld.idx.msk [tilespmem:v17+s22+$0x0], $0xffff;
	v20 =	vsub.f32 v23, v59;
	v17 =	vmul.f32 v24, v24  }
0x1d2: {  	s2 =	simm.s32 $0x1;
	v15 =	vld.idx.msk [tilespmem:v19+s22+$0x0], $0xffff;
	v11 =	vcvt.s32.f32 v10;
	v1 =	vadd.f32 v22, v1;
	v22 =	vsub.f32 v58, v61  }
0x1d3: {  	s30 =	simm.s32 $0x10;
	s4 =	simm.s32 $0x20;
	s5 =	sand.u32 $0x7, s2;
	v19 =	vld.idx.msk [tilespmem:v21+s22+$0x0], $0xffff;
	v21 =	vsub.f32 v60, v62;
	v18 =	vmul.f32 v63, v63;
	v20 =	vmul.f32 v20, v20  }
.LBB2_12:
0x1d4: {  	p0 =	sne.s32 s4, $0x7F0;
	s5 =	sshll.u32 s5, $0x4;
	v9 =	vld.idx.msk [tilespmem:v9+s22+$0x0], $0xffff;
	v22 =	vmul.f32 v22, v22;
	v11 =	vsub.f32 v14, v11;
	s1 =	sadd.s32 $0x80, s1  }
0x1d5: {  	s6 =	sadd.s32 s5, s1;
	s5 =	sand.u32 $0x70, s30;
	s30 =	sand.u32 $0x3C00, s1;
	v8 =	vld.idx.msk [tilespmem:v8+s22+$0x0], $0xffff;
	v14 =	vmul.f32 v21, v21  }
0x1d6: {  	v12 =	vmul.f32 v16, v12;
	s5 =	sor.u32 s5, s30;
	s6 =	sor.u32 $0x4380, s6;
	v10 =	vld.idx.msk [tilespmem:v10+s22+$0x0], $0xffff;
	v11 =	vmul.f32 v11, v11;
	s30 =	smov.u32 s4  }
0x1d7: {  	v13 =	vmul.f32 v18, v13;
	v16 =	vld [tilespmem:s6+$0x8000]  }
0x1d8: {  	v7 =	vadd.f32 v12, v7;
	v12 =	vmul.f32 v17, v15;
	v18 =	vld [tilespmem:s5+$0xC000]  }
0x1d9: {  	v6 =	vadd.f32 v13, v6;
	v13 =	vmul.f32 v20, v19;
	v15 =	vld [tilespmem:s5+$0xC080]  }
0x1da: {  	v5 =	vadd.f32 v12, v5;
	v9 =	vmul.f32 v22, v9;
	v17 =	vld [tilespmem:s5+$0xC100]  }
0x1db: {  	v4 =	vadd.f32 v13, v4;
	v8 =	vmul.f32 v14, v8;
	v19 =	vld [tilespmem:s5+$0xC180]  }
0x1dc: {  	v2 =	vadd.f32 v9, v2;
	v10 =	vmul.f32 v11, v10;
	v12 =	vld [tilespmem:s6+$0x0]  }
0x1dd: {  	v3 =	vadd.f32 v8, v3;
	v13 =	vcvt.s32.f32 v18;
	v9 =	vld [tilespmem:s5+$0xC200]  }
0x1de: {  	v0 =	vadd.f32 v10, v0;
	v14 =	vcvt.s32.f32 v15;
	v8 =	vld [tilespmem:s5+$0xC280]  }
0x1df: {  	v11 =	vcvt.s32.f32 v16;
	v20 =	vcvt.s32.f32 v17;
	v21 =	vld.idx.msk [tilespmem:v16+s22+$0x0], $0xffff  }
0x1e0: {  	v22 =	vcvt.s32.f32 v19;
	v10 =	vld [tilespmem:s5+$0xC300]  }
0x1e1: {  	v16 =	vld [tilespmem:s5+$0x4000];
	v11 =	vsub.f32 v12, v11  }
0x1e2: {  	v12 =	vld [tilespmem:s5+$0x4080];
	v23 =	vcvt.s32.f32 v9  }
0x1e3: {  	v24 =	vld [tilespmem:s5+$0x4100];
	v25 =	vcvt.s32.f32 v8;
	v26 =	vmul.f32 v11, v11  }
0x1e4: {  	v27 =	vld [tilespmem:s5+$0x4180]  }
0x1e5: {  	v28 =	vld [tilespmem:s5+$0x4200];
	v11 =	vcvt.s32.f32 v10;
	v21 =	vmul.f32 v26, v21  }
0x1e6: {  	v13 =	vsub.f32 v16, v13;
	v26 =	vld [tilespmem:s5+$0x4280]  }
.Ltmp5:
0x1e7: {  	v29 =	vsub.f32 v12, v14;
	v14 =	vld [tilespmem:s5+$0x4300];
	v1 =	vadd.f32 v21, v1;
	(pc) =	sbr.rel @p0 .LBB2_12-.Ltmp5, $4  }
0x1e8: {  	v12 =	vld.idx.msk [tilespmem:v18+s22+$0x0], $0xffff;
	v16 =	vmul.f32 v13, v13;
	v20 =	vsub.f32 v24, v20  }
0x1e9: {  	v13 =	vld.idx.msk [tilespmem:v15+s22+$0x0], $0xffff;
	v18 =	vmul.f32 v29, v29;
	v21 =	vsub.f32 v27, v22  }
0x1ea: {  	s2 =	sadd.s32 $0x1, s2;
	v15 =	vld.idx.msk [tilespmem:v17+s22+$0x0], $0xffff;
	v17 =	vmul.f32 v20, v20;
	v22 =	vsub.f32 v28, v23  }
0x1eb: {  	s4 =	sadd.s32 $0x10, s4;
	s5 =	sand.u32 $0x7, s2;
	v19 =	vld.idx.msk [tilespmem:v19+s22+$0x0], $0xffff;
	v20 =	vmul.f32 v21, v21;
	v21 =	vsub.f32 v26, v25  }
0x1ec: {  	_ =	sdelay $0x3  }
0x1ed: {  	s2 =	sshll.u32 s5, $0x4;
	v9 =	vld.idx.msk [tilespmem:v9+s22+$0x0], $0xffff;
	s1 =	sadd.s32 $0x80, s1  }
0x1ee: {  	v8 =	vld.idx.msk [tilespmem:v8+s22+$0x0], $0xffff;
	s2 =	sadd.s32 s2, s1  }
0x1ef: {  	s4 =	sand.u32 $0x70, s30;
	v10 =	vld.idx.msk [tilespmem:v10+s22+$0x0], $0xffff;
	s1 =	sand.u32 $0x3C00, s1;
	s2 =	sor.u32 $0x4380, s2  }
0x1f0: {  	s1 =	sor.u32 s4, s1;
	v23 =	vld [tilespmem:s2+$0x8000]  }
0x1f1: {  	v24 =	vld [tilespmem:s1+$0xC000]  }
0x1f2: {  	v25 =	vld [tilespmem:s1+$0xC080]  }
0x1f3: {  	v26 =	vld [tilespmem:s1+$0xC100]  }
0x1f4: {  	v27 =	vld [tilespmem:s1+$0xC180]  }
0x1f5: {  	v28 =	vld [tilespmem:s2+$0x0]  }
0x1f6: {  	v29 =	vld [tilespmem:s1+$0xC200]  }
0x1f7: {  	v30 =	vld [tilespmem:s1+$0xC280]  }
0x1f8: {  	v32 =	vld [tilespmem:s1+$0xC300]  }
0x1f9: {  	v33 =	vld [tilespmem:s1+$0x4000]  }
0x1fa: {  	v34 =	vld [tilespmem:s1+$0x4080]  }
0x1fb: {  	v35 =	vld [tilespmem:s1+$0x4100]  }
0x1fc: {  	v36 =	vld [tilespmem:s1+$0x4180]  }
0x1fd: {  	v37 =	vld [tilespmem:s1+$0x4200]  }
0x1fe: {  	v38 =	vld [tilespmem:s1+$0x4280]  }
0x1ff: {  	v39 =	vld [tilespmem:s1+$0x4300]  }
0x200: {  	v31 =	vld.idx.msk [tilespmem:v23+s22+$0x0], $0xffff  }
0x201: {  	v40 =	vld.idx.msk [tilespmem:v24+s22+$0x0], $0xffff  }
0x202: {  	v41 =	vld.idx.msk [tilespmem:v25+s22+$0x0], $0xffff  }
0x203: {  	v42 =	vld.idx.msk [tilespmem:v26+s22+$0x0], $0xffff  }
0x204: {  	v43 =	vld.idx.msk [tilespmem:v27+s22+$0x0], $0xffff  }
0x205: {  	v44 =	vld.idx.msk [tilespmem:v29+s22+$0x0], $0xffff  }
0x206: {  	s1 =	simm.s32 $0x0;
	v45 =	vld.idx.msk [tilespmem:v30+s22+$0x0], $0xffff  }
0x207: {  	v11 =	vsub.f32 v14, v11;
	v46 =	vld.idx.msk [tilespmem:v32+s22+$0x0], $0xffff;
	[tilespmem:s25], [sflag:$0x2] =	stream.linear.gather [hbm4b:s18+s1], $0x4000, $0x38  }
0x208: {  	v12 =	vmul.f32 v16, v12  }
0x209: {  	v13 =	vmul.f32 v18, v13;
	v11 =	vmul.f32 v11, v11;
	[tilespmem:s26], [sflag:$0x2] =	stream.linear.gather [hbm4b:s19+s1], $0x4000, $0x38;
	[tilespmem:$0x10100] =	vst v63  }
0x20a: {  	v14 =	vmul.f32 v17, v15;
	v7 =	vadd.f32 v12, v7;
	v12 =	vmul.f32 v22, v22;
	_ =	swait.ge [sflag:s28], $0x4000  }
0x20b: {  	v15 =	vmul.f32 v20, v19;
	v6 =	vadd.f32 v13, v6;
	v13 =	vmul.f32 v21, v21;
	[sflag:s28] =	ssyncset.done $0x0  }
0x20c: {  	s4 =	sand.u32 $0x7, s1;
	v9 =	vmul.f32 v12, v9;
	v16 =	vcvt.s32.f32 v23;
	[sflag:s28] =	ssyncadd.s32 $0xFFFFC000  }
0x20d: {  	s2 =	sshll.u32 s4, $0x4;
	v5 =	vadd.f32 v14, v5;
	v10 =	vmul.f32 v11, v10;
	v8 =	vmul.f32 v13, v8;
	_ =	swait.ge [sflag:s28], $0x4000  }
0x20e: {  	s5 =	sand.u32 $0x3C00, s1;
	s2 =	sadd.s32 $0x0, s2;
	v2 =	vadd.f32 v9, v2;
	v9 =	vcvt.s32.f32 v24;
	v12 =	vsub.f32 v28, v16;
	[sflag:s28] =	ssyncset.done $0x0  }
0x20f: {  	s4 =	sand.u32 $0x70, s1;
	s6 =	sor.u32 $0x380, s2;
	v3 =	vadd.f32 v8, v3;
	v8 =	vcvt.s32.f32 v25;
	v13 =	vcvt.s32.f32 v26;
	[sflag:s28] =	ssyncadd.s32 $0xFFFFC000  }
0x210: {  	v4 =	vadd.f32 v15, v4;
	s5 =	sor.u32 s4, s5;
	v14 =	vcvt.s32.f32 v27;
	v11 =	vmul.f32 v12, v12;
	v12 =	vld [tilespmem:s6+$0x8000]  }
0x211: {  	v18 =	vcvt.s32.f32 v30;
	v20 =	vcvt.s32.f32 v32;
	v9 =	vsub.f32 v33, v9;
	v15 =	vld [tilespmem:s5+$0x8000]  }
0x212: {  	v8 =	vsub.f32 v34, v8;
	v16 =	vcvt.s32.f32 v29;
	v13 =	vsub.f32 v35, v13;
	v17 =	vld [tilespmem:s5+$0x8080]  }
0x213: {  	v14 =	vsub.f32 v36, v14;
	v18 =	vsub.f32 v38, v18;
	v22 =	vmul.f32 v9, v9;
	v19 =	vld [tilespmem:s5+$0x8100]  }
0x214: {  	v23 =	vmul.f32 v8, v8;
	v8 =	vsub.f32 v37, v16;
	v13 =	vmul.f32 v13, v13;
	v21 =	vld [tilespmem:s5+$0x8180]  }
0x215: {  	v14 =	vmul.f32 v14, v14;
	v18 =	vmul.f32 v18, v18;
	v16 =	vld [tilespmem:s6+$0x0]  }
0x216: {  	v55 =	vmul.f32 v8, v8;
	v11 =	vmul.f32 v11, v31;
	v9 =	vld [tilespmem:s5+$0x8200]  }
0x217: {  	v20 =	vsub.f32 v39, v20;
	v22 =	vmul.f32 v22, v40;
	v23 =	vmul.f32 v23, v41;
	v8 =	vld [tilespmem:s5+$0x8280]  }
0x218: {  	v0 =	vadd.f32 v10, v0;
	v13 =	vmul.f32 v13, v42;
	v14 =	vmul.f32 v14, v43;
	v10 =	vld [tilespmem:s5+$0x8300]  }
0x219: {  	v1 =	vadd.f32 v11, v1;
	v11 =	vmul.f32 v20, v20;
	v7 =	vadd.f32 v22, v7;
	v22 =	vld [tilespmem:s5+$0x0]  }
0x21a: {  	v20 =	vmul.f32 v55, v44;
	v4 =	vadd.f32 v14, v4;
	v14 =	vmul.f32 v18, v45;
	v18 =	vld [tilespmem:s5+$0x100]  }
0x21b: {  	v6 =	vadd.f32 v23, v6;
	v56 =	vld.idx.msk [tilespmem:v12+s22+$0x0], $0xffff;
	v12 =	vcvt.s32.f32 v12  }
0x21c: {  	v5 =	vadd.f32 v13, v5;
	v13 =	vld [tilespmem:s5+$0x80];
	v2 =	vadd.f32 v20, v2  }
0x21d: {  	v11 =	vmul.f32 v11, v46;
	v23 =	vld [tilespmem:s5+$0x180];
	v20 =	vcvt.s32.f32 v15;
	v12 =	vsub.f32 v16, v12  }
0x21e: {  	v3 =	vadd.f32 v14, v3;
	v58 =	vld [tilespmem:s5+$0x200];
	v57 =	vcvt.s32.f32 v19;
	v59 =	vcvt.s32.f32 v21  }
0x21f: {  	v60 =	vld [tilespmem:s5+$0x280];
	v0 =	vadd.f32 v11, v0;
	v16 =	vcvt.s32.f32 v17;
	v11 =	vmul.f32 v12, v12  }
0x220: {  	v14 =	vld [tilespmem:s5+$0x300];
	v61 =	vcvt.s32.f32 v9;
	v20 =	vsub.f32 v22, v20;
	v24 =	vsub.f32 v18, v57  }
0x221: {  	v62 =	vcvt.s32.f32 v8;
	v63 =	vsub.f32 v13, v16;
	v12 =	vld.idx.msk [tilespmem:v15+s22+$0x0], $0xffff;
	v22 =	vmul.f32 v11, v56  }
0x222: {  	v16 =	vmul.f32 v20, v20;
	v13 =	vld.idx.msk [tilespmem:v17+s22+$0x0], $0xffff;
	v20 =	vsub.f32 v23, v59;
	v17 =	vmul.f32 v24, v24  }
0x223: {  	s2 =	simm.s32 $0x1;
	v15 =	vld.idx.msk [tilespmem:v19+s22+$0x0], $0xffff;
	v11 =	vcvt.s32.f32 v10;
	v1 =	vadd.f32 v22, v1;
	v22 =	vsub.f32 v58, v61  }
0x224: {  	s30 =	simm.s32 $0x10;
	s4 =	simm.s32 $0x20;
	s5 =	sand.u32 $0x7, s2;
	v19 =	vld.idx.msk [tilespmem:v21+s22+$0x0], $0xffff;
	v21 =	vsub.f32 v60, v62;
	v18 =	vmul.f32 v63, v63;
	v20 =	vmul.f32 v20, v20  }
.LBB2_14:
0x225: {  	p0 =	sne.s32 s4, $0x7F0;
	s5 =	sshll.u32 s5, $0x4;
	v9 =	vld.idx.msk [tilespmem:v9+s22+$0x0], $0xffff;
	v22 =	vmul.f32 v22, v22;
	v11 =	vsub.f32 v14, v11;
	s1 =	sadd.s32 $0x80, s1  }
0x226: {  	s6 =	sadd.s32 s5, s1;
	s5 =	sand.u32 $0x70, s30;
	s30 =	sand.u32 $0x3C00, s1;
	v8 =	vld.idx.msk [tilespmem:v8+s22+$0x0], $0xffff;
	v14 =	vmul.f32 v21, v21  }
0x227: {  	v12 =	vmul.f32 v16, v12;
	s5 =	sor.u32 s5, s30;
	s6 =	sor.u32 $0x380, s6;
	v10 =	vld.idx.msk [tilespmem:v10+s22+$0x0], $0xffff;
	v11 =	vmul.f32 v11, v11;
	s30 =	smov.u32 s4  }
0x228: {  	v13 =	vmul.f32 v18, v13;
	v16 =	vld [tilespmem:s6+$0x8000]  }
0x229: {  	v7 =	vadd.f32 v12, v7;
	v12 =	vmul.f32 v17, v15;
	v18 =	vld [tilespmem:s5+$0x8000]  }
0x22a: {  	v6 =	vadd.f32 v13, v6;
	v13 =	vmul.f32 v20, v19;
	v15 =	vld [tilespmem:s5+$0x8080]  }
0x22b: {  	v5 =	vadd.f32 v12, v5;
	v9 =	vmul.f32 v22, v9;
	v17 =	vld [tilespmem:s5+$0x8100]  }
0x22c: {  	v4 =	vadd.f32 v13, v4;
	v8 =	vmul.f32 v14, v8;
	v19 =	vld [tilespmem:s5+$0x8180]  }
0x22d: {  	v2 =	vadd.f32 v9, v2;
	v10 =	vmul.f32 v11, v10;
	v12 =	vld [tilespmem:s6+$0x0]  }
0x22e: {  	v3 =	vadd.f32 v8, v3;
	v13 =	vcvt.s32.f32 v18;
	v9 =	vld [tilespmem:s5+$0x8200]  }
0x22f: {  	v0 =	vadd.f32 v10, v0;
	v14 =	vcvt.s32.f32 v15;
	v8 =	vld [tilespmem:s5+$0x8280]  }
0x230: {  	v11 =	vcvt.s32.f32 v16;
	v20 =	vcvt.s32.f32 v17;
	v21 =	vld.idx.msk [tilespmem:v16+s22+$0x0], $0xffff  }
0x231: {  	v22 =	vcvt.s32.f32 v19;
	v10 =	vld [tilespmem:s5+$0x8300]  }
0x232: {  	v16 =	vld [tilespmem:s5+$0x0];
	v11 =	vsub.f32 v12, v11  }
0x233: {  	v12 =	vld [tilespmem:s5+$0x80];
	v23 =	vcvt.s32.f32 v9  }
0x234: {  	v24 =	vld [tilespmem:s5+$0x100];
	v25 =	vcvt.s32.f32 v8;
	v26 =	vmul.f32 v11, v11  }
0x235: {  	v27 =	vld [tilespmem:s5+$0x180]  }
0x236: {  	v28 =	vld [tilespmem:s5+$0x200];
	v11 =	vcvt.s32.f32 v10;
	v21 =	vmul.f32 v26, v21  }
0x237: {  	v13 =	vsub.f32 v16, v13;
	v26 =	vld [tilespmem:s5+$0x280]  }
.Ltmp6:
0x238: {  	v29 =	vsub.f32 v12, v14;
	v14 =	vld [tilespmem:s5+$0x300];
	v1 =	vadd.f32 v21, v1;
	(pc) =	sbr.rel @p0 .LBB2_14-.Ltmp6, $4  }
0x239: {  	v12 =	vld.idx.msk [tilespmem:v18+s22+$0x0], $0xffff;
	v16 =	vmul.f32 v13, v13;
	v20 =	vsub.f32 v24, v20  }
0x23a: {  	v13 =	vld.idx.msk [tilespmem:v15+s22+$0x0], $0xffff;
	v18 =	vmul.f32 v29, v29;
	v21 =	vsub.f32 v27, v22  }
0x23b: {  	s2 =	sadd.s32 $0x1, s2;
	v15 =	vld.idx.msk [tilespmem:v17+s22+$0x0], $0xffff;
	v17 =	vmul.f32 v20, v20;
	v22 =	vsub.f32 v28, v23  }
0x23c: {  	s4 =	sadd.s32 $0x10, s4;
	s5 =	sand.u32 $0x7, s2;
	v19 =	vld.idx.msk [tilespmem:v19+s22+$0x0], $0xffff;
	v20 =	vmul.f32 v21, v21;
	v21 =	vsub.f32 v26, v25  }
0x23d: {  	_ =	sdelay $0x3  }
0x23e: {  	s2 =	sshll.u32 s5, $0x4;
	v9 =	vld.idx.msk [tilespmem:v9+s22+$0x0], $0xffff;
	s1 =	sadd.s32 $0x80, s1  }
0x23f: {  	v8 =	vld.idx.msk [tilespmem:v8+s22+$0x0], $0xffff;
	s2 =	sadd.s32 s2, s1  }
0x240: {  	s4 =	sand.u32 $0x70, s30;
	v10 =	vld.idx.msk [tilespmem:v10+s22+$0x0], $0xffff;
	s1 =	sand.u32 $0x3C00, s1;
	s2 =	sor.u32 $0x380, s2  }
0x241: {  	s1 =	sor.u32 s4, s1;
	v23 =	vld [tilespmem:s2+$0x8000]  }
0x242: {  	v24 =	vld [tilespmem:s1+$0x8000]  }
0x243: {  	v25 =	vld [tilespmem:s1+$0x8080]  }
0x244: {  	v26 =	vld [tilespmem:s1+$0x8100]  }
0x245: {  	v27 =	vld [tilespmem:s1+$0x8180]  }
0x246: {  	v28 =	vld [tilespmem:s2+$0x0]  }
0x247: {  	v29 =	vld [tilespmem:s1+$0x8200]  }
0x248: {  	v30 =	vld [tilespmem:s1+$0x8280]  }
0x249: {  	v32 =	vld [tilespmem:s1+$0x8300]  }
0x24a: {  	v33 =	vld [tilespmem:s1+$0x0]  }
0x24b: {  	v34 =	vld [tilespmem:s1+$0x80]  }
0x24c: {  	v35 =	vld [tilespmem:s1+$0x100]  }
0x24d: {  	v36 =	vld [tilespmem:s1+$0x180]  }
0x24e: {  	v37 =	vld [tilespmem:s1+$0x200]  }
0x24f: {  	v38 =	vld [tilespmem:s1+$0x280]  }
0x250: {  	v39 =	vld [tilespmem:s1+$0x300]  }
0x251: {  	v31 =	vld.idx.msk [tilespmem:v23+s22+$0x0], $0xffff  }
0x252: {  	v40 =	vld.idx.msk [tilespmem:v24+s22+$0x0], $0xffff  }
0x253: {  	v41 =	vld.idx.msk [tilespmem:v25+s22+$0x0], $0xffff  }
0x254: {  	v42 =	vld.idx.msk [tilespmem:v26+s22+$0x0], $0xffff  }
0x255: {  	v43 =	vld.idx.msk [tilespmem:v27+s22+$0x0], $0xffff  }
0x256: {  	v44 =	vld.idx.msk [tilespmem:v29+s22+$0x0], $0xffff  }
0x257: {  	v45 =	vld.idx.msk [tilespmem:v30+s22+$0x0], $0xffff  }
0x258: {  	v12 =	vmul.f32 v16, v12;
	v46 =	vld.idx.msk [tilespmem:v32+s22+$0x0], $0xffff;
	_ =	swait.ge [sflag:s29], $0x4000  }
0x259: {  	v11 =	vsub.f32 v14, v11;
	v13 =	vmul.f32 v18, v13;
	s1 =	simm.s32 $0x0;
	[sflag:s29] =	ssyncset.done $0x0  }
0x25a: {  	v14 =	vmul.f32 v17, v15;
	v7 =	vadd.f32 v12, v7;
	v12 =	vmul.f32 v22, v22;
	s4 =	sand.u32 $0x7, s1;
	[sflag:s29] =	ssyncadd.s32 $0xFFFFC000  }
0x25b: {  	v11 =	vmul.f32 v11, v11;
	v15 =	vmul.f32 v20, v19;
	v13 =	vadd.f32 v13, v6;
	s2 =	sshll.u32 s4, $0x4;
	_ =	swait.ge [sflag:s29], $0x4000  }
0x25c: {  	v6 =	vmul.f32 v21, v21;
	s5 =	sand.u32 $0x3C00, s1;
	v5 =	vadd.f32 v14, v5;
	v9 =	vmul.f32 v12, v9;
	s2 =	sadd.s32 $0x0, s2;
	[sflag:s29] =	ssyncset.done $0x0  }
0x25d: {  	v10 =	vmul.f32 v11, v10;
	s4 =	sand.u32 $0x70, s1;
	v4 =	vadd.f32 v15, v4;
	s6 =	sor.u32 $0x4380, s2;
	v16 =	vcvt.s32.f32 v23;
	[sflag:s29] =	ssyncadd.s32 $0xFFFFC000  }
0x25e: {  	v6 =	vmul.f32 v6, v8;
	s5 =	sor.u32 s4, s5;
	v2 =	vadd.f32 v9, v2;
	v8 =	vcvt.s32.f32 v24;
	v11 =	vld [tilespmem:s6+$0x8000]  }
0x25f: {  	v0 =	vadd.f32 v10, v0;
	v17 =	vcvt.s32.f32 v30;
	v12 =	vsub.f32 v28, v16;
	v14 =	vld [tilespmem:s5+$0xC000]  }
0x260: {  	v18 =	vcvt.s32.f32 v32;
	v8 =	vsub.f32 v33, v8;
	v16 =	vcvt.s32.f32 v29;
	v19 =	vld [tilespmem:s5+$0xC080]  }
0x261: {  	v9 =	vmul.f32 v12, v12;
	v12 =	vadd.f32 v6, v3;
	v3 =	vcvt.s32.f32 v25;
	v20 =	vld [tilespmem:s5+$0xC100]  }
0x262: {  	v17 =	vsub.f32 v38, v17;
	v6 =	vcvt.s32.f32 v26;
	v8 =	vmul.f32 v8, v8;
	v22 =	vld [tilespmem:s5+$0xC180]  }
0x263: {  	v16 =	vsub.f32 v37, v16;
	v3 =	vsub.f32 v34, v3;
	v15 =	vmul.f32 v9, v31;
	v21 =	vld [tilespmem:s6+$0x0]  }
0x264: {  	v6 =	vsub.f32 v35, v6;
	v9 =	vcvt.s32.f32 v27;
	v55 =	vmul.f32 v8, v40;
	v8 =	vld [tilespmem:s5+$0xC280]  }
0x265: {  	v18 =	vsub.f32 v39, v18;
	v17 =	vmul.f32 v17, v17;
	v3 =	vmul.f32 v3, v3;
	v10 =	vld [tilespmem:s5+$0xC300]  }
0x266: {  	v16 =	vmul.f32 v16, v16;
	v6 =	vmul.f32 v6, v6;
	v57 =	vld [tilespmem:s5+$0x4000];
	v9 =	vsub.f32 v36, v9  }
0x267: {  	v59 =	vld [tilespmem:s5+$0x4280];
	v3 =	vmul.f32 v3, v41;
	v15 =	vadd.f32 v15, v1;
	v1 =	vmul.f32 v18, v18  }
0x268: {  	v18 =	vmul.f32 v6, v42;
	v23 =	vmul.f32 v9, v9;
	v9 =	vld [tilespmem:s5+$0xC200]  }
0x269: {  	v16 =	vmul.f32 v16, v44;
	v6 =	vadd.f32 v55, v7;
	v7 =	vadd.f32 v3, v13;
	v13 =	vld [tilespmem:s5+$0x4080]  }
0x26a: {  	v17 =	vmul.f32 v17, v45;
	v5 =	vadd.f32 v18, v5;
	v56 =	vld.idx.msk [tilespmem:v11+s22+$0x0], $0xffff;
	v11 =	vcvt.s32.f32 v11  }
0x26b: {  	v3 =	vadd.f32 v16, v2;
	v2 =	vld [tilespmem:s5+$0x4100];
	v16 =	vmul.f32 v1, v46;
	v23 =	vmul.f32 v23, v43  }
0x26c: {  	v1 =	vadd.f32 v17, v12;
	v18 =	vcvt.s32.f32 v14;
	v11 =	vsub.f32 v21, v11;
	v21 =	vld [tilespmem:s5+$0x4180]  }
0x26d: {  	v12 =	vcvt.s32.f32 v19;
	v17 =	vcvt.s32.f32 v20;
	v4 =	vadd.f32 v23, v4;
	v23 =	vld [tilespmem:s5+$0x4200]  }
0x26e: {  	v0 =	vadd.f32 v16, v0;
	v58 =	vcvt.s32.f32 v22;
	v61 =	vcvt.s32.f32 v8  }
0x26f: {  	v16 =	vsub.f32 v57, v18;
	v18 =	vld [tilespmem:s5+$0x4300];
	v60 =	vcvt.s32.f32 v9;
	v11 =	vmul.f32 v11, v11  }
0x270: {  	v13 =	vsub.f32 v13, v12;
	v12 =	vld.idx.msk [tilespmem:v14+s22+$0x0], $0xffff;
	v14 =	vsub.f32 v2, v17;
	v17 =	vcvt.s32.f32 v10  }
0x271: {  	v16 =	vmul.f32 v16, v16;
	v62 =	vmul.f32 v11, v56;
	v11 =	vld.idx.msk [tilespmem:v19+s22+$0x0], $0xffff;
	v63 =	vsub.f32 v21, v58  }
0x272: {  	s2 =	simm.s32 $0x1;
	v14 =	vmul.f32 v14, v14;
	v19 =	vld.idx.msk [tilespmem:v22+s22+$0x0], $0xffff;
	v22 =	vsub.f32 v59, v61;
	v21 =	vsub.f32 v23, v60  }
0x273: {  	s30 =	simm.s32 $0x10;
	s4 =	simm.s32 $0x20;
	s5 =	sand.u32 $0x7, s2;
	v2 =	vadd.f32 v62, v15;
	v15 =	vmul.f32 v13, v13;
	v13 =	vld.idx.msk [tilespmem:v20+s22+$0x0], $0xffff;
	v20 =	vmul.f32 v63, v63  }
.LBB2_16:
0x274: {  	p0 =	sne.s32 s4, $0x7F0;
	s5 =	sshll.u32 s5, $0x4;
	v9 =	vld.idx.msk [tilespmem:v9+s22+$0x0], $0xffff;
	v21 =	vmul.f32 v21, v21;
	v17 =	vsub.f32 v18, v17;
	s1 =	sadd.s32 $0x80, s1  }
0x275: {  	s6 =	sadd.s32 s5, s1;
	s5 =	sand.u32 $0x70, s30;
	s30 =	sand.u32 $0x3C00, s1;
	v8 =	vld.idx.msk [tilespmem:v8+s22+$0x0], $0xffff;
	v18 =	vmul.f32 v22, v22  }
0x276: {  	v12 =	vmul.f32 v16, v12;
	s5 =	sor.u32 s5, s30;
	s6 =	sor.u32 $0x4380, s6;
	v10 =	vld.idx.msk [tilespmem:v10+s22+$0x0], $0xffff;
	v16 =	vmul.f32 v17, v17;
	s30 =	smov.u32 s4  }
0x277: {  	v11 =	vmul.f32 v15, v11;
	v17 =	vld [tilespmem:s6+$0x8000]  }
0x278: {  	v6 =	vadd.f32 v12, v6;
	v12 =	vmul.f32 v14, v13;
	v15 =	vld [tilespmem:s5+$0xC000]  }
0x279: {  	v7 =	vadd.f32 v11, v7;
	v11 =	vmul.f32 v20, v19;
	v13 =	vld [tilespmem:s5+$0xC080]  }
0x27a: {  	v5 =	vadd.f32 v12, v5;
	v9 =	vmul.f32 v21, v9;
	v14 =	vld [tilespmem:s5+$0xC100]  }
0x27b: {  	v4 =	vadd.f32 v11, v4;
	v8 =	vmul.f32 v18, v8;
	v19 =	vld [tilespmem:s5+$0xC180]  }
0x27c: {  	v3 =	vadd.f32 v9, v3;
	v10 =	vmul.f32 v16, v10;
	v11 =	vld [tilespmem:s6+$0x0]  }
0x27d: {  	v1 =	vadd.f32 v8, v1;
	v12 =	vcvt.s32.f32 v15;
	v9 =	vld [tilespmem:s5+$0xC200]  }
0x27e: {  	v0 =	vadd.f32 v10, v0;
	v16 =	vcvt.s32.f32 v13;
	v8 =	vld [tilespmem:s5+$0xC280]  }
0x27f: {  	v20 =	vcvt.s32.f32 v14;
	v18 =	vld.idx.msk [tilespmem:v17+s22+$0x0], $0xffff;
	v17 =	vcvt.s32.f32 v17  }
0x280: {  	v21 =	vcvt.s32.f32 v19;
	v10 =	vld [tilespmem:s5+$0xC300]  }
0x281: {  	v22 =	vld [tilespmem:s5+$0x4000];
	v11 =	vsub.f32 v11, v17  }
0x282: {  	v23 =	vld [tilespmem:s5+$0x4080];
	v24 =	vcvt.s32.f32 v9  }
0x283: {  	v25 =	vld [tilespmem:s5+$0x4100];
	v26 =	vcvt.s32.f32 v8;
	v11 =	vmul.f32 v11, v11  }
0x284: {  	v27 =	vld [tilespmem:s5+$0x4180]  }
0x285: {  	v28 =	vld [tilespmem:s5+$0x4200];
	v17 =	vcvt.s32.f32 v10;
	v11 =	vmul.f32 v11, v18  }
0x286: {  	v22 =	vsub.f32 v22, v12;
	v29 =	vld [tilespmem:s5+$0x4280]  }
.Ltmp7:
0x287: {  	v23 =	vsub.f32 v23, v16;
	v18 =	vld [tilespmem:s5+$0x4300];
	v2 =	vadd.f32 v11, v2;
	(pc) =	sbr.rel @p0 .LBB2_16-.Ltmp7, $4  }
0x288: {  	v12 =	vld.idx.msk [tilespmem:v15+s22+$0x0], $0xffff;
	v16 =	vmul.f32 v22, v22;
	v20 =	vsub.f32 v25, v20  }
0x289: {  	v11 =	vld.idx.msk [tilespmem:v13+s22+$0x0], $0xffff;
	v15 =	vmul.f32 v23, v23;
	v22 =	vsub.f32 v27, v21  }
0x28a: {  	s2 =	sadd.s32 $0x1, s2;
	v13 =	vld.idx.msk [tilespmem:v14+s22+$0x0], $0xffff;
	v14 =	vmul.f32 v20, v20;
	v21 =	vsub.f32 v28, v24  }
0x28b: {  	s4 =	sadd.s32 $0x10, s4;
	s5 =	sand.u32 $0x7, s2;
	v19 =	vld.idx.msk [tilespmem:v19+s22+$0x0], $0xffff;
	v20 =	vmul.f32 v22, v22;
	v22 =	vsub.f32 v29, v26  }
0x28c: {  	_ =	sdelay $0x3  }
0x28d: {  	s2 =	sshll.u32 s5, $0x4;
	v9 =	vld.idx.msk [tilespmem:v9+s22+$0x0], $0xffff;
	s1 =	sadd.s32 $0x80, s1  }
0x28e: {  	v8 =	vld.idx.msk [tilespmem:v8+s22+$0x0], $0xffff;
	s2 =	sadd.s32 s2, s1  }
0x28f: {  	s4 =	sand.u32 $0x70, s30;
	v10 =	vld.idx.msk [tilespmem:v10+s22+$0x0], $0xffff;
	s1 =	sand.u32 $0x3C00, s1;
	s2 =	sor.u32 $0x4380, s2  }
0x290: {  	s1 =	sor.u32 s4, s1;
	v23 =	vld [tilespmem:s2+$0x8000]  }
0x291: {  	v24 =	vld [tilespmem:s1+$0xC000]  }
0x292: {  	v25 =	vld [tilespmem:s1+$0xC080]  }
0x293: {  	v26 =	vld [tilespmem:s1+$0xC100]  }
0x294: {  	v27 =	vld [tilespmem:s1+$0xC180]  }
0x295: {  	v28 =	vld [tilespmem:s1+$0xC200]  }
0x296: {  	v29 =	vld [tilespmem:s1+$0xC280]  }
0x297: {  	v30 =	vld [tilespmem:s1+$0xC300]  }
0x298: {  	v62 =	vld [tilespmem:s1+$0x4000]  }
0x299: {  	v21 =	vmul.f32 v21, v21;
	v17 =	vsub.f32 v18, v17;
	v63 =	vld [tilespmem:s1+$0x4080]  }
0x29a: {  	v22 =	vmul.f32 v22, v22;
	v12 =	vmul.f32 v16, v12;
	v31 =	vld [tilespmem:s1+$0x4100]  }
0x29b: {  	v17 =	vmul.f32 v17, v17;
	v11 =	vmul.f32 v15, v11;
	v34 =	vld [tilespmem:s1+$0x4180]  }
0x29c: {  	v6 =	vadd.f32 v12, v6;
	v32 =	vmul.f32 v14, v13;
	v40 =	vld [tilespmem:s1+$0x4200];
	v33 =	vmul.f32 v20, v19  }
0x29d: {  	v7 =	vadd.f32 v11, v7;
	v35 =	vcvt.s32.f32 v24;
	v36 =	vcvt.s32.f32 v25;
	v37 =	vld.idx.msk [tilespmem:v24+s22+$0x0], $0xffff  }
0x29e: {  	v5 =	vadd.f32 v32, v5;
	v9 =	vmul.f32 v21, v9;
	v38 =	vcvt.s32.f32 v26;
	v39 =	vld.idx.msk [tilespmem:v25+s22+$0x0], $0xffff  }
0x29f: {  	v43 =	vld [tilespmem:s1+$0x4280];
	v8 =	vmul.f32 v22, v8;
	v11 =	vsub.f32 v62, v35;
	v16 =	vsub.f32 v63, v36  }
0x2a0: {  	v10 =	vmul.f32 v17, v10;
	v41 =	vcvt.s32.f32 v27;
	v12 =	vsub.f32 v31, v38;
	v42 =	vld.idx.msk [tilespmem:v26+s22+$0x0], $0xffff  }
0x2a1: {  	v46 =	vld [tilespmem:s1+$0x4300];
	v4 =	vadd.f32 v33, v4;
	v11 =	vmul.f32 v11, v11;
	v16 =	vmul.f32 v16, v16  }
0x2a2: {  	v44 =	vcvt.s32.f32 v28;
	v14 =	vsub.f32 v34, v41;
	v45 =	vld.idx.msk [tilespmem:v27+s22+$0x0], $0xffff;
	v12 =	vmul.f32 v12, v12  }
0x2a3: {  	v3 =	vadd.f32 v9, v3;
	v48 =	vld.idx.msk [tilespmem:v28+s22+$0x0], $0xffff;
	v11 =	vmul.f32 v11, v37;
	v16 =	vmul.f32 v16, v39  }
0x2a4: {  	v47 =	vcvt.s32.f32 v29;
	v18 =	vsub.f32 v40, v44;
	v14 =	vmul.f32 v14, v14  }
0x2a5: {  	v49 =	vld [tilespmem:s2+$0x0];
	v50 =	vmul.f32 v12, v42;
	v6 =	vadd.f32 v11, v6;
	v7 =	vadd.f32 v16, v7  }
0x2a6: {  	v51 =	vcvt.s32.f32 v30;
	v13 =	vsub.f32 v43, v47;
	v53 =	vld.idx.msk [tilespmem:v29+s22+$0x0], $0xffff;
	v52 =	vmul.f32 v18, v18  }
0x2a7: {  	v56 =	vld.idx.msk [tilespmem:v30+s22+$0x0], $0xffff;
	v14 =	vmul.f32 v14, v45;
	v5 =	vadd.f32 v50, v5;
	v6 =	vadd.f32 v7, v6  }
0x2a8: {  	v54 =	vcvt.s32.f32 v23;
	v9 =	vsub.f32 v46, v51;
	v57 =	vmul.f32 v52, v48  }
0x2a9: {  	v55 =	vmul.f32 v13, v13;
	v4 =	vadd.f32 v14, v4;
	v5 =	vadd.f32 v5, v6  }
0x2aa: {  	v1 =	vadd.f32 v8, v1;
	v58 =	vld.idx.msk [tilespmem:v23+s22+$0x0], $0xffff;
	v59 =	vmul.f32 v9, v9;
	v3 =	vadd.f32 v57, v3  }
0x2ab: {  	v60 =	vmul.f32 v55, v53;
	v7 =	vsub.f32 v49, v54;
	v4 =	vadd.f32 v4, v5  }
0x2ac: {  	v0 =	vadd.f32 v10, v0;
	v62 =	vmul.f32 v59, v56  }
0x2ad: {  	v1 =	vadd.f32 v60, v1;
	v61 =	vmul.f32 v7, v7;
	v3 =	vadd.f32 v3, v4;
	_ =	sdelay $0x1  }
0x2ae: {  	v0 =	vadd.f32 v62, v0;
	v63 =	vmul.f32 v61, v58;
	v1 =	vadd.f32 v1, v3;
	_ =	sdelay $0x1  }
0x2af: {  	v2 =	vadd.f32 v63, v2;
	v0 =	vadd.f32 v0, v1;
	_ =	sdelay $0x1  }
0x2b0: {  	s0 =	sadd.s32 $0x1, s0;
	v0 =	vadd.f32 v2, v0  }
0x2b1: {  	p0 =	sne.s32 s0, s21  }
.Ltmp8:
0x2b2: {  	s30 =	simm.s32 $0x10080;
	[tilespmem:$0x10080] =	vst v0;
	(pc) =	sbr.rel @p0 .LBB2_1-.Ltmp8, $4  }
0x2b3: {  	[hbm4b:s20+s3] =	stream.linear.scatter [tilespmem:s30], [sflag:$0x4], $0x80, $0x38;
	[tilespmem:$0x10100] =	vst v63  }
0x2b4: {  	_ =	swait.ge [sflag:s31], $0x80  }
0x2b5: {  	[sflag:s31] =	ssyncset.done $0x0  }
0x2b6: {  	[sflag:s31] =	ssyncadd.s32 $0xFFFFFF80  }
0x2b7: {  	_ =	sfence.sel $0x180000  }
0x2b8: {  	[bflag:$0x0] =	sbarrier.arrive $0xFFFF  }
0x2b9: {  	_ =	strace $0x90000047  }
0x2ba: {  	s0 =	stileid.u32;
	[bflag:$0x2] =	sbarrier.arrive $0xFFFF  }
0x2bb: {  	p0 =	sne.s32 s0, $0x0;
	s0 =	rddreg [dreg:$0x4]  }
0x2bc: {  	s0 =	sadd.s32 @!p0 $0x100000, s0  }
0x2bd: {  	[sflag:s0] =	ssyncadd.tile.s32 @!p0 $0x1;
	_ =	shalt  }
.Lfunc_end2:
_tile_overlayer_lowered:
.L_overlay_start_2:
0x2be: {  	(tag) =	ssettag $0x2  }
0x2bf: {  	s0 =	rddreg [dreg:$0x0];
	s2 =	stileid.u32  }
0x2c0: {  	s1 =	rddreg [dreg:$0x1];
	p0 =	sne.s32 s2, $0x0  }
0x2c1: {  	s3 =	rddreg [dreg:$0x2];
	[bflag:$0x3] =	sbarrier.arrive $0xFFFF;
	s2 =	simm.s32 @!p0 $0x1C04  }
0x2c2: {  	[timem:s3], [sflag:s2] =	dma.local @!p0 [hbm:s0], s1  }
0x2c3: {  	s0 =	simm.s32 @!p0 $0x4  }
0x2c4: {  	_ =	swait.ge @!p0 [sflag:s0], s1  }
0x2c5: {  	s1 =	ssub.s32 @!p0 $0x0, s1;
	[sflag:s0] =	ssyncset.done @!p0 $0x0  }
0x2c6: {  	[sflag:s0] =	ssyncadd.s32 @!p0 s1  }
0x2c7: {  	[bflag:$0x3] =	sbarrier.arrive $0xFFFF  }
0x2c8: {  	_ =	shalt  }

</sc_bundles>
